<compile_context>
chip_gen: v7x
topology: tpu7x:2x2x1
jax: 0.10.2.dev20260603
libtpu: 0.0.44.dev20260713+nightly
codegen_flags: <defaults>
</compile_context>

<pallas_src>
import jax
import jax.numpy as jnp
from jax import lax
from jax.experimental import pallas as pl
from jax.experimental.pallas import tpu as pltpu
from jax.experimental.pallas import tpu_sc as plsc

N = 10000
ND = 128
M = 480000
H = 64

R = 128
NCH = M // R
NW = 32
FPAD = 30720
EPAD = 10240

DB = 1000


def _dense_body(x_ref, w1_ref, b1_ref, w2_ref, b2_ref, w3t_ref, b3_ref,
                e_ref, g_ref):
    x = x_ref[...]
    w1 = w1_ref[...]
    w2 = w2_ref[...]
    w3t = w3t_ref[...]
    z1 = jnp.dot(x, w1, preferred_element_type=jnp.float32) + b1_ref[...]
    h1 = jnp.maximum(z1, 0.0)
    z2 = jnp.dot(h1, w2, preferred_element_type=jnp.float32) + b2_ref[...]
    h2 = jnp.maximum(z2, 0.0)
    h2r = h2.astype(jnp.bfloat16).astype(jnp.float32)
    w3b = jnp.broadcast_to(w3t, h2.shape
                           ).astype(jnp.bfloat16).astype(jnp.float32)
    e = jnp.sum(h2r * w3b, axis=1, keepdims=True) + b3_ref[0, 0]
    e_ref[...] = e
    g2 = jnp.where(z2 > 0, jnp.broadcast_to(w3t, z2.shape), 0.0)
    g1p = lax.dot_general(g2, w2, (((1,), (1,)), ((), ())),
                          preferred_element_type=jnp.float32)
    g1 = jnp.where(z1 > 0, g1p, 0.0)
    g_ref[...] = lax.dot_general(g1, w1, (((1,), (1,)), ((), ())),
                                 preferred_element_type=jnp.float32)


def _dense(x, W1, b1, W2, b2, W3, b3):
    w3t = W3.reshape(1, H)
    b1r = b1.reshape(1, H)
    b2r = b2.reshape(1, H)
    b3r = b3.reshape(1, 1)
    grid = N // DB
    full = lambda shape: pl.BlockSpec(shape, lambda i: (0, 0))
    return pl.pallas_call(
        _dense_body,
        grid=(grid,),
        in_specs=[
            pl.BlockSpec((DB, ND), lambda i: (i, 0)),
            full((ND, H)), full((1, H)),
            full((H, H)), full((1, H)),
            full((1, H)), full((1, 1)),
        ],
        out_specs=[
            pl.BlockSpec((DB, 1), lambda i: (i, 0)),
            pl.BlockSpec((DB, ND), lambda i: (i, 0)),
        ],
        out_shape=[
            jax.ShapeDtypeStruct((N, 1), jnp.float32),
            jax.ShapeDtypeStruct((N, ND), jnp.float32),
        ],
    )(x, W1, b1r, W2, b2r, w3t, b3r)


BLK = 24
IDXPAD = BLK * R


def _sc_body(xd_hbm, c0_hbm, uj_hbm, c2_hbm, ded_hbm, pae_hbm, idx_hbm,
             fpart_hbm, eout_hbm,
             xdv, dedv, c0b, ujb, c2b, facc, eacc, ebuf, ibuf,
             sem_a, sem_b, sem_i):
    nc = 2
    wid = lax.axis_index("s") * nc + lax.axis_index("c")
    lanes = lax.iota(jnp.int32, 16)

    def zf(i, _):
        for u in range(8):
            facc[pl.ds(i * 128 + u * 16, 16)] = jnp.zeros((16,), jnp.float32)
        return 0
    lax.fori_loop(0, FPAD // 128, zf, 0)

    @pl.when(wid == 0)
    def _energy():
        def ze(i, _):
            for u in range(8):
                eacc[pl.ds(i * 128 + u * 16, 16)] = jnp.zeros((16,),
                                                              jnp.float32)
            return 0
        lax.fori_loop(0, EPAD // 128, ze, 0)

        def echunk(c, _):
            pltpu.sync_copy(pae_hbm.at[pl.ds(c * 2000, 2000)],
                            ebuf.at[pl.ds(0, 2000)])
            pltpu.sync_copy(idx_hbm.at[pl.ds(c * 2000, 2000)],
                            ibuf.at[pl.ds(0, 2000)])

            def ebody(i, _):
                ev = ebuf[pl.ds(i * 16, 16)]
                iv = ibuf[pl.ds(i * 16, 16)]
                plsc.addupdate_scatter(eacc, [iv], ev)
                return 0
            lax.fori_loop(0, 125, ebody, 0)
            return 0
        lax.fori_loop(0, 5, echunk, 0)
        pltpu.sync_copy(eacc.at[pl.ds(0, N)], eout_hbm)

    n_i = jnp.where(wid == 0, 110, 117 + jnp.where(wid < 14, 1, 0))
    start = jnp.where(wid == 0, 0,
                      110 + (wid - 1) * 117 + jnp.minimum(wid - 1, 13))
    n_b = (n_i + BLK - 1) // BLK

    offs = [(lanes + t) & 15 for t in range(16)]
    zero16 = jnp.zeros((16,), jnp.float32)

    def _idx_descs(b, bp, sem):
        base = jnp.minimum((start + b * BLK) * R, M - IDXPAD)
        vb = bp * IDXPAD
        return (
            pltpu.make_async_copy(c0_hbm.at[pl.ds(base, IDXPAD)],
                                  c0b.at[pl.ds(vb, IDXPAD)], sem),
            pltpu.make_async_copy(uj_hbm.at[pl.ds(base, IDXPAD)],
                                  ujb.at[pl.ds(vb, IDXPAD)], sem),
            pltpu.make_async_copy(c2_hbm.at[pl.ds(base, IDXPAD)],
                                  c2b.at[pl.ds(vb, IDXPAD)], sem),
        )

    def _xd_desc(base_rows, k, p, sem):
        return pltpu.make_async_copy(
            xd_hbm.at[pl.ds(base_rows + k * R, R)],
            xdv.at[pl.ds(p * R, R)], sem)

    def _g_desc2(soff, p, sem):
        return pltpu.make_async_copy(
            ded_hbm.at[c0b.at[pl.ds(soff, R)]],
            dedv.at[pl.ds(p * R, R)], sem)

    for d in _idx_descs(0, 0, sem_a):
        d.start()
        d.wait()

    @pl.when(n_b > 1)
    def _():
        for d in _idx_descs(1, 1, sem_i):
            d.start()

    def _soff(k):
        b = k // BLK
        base_rows = (start + b * BLK) * R
        koff = base_rows - jnp.minimum(base_rows, M - IDXPAD)
        return b, (b % 2) * IDXPAD + koff + (k - b * BLK) * R

    def issue(k, p, sem):
        b, soff = _soff(k)

        @pl.when((k > 0) & (k % BLK == 0))
        def _():
            for d in _idx_descs(b, b % 2, sem_i):
                d.wait()
        _xd_desc((start + k) * R, 0, p, sem).start()
        _g_desc2(soff, p, sem).start()

    def wait(k, p, sem):
        _, soff = _soff(k)
        _xd_desc((start + k) * R, 0, p, sem).wait()
        _g_desc2(soff, p, sem).wait()

    def maybe_prefetch(k):
        @pl.when(((k + 1) % BLK == 0) & ((k + 1) // BLK + 1 < n_b))
        def _():
            bb = (k + 1) // BLK + 1
            for d in _idx_descs(bb, bb % 2, sem_i):
                d.start()

    def compute(k, p):
        _, soff = _soff(k)

        def rows16(r16, _):
            row = p * R + r16 * 16 + lanes

            def dcol(j, accs):
                a0, a1, a2, a3 = accs
                dvec = jnp.full((16,), j * 16, jnp.int32)
                for t in range(16):
                    col = offs[t] + dvec
                    a = plsc.load_gather(xdv, [row, col])
                    bb = plsc.load_gather(dedv, [row, col])
                    if t % 4 == 0:
                        a0 = a0 + a * bb
                    elif t % 4 == 1:
                        a1 = a1 + a * bb
                    elif t % 4 == 2:
                        a2 = a2 + a * bb
                    else:
                        a3 = a3 + a * bb
                return (a0, a1, a2, a3)
            a0, a1, a2, a3 = lax.fori_loop(
                0, ND // 16, dcol, (zero16, zero16, zero16, zero16))
            acc = (a0 + a1) + (a2 + a3)
            off = soff + r16 * 16
            tgt = ujb[pl.ds(off, 16)] * 3 + c2b[pl.ds(off, 16)]
            plsc.addupdate_scatter(facc, [tgt], acc)
            return 0
        lax.fori_loop(0, R // 16, rows16, 0)

    issue(0, 0, sem_a)

    def pair_body(kk, _):
        k0 = kk * 2
        k1 = k0 + 1

        @pl.when(k1 < n_i)
        def _():
            issue(k1, 1, sem_b)
        wait(k0, 0, sem_a)
        compute(k0, 0)
        maybe_prefetch(k0)

        @pl.when(k0 + 2 < n_i)
        def _():
            issue(k0 + 2, 0, sem_a)

        @pl.when(k1 < n_i)
        def _():
            wait(k1, 1, sem_b)
            compute(k1, 1)
            maybe_prefetch(k1)
        return 0
    lax.fori_loop(0, (n_i + 1) // 2, pair_body, 0)

    pltpu.sync_copy(facc, fpart_hbm.at[wid])


def _sc_edge(xd, c0, uj, c2, dEdD, pae, indices):
    mesh = plsc.VectorSubcoreMesh(core_axis_name="c", subcore_axis_name="s",
                                  num_cores=2, num_subcores=16)
    kfn = pl.kernel(
        _sc_body,
        out_type=[
            jax.ShapeDtypeStruct((NW, FPAD), jnp.float32),
            jax.ShapeDtypeStruct((N,), jnp.float32),
        ],
        mesh=mesh,
        compiler_params=pltpu.CompilerParams(needs_layout_passes=False),
        scratch_types=[
            pltpu.VMEM((2 * R, ND), jnp.float32),
            pltpu.VMEM((2 * R, ND), jnp.float32),
            pltpu.VMEM((2 * IDXPAD,), jnp.int32),
            pltpu.VMEM((2 * IDXPAD,), jnp.int32),
            pltpu.VMEM((2 * IDXPAD,), jnp.int32),
            pltpu.VMEM((FPAD,), jnp.float32),
            pltpu.VMEM((EPAD,), jnp.float32),
            pltpu.VMEM((2048,), jnp.float32),
            pltpu.VMEM((2048,), jnp.int32),
            pltpu.SemaphoreType.DMA,
            pltpu.SemaphoreType.DMA,
            pltpu.SemaphoreType.DMA,
        ],
    )
    return kfn(xd, c0, uj, c2, dEdD, pae, indices)


def _combine_body(p_ref, o_ref):
    o_ref[...] = jnp.sum(p_ref[...], axis=0)


def _combine(fpart):
    blk = 3072
    grid = FPAD // blk
    return pl.pallas_call(
        _combine_body,
        grid=(grid,),
        in_specs=[pl.BlockSpec((NW, blk), lambda i: (0, i))],
        out_specs=pl.BlockSpec((blk,), lambda i: (i,)),
        out_shape=jax.ShapeDtypeStruct((FPAD,), jnp.float32),
    )(fpart)


def kernel(x, xd, indices, atoms_per_structure, xd_indx, unique_j,
           W1, b1, W2, b2, W3, b3):
    e, dEdD = _dense(x, W1, b1, W2, b2, W3, b3)
    pae = e.reshape(N)
    c0 = xd_indx[:, 0]
    c2 = xd_indx[:, 2]
    fpart, energy = _sc_edge(xd, c0, unique_j, c2, dEdD, pae, indices)
    forces = _combine(fpart)[:3 * N]
    return (energy, forces)

# --- scband reference (transcript-rebuilt; emitter-appended) ---
"""Pipeline reference for scband-fit-torch-87857851007474 (READ-ONLY COPY).

The authoritative reference and input builder live on the scoring server;
editing this copy changes nothing except your own understanding.
"""

import jax, jax.numpy as jnp
import numpy as np

N = 10000   # atoms (also n_structures; atoms_per_structure is all-ones)
ND = 128    # descriptor length
M = 480000  # derivative rows (atoms * neighbors * 3 coords)
H = 64      # hidden width


def setup_inputs(seed: int = 0) -> dict:
    key = jax.random.key(seed)
    ks = jax.random.split(key, 12)
    x = jax.random.normal(ks[0], (N, ND), dtype=jnp.float32)
    xd = jax.random.normal(ks[1], (M, ND), dtype=jnp.float32)
    indices = jax.random.randint(ks[2], (N,), 0, N, dtype=jnp.int32)
    atoms_per_structure = jnp.ones((N,), dtype=jnp.int32)
    c0 = jax.random.randint(ks[3], (M,), 0, N, dtype=jnp.int32)  # neighbor atom index
    c1 = jax.random.randint(ks[4], (M,), 0, N, dtype=jnp.int32)  # center atom index (unused by fwd math)
    c2 = jax.random.randint(ks[5], (M,), 0, 3, dtype=jnp.int32)  # coordinate x/y/z
    xd_indx = jnp.stack([c0, c1, c2], axis=1)
    unique_j = jax.random.randint(ks[6], (M,), 0, N, dtype=jnp.int32)
    W1 = jax.random.normal(ks[7], (ND, H), dtype=jnp.float32) * 0.05
    b1 = jnp.zeros((H,), dtype=jnp.float32)
    W2 = jax.random.normal(ks[8], (H, H), dtype=jnp.float32) * 0.05
    b2 = jnp.zeros((H,), dtype=jnp.float32)
    W3 = jax.random.normal(ks[9], (H, 1), dtype=jnp.float32) * 0.05
    b3 = jnp.zeros((1,), dtype=jnp.float32)
    return {"x": x, "xd": xd, "indices": indices,
            "atoms_per_structure": atoms_per_structure,
            "xd_indx": xd_indx, "unique_j": unique_j,
            "W1": W1, "b1": b1, "W2": W2, "b2": b2, "W3": W3, "b3": b3}


def reference(x, xd, indices, atoms_per_structure, xd_indx, unique_j,
              W1, b1, W2, b2, W3, b3):
    def net(x_):
        h = jax.nn.relu(x_ @ W1 + b1)
        h = jax.nn.relu(h @ W2 + b2)
        return h @ W3 + b3  # [N, 1]

    n_struct = atoms_per_structure.shape[0]
    per_atom_e = net(x)[:, 0]
    predicted_energy_total = jnp.zeros((n_struct,), dtype=jnp.float32).at[indices].add(per_atom_e)

    nd = x.shape[1]
    natoms = atoms_per_structure.shape[0]

    xb = xd_indx[:, 2] == 0
    yb = xd_indx[:, 2] == 1
    zb = xd_indx[:, 2] == 2
    neigh = xd_indx[:, 0]

    # dE/dD via vjp with ones cotangent (matches torch.autograd.grad with ones grad_outputs)
    _, vjp_fn = jax.vjp(net, x)
    dEdD = vjp_fn(jnp.ones((x.shape[0], 1), dtype=jnp.float32))[0]

    ew = xd * dEdD[neigh, :]
    ew_x = jnp.where(xb[:, None], ew, jnp.float32(0))
    ew_y = jnp.where(yb[:, None], ew, jnp.float32(0))
    ew_z = jnp.where(zb[:, None], ew, jnp.float32(0))

    fx = jnp.zeros((natoms, nd), dtype=jnp.float32).at[unique_j].add(ew_x)
    fy = jnp.zeros((natoms, nd), dtype=jnp.float32).at[unique_j].add(ew_y)
    fz = jnp.zeros((natoms, nd), dtype=jnp.float32).at[unique_j].add(ew_z)

    pfx = fx.sum(axis=1).reshape(natoms, 1)
    pfy = fy.sum(axis=1).reshape(natoms, 1)
    pfz = fz.sum(axis=1).reshape(natoms, 1)
    predicted_forces = jnp.concatenate([pfx, pfy, pfz], axis=1).reshape(-1).astype(jnp.float32)
    return (predicted_energy_total, predicted_forces)

if __name__ == "__main__":
    import jax
    _d = setup_inputs()
    print(jax.jit(kernel)(*tuple(_d.values())))

</pallas_src>

<mosaic_0001>
#map = affine_map<(d0, d1) -> (0, 0)>
#map1 = affine_map<(d0, d1) -> (0)>
module attributes {stable_mosaic.version = 14 : i64} {
  func.func @_sc_body(%arg0: i32, %arg1: i32, %arg2: memref<480000x128xf32, #tpu.memory_space<hbm>>, %arg3: memref<480000xi32, #tpu.memory_space<hbm>>, %arg4: memref<480000xi32, #tpu.memory_space<hbm>>, %arg5: memref<480000xi32, #tpu.memory_space<hbm>>, %arg6: memref<10000x128xf32, #tpu.memory_space<hbm>>, %arg7: memref<10000xf32, #tpu.memory_space<hbm>>, %arg8: memref<10000xi32, #tpu.memory_space<hbm>>, %arg9: memref<32x30720xf32, #tpu.memory_space<hbm>>, %arg10: memref<10000xf32, #tpu.memory_space<hbm>>, %arg11: memref<256x128xf32, #tpu.memory_space<vmem>>, %arg12: memref<256x128xf32, #tpu.memory_space<vmem>>, %arg13: memref<6144xi32, #tpu.memory_space<vmem>>, %arg14: memref<6144xi32, #tpu.memory_space<vmem>>, %arg15: memref<6144xi32, #tpu.memory_space<vmem>>, %arg16: memref<30720xf32, #tpu.memory_space<vmem>>, %arg17: memref<10240xf32, #tpu.memory_space<vmem>>, %arg18: memref<2048xf32, #tpu.memory_space<vmem>>, %arg19: memref<2048xi32, #tpu.memory_space<vmem>>, %arg20: memref<!tpu.dma_semaphore, #tpu.memory_space<semaphore_mem>>, %arg21: memref<!tpu.dma_semaphore, #tpu.memory_space<semaphore_mem>>, %arg22: memref<!tpu.dma_semaphore, #tpu.memory_space<semaphore_mem>>) attributes {dimension_semantics = [#tpu.dimension_semantics<core_parallel>, #tpu.dimension_semantics<subcore_parallel>], iteration_bounds = array<i64: 2, 16>, scalar_prefetch = 0 : i64, scratch_operands = 12 : i64, tpu.core_type = #tpu.core_type<sc_vector_subcore>, window_params = [{transform_indices = #map}, {transform_indices = #map1}, {transform_indices = #map1}, {transform_indices = #map1}, {transform_indices = #map}, {transform_indices = #map1}, {transform_indices = #map1}, {transform_indices = #map}, {transform_indices = #map1}]} {
    %mul3A = arith.constant 2 : i32
    %mul3A_0 = arith.muli %arg1, %mul3A : i32
    %add3A = arith.addi %mul3A_0, %arg0 : i32
    %iota3A = tpu.iota {dimensions = array<i32: 0>} : vector<16xi32>
    %scan3A = arith.constant 0 : i32
    %scan3A_1 = arith.constant 0 : i32
    %scan3A_2 = arith.constant 240 : i32
    %scan3A_3 = arith.addi %scan3A_1, %scan3A_2 : i32
    %scan3A_4 = arith.constant 1 : i32
    %scan3A_5 = scf.for %scan3A_265 = %scan3A_1 to %scan3A_3 step %scan3A_4 iter_args(%scan3A_266 = %scan3A) -> (i32)  : i32 {
      %broadcast_in_dim3A_267 = arith.constant 0.000000e+00 : f32
      %broadcast_in_dim3A_268 = vector.broadcast %broadcast_in_dim3A_267 : f32 to vector<16xf32>
      %mul3A_269 = arith.constant 128 : i32
      %mul3A_270 = arith.muli %scan3A_265, %mul3A_269 : i32
      %add3A_271 = arith.constant 0 : i32
      %add3A_272 = arith.addi %mul3A_270, %add3A_271 : i32
      %swap3A = arith.index_cast %add3A_272 : i32 to index
      %swap3A_273 = tpu.vector_load %arg16[%swap3A] {strides = array<i32>} : memref<30720xf32, #tpu.memory_space<vmem>>, vector<16xf32>,
      tpu.vector_store %arg16[%swap3A], %broadcast_in_dim3A_268 {strides = array<i32>} : memref<30720xf32, #tpu.memory_space<vmem>>, vector<16xf32>,
      %broadcast_in_dim3A_274 = arith.constant 0.000000e+00 : f32
      %broadcast_in_dim3A_275 = vector.broadcast %broadcast_in_dim3A_274 : f32 to vector<16xf32>
      %mul3A_276 = arith.constant 128 : i32
      %mul3A_277 = arith.muli %scan3A_265, %mul3A_276 : i32
      %add3A_278 = arith.constant 16 : i32
      %add3A_279 = arith.addi %mul3A_277, %add3A_278 : i32
      %swap3A_280 = arith.index_cast %add3A_279 : i32 to index
      %swap3A_281 = tpu.vector_load %arg16[%swap3A_280] {strides = array<i32>} : memref<30720xf32, #tpu.memory_space<vmem>>, vector<16xf32>,
      tpu.vector_store %arg16[%swap3A_280], %broadcast_in_dim3A_275 {strides = array<i32>} : memref<30720xf32, #tpu.memory_space<vmem>>, vector<16xf32>,
      %broadcast_in_dim3A_282 = arith.constant 0.000000e+00 : f32
      %broadcast_in_dim3A_283 = vector.broadcast %broadcast_in_dim3A_282 : f32 to vector<16xf32>
      %mul3A_284 = arith.constant 128 : i32
      %mul3A_285 = arith.muli %scan3A_265, %mul3A_284 : i32
      %add3A_286 = arith.constant 32 : i32
      %add3A_287 = arith.addi %mul3A_285, %add3A_286 : i32
      %swap3A_288 = arith.index_cast %add3A_287 : i32 to index
      %swap3A_289 = tpu.vector_load %arg16[%swap3A_288] {strides = array<i32>} : memref<30720xf32, #tpu.memory_space<vmem>>, vector<16xf32>,
      tpu.vector_store %arg16[%swap3A_288], %broadcast_in_dim3A_283 {strides = array<i32>} : memref<30720xf32, #tpu.memory_space<vmem>>, vector<16xf32>,
      %broadcast_in_dim3A_290 = arith.constant 0.000000e+00 : f32
      %broadcast_in_dim3A_291 = vector.broadcast %broadcast_in_dim3A_290 : f32 to vector<16xf32>
      %mul3A_292 = arith.constant 128 : i32
      %mul3A_293 = arith.muli %scan3A_265, %mul3A_292 : i32
      %add3A_294 = arith.constant 48 : i32
      %add3A_295 = arith.addi %mul3A_293, %add3A_294 : i32
      %swap3A_296 = arith.index_cast %add3A_295 : i32 to index
      %swap3A_297 = tpu.vector_load %arg16[%swap3A_296] {strides = array<i32>} : memref<30720xf32, #tpu.memory_space<vmem>>, vector<16xf32>,
      tpu.vector_store %arg16[%swap3A_296], %broadcast_in_dim3A_291 {strides = array<i32>} : memref<30720xf32, #tpu.memory_space<vmem>>, vector<16xf32>,
      %broadcast_in_dim3A_298 = arith.constant 0.000000e+00 : f32
      %broadcast_in_dim3A_299 = vector.broadcast %broadcast_in_dim3A_298 : f32 to vector<16xf32>
      %mul3A_300 = arith.constant 128 : i32
      %mul3A_301 = arith.muli %scan3A_265, %mul3A_300 : i32
      %add3A_302 = arith.constant 64 : i32
      %add3A_303 = arith.addi %mul3A_301, %add3A_302 : i32
      %swap3A_304 = arith.index_cast %add3A_303 : i32 to index
      %swap3A_305 = tpu.vector_load %arg16[%swap3A_304] {strides = array<i32>} : memref<30720xf32, #tpu.memory_space<vmem>>, vector<16xf32>,
      tpu.vector_store %arg16[%swap3A_304], %broadcast_in_dim3A_299 {strides = array<i32>} : memref<30720xf32, #tpu.memory_space<vmem>>, vector<16xf32>,
      %broadcast_in_dim3A_306 = arith.constant 0.000000e+00 : f32
      %broadcast_in_dim3A_307 = vector.broadcast %broadcast_in_dim3A_306 : f32 to vector<16xf32>
      %mul3A_308 = arith.constant 128 : i32
      %mul3A_309 = arith.muli %scan3A_265, %mul3A_308 : i32
      %add3A_310 = arith.constant 80 : i32
      %add3A_311 = arith.addi %mul3A_309, %add3A_310 : i32
      %swap3A_312 = arith.index_cast %add3A_311 : i32 to index
      %swap3A_313 = tpu.vector_load %arg16[%swap3A_312] {strides = array<i32>} : memref<30720xf32, #tpu.memory_space<vmem>>, vector<16xf32>,
      tpu.vector_store %arg16[%swap3A_312], %broadcast_in_dim3A_307 {strides = array<i32>} : memref<30720xf32, #tpu.memory_space<vmem>>, vector<16xf32>,
      %broadcast_in_dim3A_314 = arith.constant 0.000000e+00 : f32
      %broadcast_in_dim3A_315 = vector.broadcast %broadcast_in_dim3A_314 : f32 to vector<16xf32>
      %mul3A_316 = arith.constant 128 : i32
      %mul3A_317 = arith.muli %scan3A_265, %mul3A_316 : i32
      %add3A_318 = arith.constant 96 : i32
      %add3A_319 = arith.addi %mul3A_317, %add3A_318 : i32
      %swap3A_320 = arith.index_cast %add3A_319 : i32 to index
      %swap3A_321 = tpu.vector_load %arg16[%swap3A_320] {strides = array<i32>} : memref<30720xf32, #tpu.memory_space<vmem>>, vector<16xf32>,
      tpu.vector_store %arg16[%swap3A_320], %broadcast_in_dim3A_315 {strides = array<i32>} : memref<30720xf32, #tpu.memory_space<vmem>>, vector<16xf32>,
      %broadcast_in_dim3A_322 = arith.constant 0.000000e+00 : f32
      %broadcast_in_dim3A_323 = vector.broadcast %broadcast_in_dim3A_322 : f32 to vector<16xf32>
      %mul3A_324 = arith.constant 128 : i32
      %mul3A_325 = arith.muli %scan3A_265, %mul3A_324 : i32
      %add3A_326 = arith.constant 112 : i32
      %add3A_327 = arith.addi %mul3A_325, %add3A_326 : i32
      %swap3A_328 = arith.index_cast %add3A_327 : i32 to index
      %swap3A_329 = tpu.vector_load %arg16[%swap3A_328] {strides = array<i32>} : memref<30720xf32, #tpu.memory_space<vmem>>, vector<16xf32>,
      tpu.vector_store %arg16[%swap3A_328], %broadcast_in_dim3A_323 {strides = array<i32>} : memref<30720xf32, #tpu.memory_space<vmem>>, vector<16xf32>,
      %scan3A_330 = arith.constant 0 : i32
      scf.yield %scan3A_330 : i32
    }
    %scan3A_6 = arith.constant 240 : i32
    %eq3A = arith.constant 0 : i32
    %eq3A_7 = arith.cmpi eq, %add3A, %eq3A : i32
    %convert_element_type3A = arith.extui %eq3A_7 : i1 to i32
    %cond3A = arith.constant 0 : i32
    %cond3A_8 = arith.cmpi ne, %convert_element_type3A, %cond3A : i32
    scf.if %cond3A_8 {
      %scan3A_265 = arith.constant 0 : i32
      %scan3A_266 = arith.constant 0 : i32
      %scan3A_267 = arith.constant 80 : i32
      %scan3A_268 = arith.addi %scan3A_266, %scan3A_267 : i32
      %scan3A_269 = arith.constant 1 : i32
      %scan3A_270 = scf.for %scan3A_279 = %scan3A_266 to %scan3A_268 step %scan3A_269 iter_args(%scan3A_280 = %scan3A_265) -> (i32)  : i32 {
        %broadcast_in_dim3A_281 = arith.constant 0.000000e+00 : f32
        %broadcast_in_dim3A_282 = vector.broadcast %broadcast_in_dim3A_281 : f32 to vector<16xf32>
        %mul3A_283 = arith.constant 128 : i32
        %mul3A_284 = arith.muli %scan3A_279, %mul3A_283 : i32
        %add3A_285 = arith.constant 0 : i32
        %add3A_286 = arith.addi %mul3A_284, %add3A_285 : i32
        %swap3A = arith.index_cast %add3A_286 : i32 to index
        %swap3A_287 = tpu.vector_load %arg17[%swap3A] {strides = array<i32>} : memref<10240xf32, #tpu.memory_space<vmem>>, vector<16xf32>,
        tpu.vector_store %arg17[%swap3A], %broadcast_in_dim3A_282 {strides = array<i32>} : memref<10240xf32, #tpu.memory_space<vmem>>, vector<16xf32>,
        %broadcast_in_dim3A_288 = arith.constant 0.000000e+00 : f32
        %broadcast_in_dim3A_289 = vector.broadcast %broadcast_in_dim3A_288 : f32 to vector<16xf32>
        %mul3A_290 = arith.constant 128 : i32
        %mul3A_291 = arith.muli %scan3A_279, %mul3A_290 : i32
        %add3A_292 = arith.constant 16 : i32
        %add3A_293 = arith.addi %mul3A_291, %add3A_292 : i32
        %swap3A_294 = arith.index_cast %add3A_293 : i32 to index
        %swap3A_295 = tpu.vector_load %arg17[%swap3A_294] {strides = array<i32>} : memref<10240xf32, #tpu.memory_space<vmem>>, vector<16xf32>,
        tpu.vector_store %arg17[%swap3A_294], %broadcast_in_dim3A_289 {strides = array<i32>} : memref<10240xf32, #tpu.memory_space<vmem>>, vector<16xf32>,
        %broadcast_in_dim3A_296 = arith.constant 0.000000e+00 : f32
        %broadcast_in_dim3A_297 = vector.broadcast %broadcast_in_dim3A_296 : f32 to vector<16xf32>
        %mul3A_298 = arith.constant 128 : i32
        %mul3A_299 = arith.muli %scan3A_279, %mul3A_298 : i32
        %add3A_300 = arith.constant 32 : i32
        %add3A_301 = arith.addi %mul3A_299, %add3A_300 : i32
        %swap3A_302 = arith.index_cast %add3A_301 : i32 to index
        %swap3A_303 = tpu.vector_load %arg17[%swap3A_302] {strides = array<i32>} : memref<10240xf32, #tpu.memory_space<vmem>>, vector<16xf32>,
        tpu.vector_store %arg17[%swap3A_302], %broadcast_in_dim3A_297 {strides = array<i32>} : memref<10240xf32, #tpu.memory_space<vmem>>, vector<16xf32>,
        %broadcast_in_dim3A_304 = arith.constant 0.000000e+00 : f32
        %broadcast_in_dim3A_305 = vector.broadcast %broadcast_in_dim3A_304 : f32 to vector<16xf32>
        %mul3A_306 = arith.constant 128 : i32
        %mul3A_307 = arith.muli %scan3A_279, %mul3A_306 : i32
        %add3A_308 = arith.constant 48 : i32
        %add3A_309 = arith.addi %mul3A_307, %add3A_308 : i32
        %swap3A_310 = arith.index_cast %add3A_309 : i32 to index
        %swap3A_311 = tpu.vector_load %arg17[%swap3A_310] {strides = array<i32>} : memref<10240xf32, #tpu.memory_space<vmem>>, vector<16xf32>,
        tpu.vector_store %arg17[%swap3A_310], %broadcast_in_dim3A_305 {strides = array<i32>} : memref<10240xf32, #tpu.memory_space<vmem>>, vector<16xf32>,
        %broadcast_in_dim3A_312 = arith.constant 0.000000e+00 : f32
        %broadcast_in_dim3A_313 = vector.broadcast %broadcast_in_dim3A_312 : f32 to vector<16xf32>
        %mul3A_314 = arith.constant 128 : i32
        %mul3A_315 = arith.muli %scan3A_279, %mul3A_314 : i32
        %add3A_316 = arith.constant 64 : i32
        %add3A_317 = arith.addi %mul3A_315, %add3A_316 : i32
        %swap3A_318 = arith.index_cast %add3A_317 : i32 to index
        %swap3A_319 = tpu.vector_load %arg17[%swap3A_318] {strides = array<i32>} : memref<10240xf32, #tpu.memory_space<vmem>>, vector<16xf32>,
        tpu.vector_store %arg17[%swap3A_318], %broadcast_in_dim3A_313 {strides = array<i32>} : memref<10240xf32, #tpu.memory_space<vmem>>, vector<16xf32>,
        %broadcast_in_dim3A_320 = arith.constant 0.000000e+00 : f32
        %broadcast_in_dim3A_321 = vector.broadcast %broadcast_in_dim3A_320 : f32 to vector<16xf32>
        %mul3A_322 = arith.constant 128 : i32
        %mul3A_323 = arith.muli %scan3A_279, %mul3A_322 : i32
        %add3A_324 = arith.constant 80 : i32
        %add3A_325 = arith.addi %mul3A_323, %add3A_324 : i32
        %swap3A_326 = arith.index_cast %add3A_325 : i32 to index
        %swap3A_327 = tpu.vector_load %arg17[%swap3A_326] {strides = array<i32>} : memref<10240xf32, #tpu.memory_space<vmem>>, vector<16xf32>,
        tpu.vector_store %arg17[%swap3A_326], %broadcast_in_dim3A_321 {strides = array<i32>} : memref<10240xf32, #tpu.memory_space<vmem>>, vector<16xf32>,
        %broadcast_in_dim3A_328 = arith.constant 0.000000e+00 : f32
        %broadcast_in_dim3A_329 = vector.broadcast %broadcast_in_dim3A_328 : f32 to vector<16xf32>
        %mul3A_330 = arith.constant 128 : i32
        %mul3A_331 = arith.muli %scan3A_279, %mul3A_330 : i32
        %add3A_332 = arith.constant 96 : i32
        %add3A_333 = arith.addi %mul3A_331, %add3A_332 : i32
        %swap3A_334 = arith.index_cast %add3A_333 : i32 to index
        %swap3A_335 = tpu.vector_load %arg17[%swap3A_334] {strides = array<i32>} : memref<10240xf32, #tpu.memory_space<vmem>>, vector<16xf32>,
        tpu.vector_store %arg17[%swap3A_334], %broadcast_in_dim3A_329 {strides = array<i32>} : memref<10240xf32, #tpu.memory_space<vmem>>, vector<16xf32>,
        %broadcast_in_dim3A_336 = arith.constant 0.000000e+00 : f32
        %broadcast_in_dim3A_337 = vector.broadcast %broadcast_in_dim3A_336 : f32 to vector<16xf32>
        %mul3A_338 = arith.constant 128 : i32
        %mul3A_339 = arith.muli %scan3A_279, %mul3A_338 : i32
        %add3A_340 = arith.constant 112 : i32
        %add3A_341 = arith.addi %mul3A_339, %add3A_340 : i32
        %swap3A_342 = arith.index_cast %add3A_341 : i32 to index
        %swap3A_343 = tpu.vector_load %arg17[%swap3A_342] {strides = array<i32>} : memref<10240xf32, #tpu.memory_space<vmem>>, vector<16xf32>,
        tpu.vector_store %arg17[%swap3A_342], %broadcast_in_dim3A_337 {strides = array<i32>} : memref<10240xf32, #tpu.memory_space<vmem>>, vector<16xf32>,
        %scan3A_344 = arith.constant 0 : i32
        scf.yield %scan3A_344 : i32
      }
      %scan3A_271 = arith.constant 80 : i32
      %scan3A_272 = arith.constant 0 : i32
      %scan3A_273 = arith.constant 0 : i32
      %scan3A_274 = arith.constant 5 : i32
      %scan3A_275 = arith.addi %scan3A_273, %scan3A_274 : i32
      %scan3A_276 = arith.constant 1 : i32
      %scan3A_277 = scf.for %scan3A_279 = %scan3A_273 to %scan3A_275 step %scan3A_276 iter_args(%scan3A_280 = %scan3A_272) -> (i32)  : i32 {
        %mul3A_281 = arith.constant 2000 : i32
        %mul3A_282 = arith.muli %scan3A_279, %mul3A_281 : i32
        "tpu.region"() ({
          %run_scoped3A = tpu.sem_alloc : memref<!tpu.dma_semaphore, #tpu.memory_space<semaphore_mem>>
          %dma_start3A_293 = arith.constant 0 : i32
          %dma_start3A_294 = tpu.memref_slice %arg18[%dma_start3A_293] : memref<2048xf32, #tpu.memory_space<vmem>> -> memref<2000xf32, #tpu.memory_space<vmem>>
          %dma_start3A_295 = tpu.memref_slice %arg7[%mul3A_282] : memref<10000xf32, #tpu.memory_space<hbm>> -> memref<2000xf32, #tpu.memory_space<hbm>>
          %dma_start3A_296 = arith.constant 0 : i32
          %dma_start3A_297 = tpu.memref_slice %arg18[%dma_start3A_296] : memref<2048xf32, #tpu.memory_space<vmem>> -> memref<2000xf32, #tpu.memory_space<vmem>>
          %dma_start3A_298 = tpu.memref_slice %arg7[%mul3A_282] : memref<10000xf32, #tpu.memory_space<hbm>> -> memref<2000xf32, #tpu.memory_space<hbm>>
          tpu.enqueue_dma source(%dma_start3A_298 : memref<2000xf32, #tpu.memory_space<hbm>>) target(%dma_start3A_297 : memref<2000xf32, #tpu.memory_space<vmem>>) target_semaphore(%run_scoped3A : memref<!tpu.dma_semaphore, #tpu.memory_space<semaphore_mem>>)
          %dma_wait3A_299 = arith.constant 0 : i32
          %dma_wait3A_300 = tpu.memref_slice %arg18[%dma_wait3A_299] : memref<2048xf32, #tpu.memory_space<vmem>> -> memref<2000xf32, #tpu.memory_space<vmem>>
          %dma_wait3A_301 = tpu.memref_slice %arg7[%mul3A_282] : memref<10000xf32, #tpu.memory_space<hbm>> -> memref<2000xf32, #tpu.memory_space<hbm>>
          %dma_wait3A_302 = arith.constant 0 : i32
          %dma_wait3A_303 = tpu.memref_slice %arg18[%dma_wait3A_302] : memref<2048xf32, #tpu.memory_space<vmem>> -> memref<2000xf32, #tpu.memory_space<vmem>>
          %dma_wait3A_304 = tpu.memref_slice %arg7[%mul3A_282] : memref<10000xf32, #tpu.memory_space<hbm>> -> memref<2000xf32, #tpu.memory_space<hbm>>
          tpu.wait_dma2 semaphore(%run_scoped3A : memref<!tpu.dma_semaphore, #tpu.memory_space<semaphore_mem>>) src(%dma_wait3A_304 : memref<2000xf32, #tpu.memory_space<hbm>>) dst(%dma_wait3A_303 : memref<2000xf32, #tpu.memory_space<vmem>>)
          tpu.yield
        }) : () -> ()
        %mul3A_283 = arith.constant 2000 : i32
        %mul3A_284 = arith.muli %scan3A_279, %mul3A_283 : i32
        "tpu.region"() ({
          %run_scoped3A = tpu.sem_alloc : memref<!tpu.dma_semaphore, #tpu.memory_space<semaphore_mem>>
          %dma_start3A_293 = arith.constant 0 : i32
          %dma_start3A_294 = tpu.memref_slice %arg19[%dma_start3A_293] : memref<2048xi32, #tpu.memory_space<vmem>> -> memref<2000xi32, #tpu.memory_space<vmem>>
          %dma_start3A_295 = tpu.memref_slice %arg8[%mul3A_284] : memref<10000xi32, #tpu.memory_space<hbm>> -> memref<2000xi32, #tpu.memory_space<hbm>>
          %dma_start3A_296 = arith.constant 0 : i32
          %dma_start3A_297 = tpu.memref_slice %arg19[%dma_start3A_296] : memref<2048xi32, #tpu.memory_space<vmem>> -> memref<2000xi32, #tpu.memory_space<vmem>>
          %dma_start3A_298 = tpu.memref_slice %arg8[%mul3A_284] : memref<10000xi32, #tpu.memory_space<hbm>> -> memref<2000xi32, #tpu.memory_space<hbm>>
          tpu.enqueue_dma source(%dma_start3A_298 : memref<2000xi32, #tpu.memory_space<hbm>>) target(%dma_start3A_297 : memref<2000xi32, #tpu.memory_space<vmem>>) target_semaphore(%run_scoped3A : memref<!tpu.dma_semaphore, #tpu.memory_space<semaphore_mem>>)
          %dma_wait3A_299 = arith.constant 0 : i32
          %dma_wait3A_300 = tpu.memref_slice %arg19[%dma_wait3A_299] : memref<2048xi32, #tpu.memory_space<vmem>> -> memref<2000xi32, #tpu.memory_space<vmem>>
          %dma_wait3A_301 = tpu.memref_slice %arg8[%mul3A_284] : memref<10000xi32, #tpu.memory_space<hbm>> -> memref<2000xi32, #tpu.memory_space<hbm>>
          %dma_wait3A_302 = arith.constant 0 : i32
          %dma_wait3A_303 = tpu.memref_slice %arg19[%dma_wait3A_302] : memref<2048xi32, #tpu.memory_space<vmem>> -> memref<2000xi32, #tpu.memory_space<vmem>>
          %dma_wait3A_304 = tpu.memref_slice %arg8[%mul3A_284] : memref<10000xi32, #tpu.memory_space<hbm>> -> memref<2000xi32, #tpu.memory_space<hbm>>
          tpu.wait_dma2 semaphore(%run_scoped3A : memref<!tpu.dma_semaphore, #tpu.memory_space<semaphore_mem>>) src(%dma_wait3A_304 : memref<2000xi32, #tpu.memory_space<hbm>>) dst(%dma_wait3A_303 : memref<2000xi32, #tpu.memory_space<vmem>>)
          tpu.yield
        }) : () -> ()
        %scan3A_285 = arith.constant 0 : i32
        %scan3A_286 = arith.constant 0 : i32
        %scan3A_287 = arith.constant 125 : i32
        %scan3A_288 = arith.addi %scan3A_286, %scan3A_287 : i32
        %scan3A_289 = arith.constant 1 : i32
        %scan3A_290 = scf.for %scan3A_293 = %scan3A_286 to %scan3A_288 step %scan3A_289 iter_args(%scan3A_294 = %scan3A_285) -> (i32)  : i32 {
          %mul3A_295 = arith.constant 16 : i32
          %mul3A_296 = arith.muli %scan3A_293, %mul3A_295 : i32
          %get3A = arith.index_cast %mul3A_296 : i32 to index
          %get3A_297 = tpu.vector_load %arg18[%get3A] {strides = array<i32>} : memref<2048xf32, #tpu.memory_space<vmem>>, vector<16xf32>,
          %mul3A_298 = arith.constant 16 : i32
          %mul3A_299 = arith.muli %scan3A_293, %mul3A_298 : i32
          %get3A_300 = arith.index_cast %mul3A_299 : i32 to index
          %get3A_301 = tpu.vector_load %arg19[%get3A_300] {strides = array<i32>} : memref<2048xi32, #tpu.memory_space<vmem>>, vector<16xi32>,
          tpu.vector_store_idx %arg17[%get3A_301], %get3A_297 {add = true} : memref<10240xf32, #tpu.memory_space<vmem>>[vector<16xi32>], vector<16xf32>,
          %scan3A_302 = arith.constant 0 : i32
          scf.yield %scan3A_302 : i32
        }
        %scan3A_291 = arith.constant 125 : i32
        %scan3A_292 = arith.constant 0 : i32
        scf.yield %scan3A_292 : i32
      }
      %scan3A_278 = arith.constant 5 : i32
      "tpu.region"() ({
        %run_scoped3A = tpu.sem_alloc : memref<!tpu.dma_semaphore, #tpu.memory_space<semaphore_mem>>
        %dma_start3A_279 = arith.constant 0 : i32
        %dma_start3A_280 = tpu.memref_slice %arg17[%dma_start3A_279] : memref<10240xf32, #tpu.memory_space<vmem>> -> memref<10000xf32, #tpu.memory_space<vmem>>
        %dma_start3A_281 = arith.constant 0 : i32
        %dma_start3A_282 = tpu.memref_slice %arg17[%dma_start3A_281] : memref<10240xf32, #tpu.memory_space<vmem>> -> memref<10000xf32, #tpu.memory_space<vmem>>
        tpu.enqueue_dma source(%dma_start3A_282 : memref<10000xf32, #tpu.memory_space<vmem>>) target(%arg10 : memref<10000xf32, #tpu.memory_space<hbm>>) target_semaphore(%run_scoped3A : memref<!tpu.dma_semaphore, #tpu.memory_space<semaphore_mem>>)
        %dma_wait3A_283 = arith.constant 0 : i32
        %dma_wait3A_284 = tpu.memref_slice %arg17[%dma_wait3A_283] : memref<10240xf32, #tpu.memory_space<vmem>> -> memref<10000xf32, #tpu.memory_space<vmem>>
        %dma_wait3A_285 = arith.constant 0 : i32
        %dma_wait3A_286 = tpu.memref_slice %arg17[%dma_wait3A_285] : memref<10240xf32, #tpu.memory_space<vmem>> -> memref<10000xf32, #tpu.memory_space<vmem>>
        tpu.wait_dma2 semaphore(%run_scoped3A : memref<!tpu.dma_semaphore, #tpu.memory_space<semaphore_mem>>) src(%dma_wait3A_286 : memref<10000xf32, #tpu.memory_space<vmem>>) dst(%arg10 : memref<10000xf32, #tpu.memory_space<hbm>>)
        tpu.yield
      }) : () -> ()
    } else {
    }
    %eq3A_9 = arith.constant 0 : i32
    %eq3A_10 = arith.cmpi eq, %add3A, %eq3A_9 : i32
    %lt3A = arith.constant 14 : i32
    %lt3A_11 = arith.cmpi slt, %add3A, %lt3A : i32
    %jit3A = arith.constant 1 : i32
    %jit3A_12 = arith.constant 0 : i32
    %select_n3A = arith.select %lt3A_11, %jit3A, %jit3A_12 : i32
    %add3A_13 = arith.constant 117 : i32
    %add3A_14 = arith.addi %add3A_13, %select_n3A : i32
    %jit3A_15 = arith.constant 110 : i32
    %select_n3A_16 = arith.select %eq3A_10, %jit3A_15, %add3A_14 : i32
    %eq3A_17 = arith.constant 0 : i32
    %eq3A_18 = arith.cmpi eq, %add3A, %eq3A_17 : i32
    %sub3A = arith.constant 1 : i32
    %sub3A_19 = arith.subi %add3A, %sub3A : i32
    %mul3A_20 = arith.constant 117 : i32
    %mul3A_21 = arith.muli %sub3A_19, %mul3A_20 : i32
    %add3A_22 = arith.constant 110 : i32
    %add3A_23 = arith.addi %add3A_22, %mul3A_21 : i32
    %sub3A_24 = arith.constant 1 : i32
    %sub3A_25 = arith.subi %add3A, %sub3A_24 : i32
    %min3A = arith.constant 13 : i32
    %min3A_26 = arith.minsi %sub3A_25, %min3A : i32
    %add3A_27 = arith.addi %add3A_23, %min3A_26 : i32
    %jit3A_28 = arith.constant 0 : i32
    %select_n3A_29 = arith.select %eq3A_18, %jit3A_28, %add3A_27 : i32
    %add3A_30 = arith.constant 24 : i32
    %add3A_31 = arith.addi %select_n3A_16, %add3A_30 : i32
    %sub3A_32 = arith.constant 1 : i32
    %sub3A_33 = arith.subi %add3A_31, %sub3A_32 : i32
    %jit3A_34 = arith.constant 24 : i32
    %div3A = arith.divsi %sub3A_33, %jit3A_34 : i32
    %sign3A = arith.constant 0 : i32
    %sign3A_35 = arith.cmpi sgt, %sub3A_33, %sign3A : i32
    %sign3A_36 = arith.extui %sign3A_35 : i1 to i32
    %sign3A_37 = arith.constant 0 : i32
    %sign3A_38 = arith.cmpi slt, %sub3A_33, %sign3A_37 : i32
    %sign3A_39 = arith.extui %sign3A_38 : i1 to i32
    %sign3A_40 = arith.subi %sign3A_36, %sign3A_39 : i32
    %sign3A_41 = arith.constant 0 : i32
    %sign3A_42 = arith.cmpi sgt, %jit3A_34, %sign3A_41 : i32
    %sign3A_43 = arith.extui %sign3A_42 : i1 to i32
    %sign3A_44 = arith.constant 0 : i32
    %sign3A_45 = arith.cmpi slt, %jit3A_34, %sign3A_44 : i32
    %sign3A_46 = arith.extui %sign3A_45 : i1 to i32
    %sign3A_47 = arith.subi %sign3A_43, %sign3A_46 : i32
    %ne3A = arith.cmpi ne, %sign3A_40, %sign3A_47 : i32
    %rem3A = arith.remsi %sub3A_33, %jit3A_34 : i32
    %ne3A_48 = arith.constant 0 : i32
    %ne3A_49 = arith.cmpi ne, %rem3A, %ne3A_48 : i32
    %and3A = arith.andi %ne3A, %ne3A_49 : i1
    %sub3A_50 = arith.constant 1 : i32
    %sub3A_51 = arith.subi %div3A, %sub3A_50 : i32
    %select_n3A_52 = arith.select %and3A, %sub3A_51, %div3A : i32
    %add3A_53 = arith.constant 0 : i32
    %add3A_54 = vector.broadcast %add3A_53 : i32 to vector<16xi32>
    %add3A_55 = arith.addi %iota3A, %add3A_54 : vector<16xi32>
    %and3A_56 = arith.constant 15 : i32
    %and3A_57 = vector.broadcast %and3A_56 : i32 to vector<16xi32>
    %and3A_58 = arith.andi %add3A_55, %and3A_57 : vector<16xi32>
    %add3A_59 = arith.constant 1 : i32
    %add3A_60 = vector.broadcast %add3A_59 : i32 to vector<16xi32>
    %add3A_61 = arith.addi %iota3A, %add3A_60 : vector<16xi32>
    %and3A_62 = arith.constant 15 : i32
    %and3A_63 = vector.broadcast %and3A_62 : i32 to vector<16xi32>
    %and3A_64 = arith.andi %add3A_61, %and3A_63 : vector<16xi32>
    %add3A_65 = arith.constant 2 : i32
    %add3A_66 = vector.broadcast %add3A_65 : i32 to vector<16xi32>
    %add3A_67 = arith.addi %iota3A, %add3A_66 : vector<16xi32>
    %and3A_68 = arith.constant 15 : i32
    %and3A_69 = vector.broadcast %and3A_68 : i32 to vector<16xi32>
    %and3A_70 = arith.andi %add3A_67, %and3A_69 : vector<16xi32>
    %add3A_71 = arith.constant 3 : i32
    %add3A_72 = vector.broadcast %add3A_71 : i32 to vector<16xi32>
    %add3A_73 = arith.addi %iota3A, %add3A_72 : vector<16xi32>
    %and3A_74 = arith.constant 15 : i32
    %and3A_75 = vector.broadcast %and3A_74 : i32 to vector<16xi32>
    %and3A_76 = arith.andi %add3A_73, %and3A_75 : vector<16xi32>
    %add3A_77 = arith.constant 4 : i32
    %add3A_78 = vector.broadcast %add3A_77 : i32 to vector<16xi32>
    %add3A_79 = arith.addi %iota3A, %add3A_78 : vector<16xi32>
    %and3A_80 = arith.constant 15 : i32
    %and3A_81 = vector.broadcast %and3A_80 : i32 to vector<16xi32>
    %and3A_82 = arith.andi %add3A_79, %and3A_81 : vector<16xi32>
    %add3A_83 = arith.constant 5 : i32
    %add3A_84 = vector.broadcast %add3A_83 : i32 to vector<16xi32>
    %add3A_85 = arith.addi %iota3A, %add3A_84 : vector<16xi32>
    %and3A_86 = arith.constant 15 : i32
    %and3A_87 = vector.broadcast %and3A_86 : i32 to vector<16xi32>
    %and3A_88 = arith.andi %add3A_85, %and3A_87 : vector<16xi32>
    %add3A_89 = arith.constant 6 : i32
    %add3A_90 = vector.broadcast %add3A_89 : i32 to vector<16xi32>
    %add3A_91 = arith.addi %iota3A, %add3A_90 : vector<16xi32>
    %and3A_92 = arith.constant 15 : i32
    %and3A_93 = vector.broadcast %and3A_92 : i32 to vector<16xi32>
    %and3A_94 = arith.andi %add3A_91, %and3A_93 : vector<16xi32>
    %add3A_95 = arith.constant 7 : i32
    %add3A_96 = vector.broadcast %add3A_95 : i32 to vector<16xi32>
    %add3A_97 = arith.addi %iota3A, %add3A_96 : vector<16xi32>
    %and3A_98 = arith.constant 15 : i32
    %and3A_99 = vector.broadcast %and3A_98 : i32 to vector<16xi32>
    %and3A_100 = arith.andi %add3A_97, %and3A_99 : vector<16xi32>
    %add3A_101 = arith.constant 8 : i32
    %add3A_102 = vector.broadcast %add3A_101 : i32 to vector<16xi32>
    %add3A_103 = arith.addi %iota3A, %add3A_102 : vector<16xi32>
    %and3A_104 = arith.constant 15 : i32
    %and3A_105 = vector.broadcast %and3A_104 : i32 to vector<16xi32>
    %and3A_106 = arith.andi %add3A_103, %and3A_105 : vector<16xi32>
    %add3A_107 = arith.constant 9 : i32
    %add3A_108 = vector.broadcast %add3A_107 : i32 to vector<16xi32>
    %add3A_109 = arith.addi %iota3A, %add3A_108 : vector<16xi32>
    %and3A_110 = arith.constant 15 : i32
    %and3A_111 = vector.broadcast %and3A_110 : i32 to vector<16xi32>
    %and3A_112 = arith.andi %add3A_109, %and3A_111 : vector<16xi32>
    %add3A_113 = arith.constant 10 : i32
    %add3A_114 = vector.broadcast %add3A_113 : i32 to vector<16xi32>
    %add3A_115 = arith.addi %iota3A, %add3A_114 : vector<16xi32>
    %and3A_116 = arith.constant 15 : i32
    %and3A_117 = vector.broadcast %and3A_116 : i32 to vector<16xi32>
    %and3A_118 = arith.andi %add3A_115, %and3A_117 : vector<16xi32>
    %add3A_119 = arith.constant 11 : i32
    %add3A_120 = vector.broadcast %add3A_119 : i32 to vector<16xi32>
    %add3A_121 = arith.addi %iota3A, %add3A_120 : vector<16xi32>
    %and3A_122 = arith.constant 15 : i32
    %and3A_123 = vector.broadcast %and3A_122 : i32 to vector<16xi32>
    %and3A_124 = arith.andi %add3A_121, %and3A_123 : vector<16xi32>
    %add3A_125 = arith.constant 12 : i32
    %add3A_126 = vector.broadcast %add3A_125 : i32 to vector<16xi32>
    %add3A_127 = arith.addi %iota3A, %add3A_126 : vector<16xi32>
    %and3A_128 = arith.constant 15 : i32
    %and3A_129 = vector.broadcast %and3A_128 : i32 to vector<16xi32>
    %and3A_130 = arith.andi %add3A_127, %and3A_129 : vector<16xi32>
    %add3A_131 = arith.constant 13 : i32
    %add3A_132 = vector.broadcast %add3A_131 : i32 to vector<16xi32>
    %add3A_133 = arith.addi %iota3A, %add3A_132 : vector<16xi32>
    %and3A_134 = arith.constant 15 : i32
    %and3A_135 = vector.broadcast %and3A_134 : i32 to vector<16xi32>
    %and3A_136 = arith.andi %add3A_133, %and3A_135 : vector<16xi32>
    %add3A_137 = arith.constant 14 : i32
    %add3A_138 = vector.broadcast %add3A_137 : i32 to vector<16xi32>
    %add3A_139 = arith.addi %iota3A, %add3A_138 : vector<16xi32>
    %and3A_140 = arith.constant 15 : i32
    %and3A_141 = vector.broadcast %and3A_140 : i32 to vector<16xi32>
    %and3A_142 = arith.andi %add3A_139, %and3A_141 : vector<16xi32>
    %add3A_143 = arith.constant 15 : i32
    %add3A_144 = vector.broadcast %add3A_143 : i32 to vector<16xi32>
    %add3A_145 = arith.addi %iota3A, %add3A_144 : vector<16xi32>
    %and3A_146 = arith.constant 15 : i32
    %and3A_147 = vector.broadcast %and3A_146 : i32 to vector<16xi32>
    %and3A_148 = arith.andi %add3A_145, %and3A_147 : vector<16xi32>
    %broadcast_in_dim3A = arith.constant 0.000000e+00 : f32
    %broadcast_in_dim3A_149 = vector.broadcast %broadcast_in_dim3A : f32 to vector<16xf32>
    %add3A_150 = arith.constant 0 : i32
    %add3A_151 = arith.addi %select_n3A_29, %add3A_150 : i32
    %mul3A_152 = arith.constant 128 : i32
    %mul3A_153 = arith.muli %add3A_151, %mul3A_152 : i32
    %min3A_154 = arith.constant 476928 : i32
    %min3A_155 = arith.minsi %mul3A_153, %min3A_154 : i32
    %dma_start3A = arith.constant 0 : i32
    %dma_start3A_156 = tpu.memref_slice %arg13[%dma_start3A] : memref<6144xi32, #tpu.memory_space<vmem>> -> memref<3072xi32, #tpu.memory_space<vmem>>
    %dma_start3A_157 = tpu.memref_slice %arg3[%min3A_155] : memref<480000xi32, #tpu.memory_space<hbm>> -> memref<3072xi32, #tpu.memory_space<hbm>>
    %dma_start3A_158 = arith.constant 0 : i32
    %dma_start3A_159 = tpu.memref_slice %arg13[%dma_start3A_158] : memref<6144xi32, #tpu.memory_space<vmem>> -> memref<3072xi32, #tpu.memory_space<vmem>>
    %dma_start3A_160 = tpu.memref_slice %arg3[%min3A_155] : memref<480000xi32, #tpu.memory_space<hbm>> -> memref<3072xi32, #tpu.memory_space<hbm>>
    tpu.enqueue_dma source(%dma_start3A_160 : memref<3072xi32, #tpu.memory_space<hbm>>) target(%dma_start3A_159 : memref<3072xi32, #tpu.memory_space<vmem>>) target_semaphore(%arg20 : memref<!tpu.dma_semaphore, #tpu.memory_space<semaphore_mem>>)
    %dma_wait3A = arith.constant 0 : i32
    %dma_wait3A_161 = tpu.memref_slice %arg13[%dma_wait3A] : memref<6144xi32, #tpu.memory_space<vmem>> -> memref<3072xi32, #tpu.memory_space<vmem>>
    %dma_wait3A_162 = tpu.memref_slice %arg3[%min3A_155] : memref<480000xi32, #tpu.memory_space<hbm>> -> memref<3072xi32, #tpu.memory_space<hbm>>
    %dma_wait3A_163 = arith.constant 0 : i32
    %dma_wait3A_164 = tpu.memref_slice %arg13[%dma_wait3A_163] : memref<6144xi32, #tpu.memory_space<vmem>> -> memref<3072xi32, #tpu.memory_space<vmem>>
    %dma_wait3A_165 = tpu.memref_slice %arg3[%min3A_155] : memref<480000xi32, #tpu.memory_space<hbm>> -> memref<3072xi32, #tpu.memory_space<hbm>>
    tpu.wait_dma2 semaphore(%arg20 : memref<!tpu.dma_semaphore, #tpu.memory_space<semaphore_mem>>) src(%dma_wait3A_165 : memref<3072xi32, #tpu.memory_space<hbm>>) dst(%dma_wait3A_164 : memref<3072xi32, #tpu.memory_space<vmem>>)
    %dma_start3A_166 = arith.constant 0 : i32
    %dma_start3A_167 = tpu.memref_slice %arg14[%dma_start3A_166] : memref<6144xi32, #tpu.memory_space<vmem>> -> memref<3072xi32, #tpu.memory_space<vmem>>
    %dma_start3A_168 = tpu.memref_slice %arg4[%min3A_155] : memref<480000xi32, #tpu.memory_space<hbm>> -> memref<3072xi32, #tpu.memory_space<hbm>>
    %dma_start3A_169 = arith.constant 0 : i32
    %dma_start3A_170 = tpu.memref_slice %arg14[%dma_start3A_169] : memref<6144xi32, #tpu.memory_space<vmem>> -> memref<3072xi32, #tpu.memory_space<vmem>>
    %dma_start3A_171 = tpu.memref_slice %arg4[%min3A_155] : memref<480000xi32, #tpu.memory_space<hbm>> -> memref<3072xi32, #tpu.memory_space<hbm>>
    tpu.enqueue_dma source(%dma_start3A_171 : memref<3072xi32, #tpu.memory_space<hbm>>) target(%dma_start3A_170 : memref<3072xi32, #tpu.memory_space<vmem>>) target_semaphore(%arg20 : memref<!tpu.dma_semaphore, #tpu.memory_space<semaphore_mem>>)
    %dma_wait3A_172 = arith.constant 0 : i32
    %dma_wait3A_173 = tpu.memref_slice %arg14[%dma_wait3A_172] : memref<6144xi32, #tpu.memory_space<vmem>> -> memref<3072xi32, #tpu.memory_space<vmem>>
    %dma_wait3A_174 = tpu.memref_slice %arg4[%min3A_155] : memref<480000xi32, #tpu.memory_space<hbm>> -> memref<3072xi32, #tpu.memory_space<hbm>>
    %dma_wait3A_175 = arith.constant 0 : i32
    %dma_wait3A_176 = tpu.memref_slice %arg14[%dma_wait3A_175] : memref<6144xi32, #tpu.memory_space<vmem>> -> memref<3072xi32, #tpu.memory_space<vmem>>
    %dma_wait3A_177 = tpu.memref_slice %arg4[%min3A_155] : memref<480000xi32, #tpu.memory_space<hbm>> -> memref<3072xi32, #tpu.memory_space<hbm>>
    tpu.wait_dma2 semaphore(%arg20 : memref<!tpu.dma_semaphore, #tpu.memory_space<semaphore_mem>>) src(%dma_wait3A_177 : memref<3072xi32, #tpu.memory_space<hbm>>) dst(%dma_wait3A_176 : memref<3072xi32, #tpu.memory_space<vmem>>)
    %dma_start3A_178 = arith.constant 0 : i32
    %dma_start3A_179 = tpu.memref_slice %arg15[%dma_start3A_178] : memref<6144xi32, #tpu.memory_space<vmem>> -> memref<3072xi32, #tpu.memory_space<vmem>>
    %dma_start3A_180 = tpu.memref_slice %arg5[%min3A_155] : memref<480000xi32, #tpu.memory_space<hbm>> -> memref<3072xi32, #tpu.memory_space<hbm>>
    %dma_start3A_181 = arith.constant 0 : i32
    %dma_start3A_182 = tpu.memref_slice %arg15[%dma_start3A_181] : memref<6144xi32, #tpu.memory_space<vmem>> -> memref<3072xi32, #tpu.memory_space<vmem>>
    %dma_start3A_183 = tpu.memref_slice %arg5[%min3A_155] : memref<480000xi32, #tpu.memory_space<hbm>> -> memref<3072xi32, #tpu.memory_space<hbm>>
    tpu.enqueue_dma source(%dma_start3A_183 : memref<3072xi32, #tpu.memory_space<hbm>>) target(%dma_start3A_182 : memref<3072xi32, #tpu.memory_space<vmem>>) target_semaphore(%arg20 : memref<!tpu.dma_semaphore, #tpu.memory_space<semaphore_mem>>)
    %dma_wait3A_184 = arith.constant 0 : i32
    %dma_wait3A_185 = tpu.memref_slice %arg15[%dma_wait3A_184] : memref<6144xi32, #tpu.memory_space<vmem>> -> memref<3072xi32, #tpu.memory_space<vmem>>
    %dma_wait3A_186 = tpu.memref_slice %arg5[%min3A_155] : memref<480000xi32, #tpu.memory_space<hbm>> -> memref<3072xi32, #tpu.memory_space<hbm>>
    %dma_wait3A_187 = arith.constant 0 : i32
    %dma_wait3A_188 = tpu.memref_slice %arg15[%dma_wait3A_187] : memref<6144xi32, #tpu.memory_space<vmem>> -> memref<3072xi32, #tpu.memory_space<vmem>>
    %dma_wait3A_189 = tpu.memref_slice %arg5[%min3A_155] : memref<480000xi32, #tpu.memory_space<hbm>> -> memref<3072xi32, #tpu.memory_space<hbm>>
    tpu.wait_dma2 semaphore(%arg20 : memref<!tpu.dma_semaphore, #tpu.memory_space<semaphore_mem>>) src(%dma_wait3A_189 : memref<3072xi32, #tpu.memory_space<hbm>>) dst(%dma_wait3A_188 : memref<3072xi32, #tpu.memory_space<vmem>>)
    %gt3A = arith.constant 1 : i32
    %gt3A_190 = arith.cmpi sgt, %select_n3A_52, %gt3A : i32
    %convert_element_type3A_191 = arith.extui %gt3A_190 : i1 to i32
    %cond3A_192 = arith.constant 0 : i32
    %cond3A_193 = arith.cmpi ne, %convert_element_type3A_191, %cond3A_192 : i32
    scf.if %cond3A_193 {
      %add3A_265 = arith.constant 24 : i32
      %add3A_266 = arith.addi %select_n3A_29, %add3A_265 : i32
      %mul3A_267 = arith.constant 128 : i32
      %mul3A_268 = arith.muli %add3A_266, %mul3A_267 : i32
      %min3A_269 = arith.constant 476928 : i32
      %min3A_270 = arith.minsi %mul3A_268, %min3A_269 : i32
      %dma_start3A_271 = arith.constant 3072 : i32
      %dma_start3A_272 = tpu.memref_slice %arg13[%dma_start3A_271] : memref<6144xi32, #tpu.memory_space<vmem>> -> memref<3072xi32, #tpu.memory_space<vmem>>
      %dma_start3A_273 = tpu.memref_slice %arg3[%min3A_270] : memref<480000xi32, #tpu.memory_space<hbm>> -> memref<3072xi32, #tpu.memory_space<hbm>>
      %dma_start3A_274 = arith.constant 3072 : i32
      %dma_start3A_275 = tpu.memref_slice %arg13[%dma_start3A_274] : memref<6144xi32, #tpu.memory_space<vmem>> -> memref<3072xi32, #tpu.memory_space<vmem>>
      %dma_start3A_276 = tpu.memref_slice %arg3[%min3A_270] : memref<480000xi32, #tpu.memory_space<hbm>> -> memref<3072xi32, #tpu.memory_space<hbm>>
      tpu.enqueue_dma source(%dma_start3A_276 : memref<3072xi32, #tpu.memory_space<hbm>>) target(%dma_start3A_275 : memref<3072xi32, #tpu.memory_space<vmem>>) target_semaphore(%arg22 : memref<!tpu.dma_semaphore, #tpu.memory_space<semaphore_mem>>)
      %dma_start3A_277 = arith.constant 3072 : i32
      %dma_start3A_278 = tpu.memref_slice %arg14[%dma_start3A_277] : memref<6144xi32, #tpu.memory_space<vmem>> -> memref<3072xi32, #tpu.memory_space<vmem>>
      %dma_start3A_279 = tpu.memref_slice %arg4[%min3A_270] : memref<480000xi32, #tpu.memory_space<hbm>> -> memref<3072xi32, #tpu.memory_space<hbm>>
      %dma_start3A_280 = arith.constant 3072 : i32
      %dma_start3A_281 = tpu.memref_slice %arg14[%dma_start3A_280] : memref<6144xi32, #tpu.memory_space<vmem>> -> memref<3072xi32, #tpu.memory_space<vmem>>
      %dma_start3A_282 = tpu.memref_slice %arg4[%min3A_270] : memref<480000xi32, #tpu.memory_space<hbm>> -> memref<3072xi32, #tpu.memory_space<hbm>>
      tpu.enqueue_dma source(%dma_start3A_282 : memref<3072xi32, #tpu.memory_space<hbm>>) target(%dma_start3A_281 : memref<3072xi32, #tpu.memory_space<vmem>>) target_semaphore(%arg22 : memref<!tpu.dma_semaphore, #tpu.memory_space<semaphore_mem>>)
      %dma_start3A_283 = arith.constant 3072 : i32
      %dma_start3A_284 = tpu.memref_slice %arg15[%dma_start3A_283] : memref<6144xi32, #tpu.memory_space<vmem>> -> memref<3072xi32, #tpu.memory_space<vmem>>
      %dma_start3A_285 = tpu.memref_slice %arg5[%min3A_270] : memref<480000xi32, #tpu.memory_space<hbm>> -> memref<3072xi32, #tpu.memory_space<hbm>>
      %dma_start3A_286 = arith.constant 3072 : i32
      %dma_start3A_287 = tpu.memref_slice %arg15[%dma_start3A_286] : memref<6144xi32, #tpu.memory_space<vmem>> -> memref<3072xi32, #tpu.memory_space<vmem>>
      %dma_start3A_288 = tpu.memref_slice %arg5[%min3A_270] : memref<480000xi32, #tpu.memory_space<hbm>> -> memref<3072xi32, #tpu.memory_space<hbm>>
      tpu.enqueue_dma source(%dma_start3A_288 : memref<3072xi32, #tpu.memory_space<hbm>>) target(%dma_start3A_287 : memref<3072xi32, #tpu.memory_space<vmem>>) target_semaphore(%arg22 : memref<!tpu.dma_semaphore, #tpu.memory_space<semaphore_mem>>)
    } else {
    }
    %add3A_194 = arith.constant 0 : i32
    %add3A_195 = arith.addi %select_n3A_29, %add3A_194 : i32
    %mul3A_196 = arith.constant 128 : i32
    %mul3A_197 = arith.muli %add3A_195, %mul3A_196 : i32
    %min3A_198 = arith.constant 476928 : i32
    %min3A_199 = arith.minsi %mul3A_197, %min3A_198 : i32
    %sub3A_200 = arith.subi %mul3A_197, %min3A_199 : i32
    %add3A_201 = arith.constant 0 : i32
    %add3A_202 = arith.addi %add3A_201, %sub3A_200 : i32
    %add3A_203 = arith.constant 0 : i32
    %add3A_204 = arith.addi %add3A_202, %add3A_203 : i32
    %add3A_205 = arith.constant 0 : i32
    %add3A_206 = arith.addi %select_n3A_29, %add3A_205 : i32
    %mul3A_207 = arith.constant 128 : i32
    %mul3A_208 = arith.muli %add3A_206, %mul3A_207 : i32
    %add3A_209 = arith.constant 0 : i32
    %add3A_210 = arith.addi %mul3A_208, %add3A_209 : i32
    %dma_start3A_211 = arith.constant 0 : i32
    %dma_start3A_212 = arith.constant 0 : i32
    %dma_start3A_213 = tpu.memref_slice %arg11[%dma_start3A_211, %dma_start3A_212] : memref<256x128xf32, #tpu.memory_space<vmem>> -> memref<128x128xf32, #tpu.memory_space<vmem>>
    %dma_start3A_214 = arith.constant 0 : i32
    %dma_start3A_215 = tpu.memref_slice %arg2[%add3A_210, %dma_start3A_214] : memref<480000x128xf32, #tpu.memory_space<hbm>> -> memref<128x128xf32, #tpu.memory_space<hbm>>
    %dma_start3A_216 = arith.constant 0 : i32
    %dma_start3A_217 = arith.constant 0 : i32
    %dma_start3A_218 = tpu.memref_slice %arg11[%dma_start3A_216, %dma_start3A_217] : memref<256x128xf32, #tpu.memory_space<vmem>> -> memref<128x128xf32, #tpu.memory_space<vmem>>
    %dma_start3A_219 = arith.constant 0 : i32
    %dma_start3A_220 = tpu.memref_slice %arg2[%add3A_210, %dma_start3A_219] : memref<480000x128xf32, #tpu.memory_space<hbm>> -> memref<128x128xf32, #tpu.memory_space<hbm>>
    tpu.enqueue_dma source(%dma_start3A_220 : memref<128x128xf32, #tpu.memory_space<hbm>>) target(%dma_start3A_218 : memref<128x128xf32, #tpu.memory_space<vmem>>) target_semaphore(%arg20 : memref<!tpu.dma_semaphore, #tpu.memory_space<semaphore_mem>>)
    %dma_start3A_221 = arith.constant 0 : i32
    %dma_start3A_222 = arith.constant 0 : i32
    %dma_start3A_223 = tpu.memref_slice %arg12[%dma_start3A_221, %dma_start3A_222] : memref<256x128xf32, #tpu.memory_space<vmem>> -> memref<128x128xf32, #tpu.memory_space<vmem>>
    %dma_start3A_224 = tpu.memref_slice %arg13[%add3A_204] : memref<6144xi32, #tpu.memory_space<vmem>> -> memref<128xi32, #tpu.memory_space<vmem>>
    %dma_start3A_225 = arith.constant 0 : i32
    %dma_start3A_226 = arith.constant 0 : i32
    %dma_start3A_227 = tpu.memref_slice %arg6[%dma_start3A_225, %dma_start3A_226] : memref<10000x128xf32, #tpu.memory_space<hbm>> -> memref<10000x128xf32, #tpu.memory_space<hbm>>
    tpu.enqueue_indirect_dma source(%dma_start3A_227 : memref<10000x128xf32, #tpu.memory_space<hbm>>) target(%dma_start3A_223 : memref<128x128xf32, #tpu.memory_space<vmem>>) offsets(%dma_start3A_224 : memref<128xi32, #tpu.memory_space<vmem>>) semaphore(%arg20 : memref<!tpu.dma_semaphore, #tpu.memory_space<semaphore_mem>>)
    %add3A_228 = arith.constant 1 : i32
    %add3A_229 = arith.addi %select_n3A_16, %add3A_228 : i32
    %jit3A_230 = arith.constant 2 : i32
    %div3A_231 = arith.divsi %add3A_229, %jit3A_230 : i32
    %sign3A_232 = arith.constant 0 : i32
    %sign3A_233 = arith.cmpi sgt, %add3A_229, %sign3A_232 : i32
    %sign3A_234 = arith.extui %sign3A_233 : i1 to i32
    %sign3A_235 = arith.constant 0 : i32
    %sign3A_236 = arith.cmpi slt, %add3A_229, %sign3A_235 : i32
    %sign3A_237 = arith.extui %sign3A_236 : i1 to i32
    %sign3A_238 = arith.subi %sign3A_234, %sign3A_237 : i32
    %sign3A_239 = arith.constant 0 : i32
    %sign3A_240 = arith.cmpi sgt, %jit3A_230, %sign3A_239 : i32
    %sign3A_241 = arith.extui %sign3A_240 : i1 to i32
    %sign3A_242 = arith.constant 0 : i32
    %sign3A_243 = arith.cmpi slt, %jit3A_230, %sign3A_242 : i32
    %sign3A_244 = arith.extui %sign3A_243 : i1 to i32
    %sign3A_245 = arith.subi %sign3A_241, %sign3A_244 : i32
    %ne3A_246 = arith.cmpi ne, %sign3A_238, %sign3A_245 : i32
    %rem3A_247 = arith.remsi %add3A_229, %jit3A_230 : i32
    %ne3A_248 = arith.constant 0 : i32
    %ne3A_249 = arith.cmpi ne, %rem3A_247, %ne3A_248 : i32
    %and3A_250 = arith.andi %ne3A_246, %ne3A_249 : i1
    %sub3A_251 = arith.constant 1 : i32
    %sub3A_252 = arith.subi %div3A_231, %sub3A_251 : i32
    %select_n3A_253 = arith.select %and3A_250, %sub3A_252, %div3A_231 : i32
    %while3A = arith.constant 0 : i32
    %while3A_254 = arith.constant 0 : i32
    %while3A_255 = arith.subi %select_n3A_253, %while3A : i32
    %while3A_256 = arith.addi %while3A, %while3A_255 : i32
    %while3A_257 = arith.constant 1 : i32
    %while3A_258 = arith.divsi %while3A_255, %while3A_257 : i32
    %while3A_259 = arith.muli %while3A_258, %while3A_257 : i32
    %while3A_260 = arith.addi %while3A, %while3A_259 : i32
    %while3A_261 = arith.constant 1 : i32
    %while3A_262 = scf.for %while3A_265 = %while3A to %while3A_260 step %while3A_261 iter_args(%while3A_266 = %while3A_254) -> (i32)  : i32 {
      %mul3A_267 = arith.constant 2 : i32
      %mul3A_268 = arith.muli %while3A_265, %mul3A_267 : i32
      %add3A_269 = arith.constant 1 : i32
      %add3A_270 = arith.addi %mul3A_268, %add3A_269 : i32
      %lt3A_271 = arith.cmpi slt, %add3A_270, %select_n3A_16 : i32
      %convert_element_type3A_272 = arith.extui %lt3A_271 : i1 to i32
      %cond3A_273 = arith.constant 0 : i32
      %cond3A_274 = arith.cmpi ne, %convert_element_type3A_272, %cond3A_273 : i32
      scf.if %cond3A_274 {
        %jit3A_482 = arith.constant 24 : i32
        %div3A_483 = arith.divsi %add3A_270, %jit3A_482 : i32
        %sign3A_484 = arith.constant 0 : i32
        %sign3A_485 = arith.cmpi sgt, %add3A_270, %sign3A_484 : i32
        %sign3A_486 = arith.extui %sign3A_485 : i1 to i32
        %sign3A_487 = arith.constant 0 : i32
        %sign3A_488 = arith.cmpi slt, %add3A_270, %sign3A_487 : i32
        %sign3A_489 = arith.extui %sign3A_488 : i1 to i32
        %sign3A_490 = arith.subi %sign3A_486, %sign3A_489 : i32
        %sign3A_491 = arith.constant 0 : i32
        %sign3A_492 = arith.cmpi sgt, %jit3A_482, %sign3A_491 : i32
        %sign3A_493 = arith.extui %sign3A_492 : i1 to i32
        %sign3A_494 = arith.constant 0 : i32
        %sign3A_495 = arith.cmpi slt, %jit3A_482, %sign3A_494 : i32
        %sign3A_496 = arith.extui %sign3A_495 : i1 to i32
        %sign3A_497 = arith.subi %sign3A_493, %sign3A_496 : i32
        %ne3A_498 = arith.cmpi ne, %sign3A_490, %sign3A_497 : i32
        %rem3A_499 = arith.remsi %add3A_270, %jit3A_482 : i32
        %ne3A_500 = arith.constant 0 : i32
        %ne3A_501 = arith.cmpi ne, %rem3A_499, %ne3A_500 : i32
        %and3A_502 = arith.andi %ne3A_498, %ne3A_501 : i1
        %sub3A_503 = arith.constant 1 : i32
        %sub3A_504 = arith.subi %div3A_483, %sub3A_503 : i32
        %select_n3A_505 = arith.select %and3A_502, %sub3A_504, %div3A_483 : i32
        %mul3A_506 = arith.constant 24 : i32
        %mul3A_507 = arith.muli %select_n3A_505, %mul3A_506 : i32
        %add3A_508 = arith.addi %select_n3A_29, %mul3A_507 : i32
        %mul3A_509 = arith.constant 128 : i32
        %mul3A_510 = arith.muli %add3A_508, %mul3A_509 : i32
        %min3A_511 = arith.constant 476928 : i32
        %min3A_512 = arith.minsi %mul3A_510, %min3A_511 : i32
        %sub3A_513 = arith.subi %mul3A_510, %min3A_512 : i32
        %jit3A_514 = arith.constant 2 : i32
        %eq3A_515 = arith.constant 0 : i32
        %eq3A_516 = arith.cmpi eq, %jit3A_514, %eq3A_515 : i32
        %jit3A_517 = arith.constant 1 : i32
        %select_n3A_518 = arith.select %eq3A_516, %jit3A_517, %jit3A_514 : i32
        %rem3A_519 = arith.remsi %select_n3A_505, %select_n3A_518 : i32
        %ne3A_520 = arith.constant 0 : i32
        %ne3A_521 = arith.cmpi ne, %rem3A_519, %ne3A_520 : i32
        %lt3A_522 = arith.constant 0 : i32
        %lt3A_523 = arith.cmpi slt, %rem3A_519, %lt3A_522 : i32
        %lt3A_524 = arith.constant 0 : i32
        %lt3A_525 = arith.cmpi slt, %select_n3A_518, %lt3A_524 : i32
        %ne3A_526 = arith.xori %lt3A_523, %lt3A_525 : i1
        %and3A_527 = arith.andi %ne3A_526, %ne3A_521 : i1
        %add3A_528 = arith.addi %rem3A_519, %select_n3A_518 : i32
        %select_n3A_529 = arith.select %and3A_527, %add3A_528, %rem3A_519 : i32
        %mul3A_530 = arith.constant 3072 : i32
        %mul3A_531 = arith.muli %select_n3A_529, %mul3A_530 : i32
        %add3A_532 = arith.addi %mul3A_531, %sub3A_513 : i32
        %mul3A_533 = arith.constant 24 : i32
        %mul3A_534 = arith.muli %select_n3A_505, %mul3A_533 : i32
        %sub3A_535 = arith.subi %add3A_270, %mul3A_534 : i32
        %mul3A_536 = arith.constant 128 : i32
        %mul3A_537 = arith.muli %sub3A_535, %mul3A_536 : i32
        %add3A_538 = arith.addi %add3A_532, %mul3A_537 : i32
        %gt3A_539 = arith.constant 0 : i32
        %gt3A_540 = arith.cmpi sgt, %add3A_270, %gt3A_539 : i32
        %jit3A_541 = arith.constant 24 : i32
        %eq3A_542 = arith.constant 0 : i32
        %eq3A_543 = arith.cmpi eq, %jit3A_541, %eq3A_542 : i32
        %jit3A_544 = arith.constant 1 : i32
        %select_n3A_545 = arith.select %eq3A_543, %jit3A_544, %jit3A_541 : i32
        %rem3A_546 = arith.remsi %add3A_270, %select_n3A_545 : i32
        %ne3A_547 = arith.constant 0 : i32
        %ne3A_548 = arith.cmpi ne, %rem3A_546, %ne3A_547 : i32
        %lt3A_549 = arith.constant 0 : i32
        %lt3A_550 = arith.cmpi slt, %rem3A_546, %lt3A_549 : i32
        %lt3A_551 = arith.constant 0 : i32
        %lt3A_552 = arith.cmpi slt, %select_n3A_545, %lt3A_551 : i32
        %ne3A_553 = arith.xori %lt3A_550, %lt3A_552 : i1
        %and3A_554 = arith.andi %ne3A_553, %ne3A_548 : i1
        %add3A_555 = arith.addi %rem3A_546, %select_n3A_545 : i32
        %select_n3A_556 = arith.select %and3A_554, %add3A_555, %rem3A_546 : i32
        %eq3A_557 = arith.constant 0 : i32
        %eq3A_558 = arith.cmpi eq, %select_n3A_556, %eq3A_557 : i32
        %and3A_559 = arith.andi %gt3A_540, %eq3A_558 : i1
        %convert_element_type3A_560 = arith.extui %and3A_559 : i1 to i32
        %cond3A_561 = arith.constant 0 : i32
        %cond3A_562 = arith.cmpi ne, %convert_element_type3A_560, %cond3A_561 : i32
        scf.if %cond3A_562 {
          %jit3A_585 = arith.constant 2 : i32
          %eq3A_586 = arith.constant 0 : i32
          %eq3A_587 = arith.cmpi eq, %jit3A_585, %eq3A_586 : i32
          %jit3A_588 = arith.constant 1 : i32
          %select_n3A_589 = arith.select %eq3A_587, %jit3A_588, %jit3A_585 : i32
          %rem3A_590 = arith.remsi %select_n3A_505, %select_n3A_589 : i32
          %ne3A_591 = arith.constant 0 : i32
          %ne3A_592 = arith.cmpi ne, %rem3A_590, %ne3A_591 : i32
          %lt3A_593 = arith.constant 0 : i32
          %lt3A_594 = arith.cmpi slt, %rem3A_590, %lt3A_593 : i32
          %lt3A_595 = arith.constant 0 : i32
          %lt3A_596 = arith.cmpi slt, %select_n3A_589, %lt3A_595 : i32
          %ne3A_597 = arith.xori %lt3A_594, %lt3A_596 : i1
          %and3A_598 = arith.andi %ne3A_597, %ne3A_592 : i1
          %add3A_599 = arith.addi %rem3A_590, %select_n3A_589 : i32
          %select_n3A_600 = arith.select %and3A_598, %add3A_599, %rem3A_590 : i32
          %mul3A_601 = arith.constant 24 : i32
          %mul3A_602 = arith.muli %select_n3A_505, %mul3A_601 : i32
          %add3A_603 = arith.addi %select_n3A_29, %mul3A_602 : i32
          %mul3A_604 = arith.constant 128 : i32
          %mul3A_605 = arith.muli %add3A_603, %mul3A_604 : i32
          %min3A_606 = arith.constant 476928 : i32
          %min3A_607 = arith.minsi %mul3A_605, %min3A_606 : i32
          %mul3A_608 = arith.constant 3072 : i32
          %mul3A_609 = arith.muli %select_n3A_600, %mul3A_608 : i32
          %dma_wait3A_610 = tpu.memref_slice %arg13[%mul3A_609] : memref<6144xi32, #tpu.memory_space<vmem>> -> memref<3072xi32, #tpu.memory_space<vmem>>
          %dma_wait3A_611 = tpu.memref_slice %arg3[%min3A_607] : memref<480000xi32, #tpu.memory_space<hbm>> -> memref<3072xi32, #tpu.memory_space<hbm>>
          %dma_wait3A_612 = tpu.memref_slice %arg13[%mul3A_609] : memref<6144xi32, #tpu.memory_space<vmem>> -> memref<3072xi32, #tpu.memory_space<vmem>>
          %dma_wait3A_613 = tpu.memref_slice %arg3[%min3A_607] : memref<480000xi32, #tpu.memory_space<hbm>> -> memref<3072xi32, #tpu.memory_space<hbm>>
          tpu.wait_dma2 semaphore(%arg22 : memref<!tpu.dma_semaphore, #tpu.memory_space<semaphore_mem>>) src(%dma_wait3A_613 : memref<3072xi32, #tpu.memory_space<hbm>>) dst(%dma_wait3A_612 : memref<3072xi32, #tpu.memory_space<vmem>>)
          %dma_wait3A_614 = tpu.memref_slice %arg14[%mul3A_609] : memref<6144xi32, #tpu.memory_space<vmem>> -> memref<3072xi32, #tpu.memory_space<vmem>>
          %dma_wait3A_615 = tpu.memref_slice %arg4[%min3A_607] : memref<480000xi32, #tpu.memory_space<hbm>> -> memref<3072xi32, #tpu.memory_space<hbm>>
          %dma_wait3A_616 = tpu.memref_slice %arg14[%mul3A_609] : memref<6144xi32, #tpu.memory_space<vmem>> -> memref<3072xi32, #tpu.memory_space<vmem>>
          %dma_wait3A_617 = tpu.memref_slice %arg4[%min3A_607] : memref<480000xi32, #tpu.memory_space<hbm>> -> memref<3072xi32, #tpu.memory_space<hbm>>
          tpu.wait_dma2 semaphore(%arg22 : memref<!tpu.dma_semaphore, #tpu.memory_space<semaphore_mem>>) src(%dma_wait3A_617 : memref<3072xi32, #tpu.memory_space<hbm>>) dst(%dma_wait3A_616 : memref<3072xi32, #tpu.memory_space<vmem>>)
          %dma_wait3A_618 = tpu.memref_slice %arg15[%mul3A_609] : memref<6144xi32, #tpu.memory_space<vmem>> -> memref<3072xi32, #tpu.memory_space<vmem>>
          %dma_wait3A_619 = tpu.memref_slice %arg5[%min3A_607] : memref<480000xi32, #tpu.memory_space<hbm>> -> memref<3072xi32, #tpu.memory_space<hbm>>
          %dma_wait3A_620 = tpu.memref_slice %arg15[%mul3A_609] : memref<6144xi32, #tpu.memory_space<vmem>> -> memref<3072xi32, #tpu.memory_space<vmem>>
          %dma_wait3A_621 = tpu.memref_slice %arg5[%min3A_607] : memref<480000xi32, #tpu.memory_space<hbm>> -> memref<3072xi32, #tpu.memory_space<hbm>>
          tpu.wait_dma2 semaphore(%arg22 : memref<!tpu.dma_semaphore, #tpu.memory_space<semaphore_mem>>) src(%dma_wait3A_621 : memref<3072xi32, #tpu.memory_space<hbm>>) dst(%dma_wait3A_620 : memref<3072xi32, #tpu.memory_space<vmem>>)
        } else {
        }
        %add3A_563 = arith.addi %select_n3A_29, %add3A_270 : i32
        %mul3A_564 = arith.constant 128 : i32
        %mul3A_565 = arith.muli %add3A_563, %mul3A_564 : i32
        %add3A_566 = arith.constant 0 : i32
        %add3A_567 = arith.addi %mul3A_565, %add3A_566 : i32
        %dma_start3A_568 = arith.constant 128 : i32
        %dma_start3A_569 = arith.constant 0 : i32
        %dma_start3A_570 = tpu.memref_slice %arg11[%dma_start3A_568, %dma_start3A_569] : memref<256x128xf32, #tpu.memory_space<vmem>> -> memref<128x128xf32, #tpu.memory_space<vmem>>
        %dma_start3A_571 = arith.constant 0 : i32
        %dma_start3A_572 = tpu.memref_slice %arg2[%add3A_567, %dma_start3A_571] : memref<480000x128xf32, #tpu.memory_space<hbm>> -> memref<128x128xf32, #tpu.memory_space<hbm>>
        %dma_start3A_573 = arith.constant 128 : i32
        %dma_start3A_574 = arith.constant 0 : i32
        %dma_start3A_575 = tpu.memref_slice %arg11[%dma_start3A_573, %dma_start3A_574] : memref<256x128xf32, #tpu.memory_space<vmem>> -> memref<128x128xf32, #tpu.memory_space<vmem>>
        %dma_start3A_576 = arith.constant 0 : i32
        %dma_start3A_577 = tpu.memref_slice %arg2[%add3A_567, %dma_start3A_576] : memref<480000x128xf32, #tpu.memory_space<hbm>> -> memref<128x128xf32, #tpu.memory_space<hbm>>
        tpu.enqueue_dma source(%dma_start3A_577 : memref<128x128xf32, #tpu.memory_space<hbm>>) target(%dma_start3A_575 : memref<128x128xf32, #tpu.memory_space<vmem>>) target_semaphore(%arg21 : memref<!tpu.dma_semaphore, #tpu.memory_space<semaphore_mem>>)
        %dma_start3A_578 = arith.constant 128 : i32
        %dma_start3A_579 = arith.constant 0 : i32
        %dma_start3A_580 = tpu.memref_slice %arg12[%dma_start3A_578, %dma_start3A_579] : memref<256x128xf32, #tpu.memory_space<vmem>> -> memref<128x128xf32, #tpu.memory_space<vmem>>
        %dma_start3A_581 = tpu.memref_slice %arg13[%add3A_538] : memref<6144xi32, #tpu.memory_space<vmem>> -> memref<128xi32, #tpu.memory_space<vmem>>
        %dma_start3A_582 = arith.constant 0 : i32
        %dma_start3A_583 = arith.constant 0 : i32
        %dma_start3A_584 = tpu.memref_slice %arg6[%dma_start3A_582, %dma_start3A_583] : memref<10000x128xf32, #tpu.memory_space<hbm>> -> memref<10000x128xf32, #tpu.memory_space<hbm>>
        tpu.enqueue_indirect_dma source(%dma_start3A_584 : memref<10000x128xf32, #tpu.memory_space<hbm>>) target(%dma_start3A_580 : memref<128x128xf32, #tpu.memory_space<vmem>>) offsets(%dma_start3A_581 : memref<128xi32, #tpu.memory_space<vmem>>) semaphore(%arg21 : memref<!tpu.dma_semaphore, #tpu.memory_space<semaphore_mem>>)
      } else {
      }
      %jit3A_275 = arith.constant 24 : i32
      %div3A_276 = arith.divsi %mul3A_268, %jit3A_275 : i32
      %sign3A_277 = arith.constant 0 : i32
      %sign3A_278 = arith.cmpi sgt, %mul3A_268, %sign3A_277 : i32
      %sign3A_279 = arith.extui %sign3A_278 : i1 to i32
      %sign3A_280 = arith.constant 0 : i32
      %sign3A_281 = arith.cmpi slt, %mul3A_268, %sign3A_280 : i32
      %sign3A_282 = arith.extui %sign3A_281 : i1 to i32
      %sign3A_283 = arith.subi %sign3A_279, %sign3A_282 : i32
      %sign3A_284 = arith.constant 0 : i32
      %sign3A_285 = arith.cmpi sgt, %jit3A_275, %sign3A_284 : i32
      %sign3A_286 = arith.extui %sign3A_285 : i1 to i32
      %sign3A_287 = arith.constant 0 : i32
      %sign3A_288 = arith.cmpi slt, %jit3A_275, %sign3A_287 : i32
      %sign3A_289 = arith.extui %sign3A_288 : i1 to i32
      %sign3A_290 = arith.subi %sign3A_286, %sign3A_289 : i32
      %ne3A_291 = arith.cmpi ne, %sign3A_283, %sign3A_290 : i32
      %rem3A_292 = arith.remsi %mul3A_268, %jit3A_275 : i32
      %ne3A_293 = arith.constant 0 : i32
      %ne3A_294 = arith.cmpi ne, %rem3A_292, %ne3A_293 : i32
      %and3A_295 = arith.andi %ne3A_291, %ne3A_294 : i1
      %sub3A_296 = arith.constant 1 : i32
      %sub3A_297 = arith.subi %div3A_276, %sub3A_296 : i32
      %select_n3A_298 = arith.select %and3A_295, %sub3A_297, %div3A_276 : i32
      %mul3A_299 = arith.constant 24 : i32
      %mul3A_300 = arith.muli %select_n3A_298, %mul3A_299 : i32
      %add3A_301 = arith.addi %select_n3A_29, %mul3A_300 : i32
      %mul3A_302 = arith.constant 128 : i32
      %mul3A_303 = arith.muli %add3A_301, %mul3A_302 : i32
      %min3A_304 = arith.constant 476928 : i32
      %min3A_305 = arith.minsi %mul3A_303, %min3A_304 : i32
      %sub3A_306 = arith.subi %mul3A_303, %min3A_305 : i32
      %jit3A_307 = arith.constant 2 : i32
      %eq3A_308 = arith.constant 0 : i32
      %eq3A_309 = arith.cmpi eq, %jit3A_307, %eq3A_308 : i32
      %jit3A_310 = arith.constant 1 : i32
      %select_n3A_311 = arith.select %eq3A_309, %jit3A_310, %jit3A_307 : i32
      %rem3A_312 = arith.remsi %select_n3A_298, %select_n3A_311 : i32
      %ne3A_313 = arith.constant 0 : i32
      %ne3A_314 = arith.cmpi ne, %rem3A_312, %ne3A_313 : i32
      %lt3A_315 = arith.constant 0 : i32
      %lt3A_316 = arith.cmpi slt, %rem3A_312, %lt3A_315 : i32
      %lt3A_317 = arith.constant 0 : i32
      %lt3A_318 = arith.cmpi slt, %select_n3A_311, %lt3A_317 : i32
      %ne3A_319 = arith.xori %lt3A_316, %lt3A_318 : i1
      %and3A_320 = arith.andi %ne3A_319, %ne3A_314 : i1
      %add3A_321 = arith.addi %rem3A_312, %select_n3A_311 : i32
      %select_n3A_322 = arith.select %and3A_320, %add3A_321, %rem3A_312 : i32
      %mul3A_323 = arith.constant 3072 : i32
      %mul3A_324 = arith.muli %select_n3A_322, %mul3A_323 : i32
      %add3A_325 = arith.addi %mul3A_324, %sub3A_306 : i32
      %mul3A_326 = arith.constant 24 : i32
      %mul3A_327 = arith.muli %select_n3A_298, %mul3A_326 : i32
      %sub3A_328 = arith.subi %mul3A_268, %mul3A_327 : i32
      %mul3A_329 = arith.constant 128 : i32
      %mul3A_330 = arith.muli %sub3A_328, %mul3A_329 : i32
      %add3A_331 = arith.addi %add3A_325, %mul3A_330 : i32
      %add3A_332 = arith.addi %select_n3A_29, %mul3A_268 : i32
      %mul3A_333 = arith.constant 128 : i32
      %mul3A_334 = arith.muli %add3A_332, %mul3A_333 : i32
      %add3A_335 = arith.constant 0 : i32
      %add3A_336 = arith.addi %mul3A_334, %add3A_335 : i32
      %dma_wait3A_337 = arith.constant 0 : i32
      %dma_wait3A_338 = arith.constant 0 : i32
      %dma_wait3A_339 = tpu.memref_slice %arg11[%dma_wait3A_337, %dma_wait3A_338] : memref<256x128xf32, #tpu.memory_space<vmem>> -> memref<128x128xf32, #tpu.memory_space<vmem>>
      %dma_wait3A_340 = arith.constant 0 : i32
      %dma_wait3A_341 = tpu.memref_slice %arg2[%add3A_336, %dma_wait3A_340] : memref<480000x128xf32, #tpu.memory_space<hbm>> -> memref<128x128xf32, #tpu.memory_space<hbm>>
      %dma_wait3A_342 = arith.constant 0 : i32
      %dma_wait3A_343 = arith.constant 0 : i32
      %dma_wait3A_344 = tpu.memref_slice %arg11[%dma_wait3A_342, %dma_wait3A_343] : memref<256x128xf32, #tpu.memory_space<vmem>> -> memref<128x128xf32, #tpu.memory_space<vmem>>
      %dma_wait3A_345 = arith.constant 0 : i32
      %dma_wait3A_346 = tpu.memref_slice %arg2[%add3A_336, %dma_wait3A_345] : memref<480000x128xf32, #tpu.memory_space<hbm>> -> memref<128x128xf32, #tpu.memory_space<hbm>>
      tpu.wait_dma2 semaphore(%arg20 : memref<!tpu.dma_semaphore, #tpu.memory_space<semaphore_mem>>) src(%dma_wait3A_346 : memref<128x128xf32, #tpu.memory_space<hbm>>) dst(%dma_wait3A_344 : memref<128x128xf32, #tpu.memory_space<vmem>>)
      %dma_wait3A_347 = arith.constant 0 : i32
      %dma_wait3A_348 = arith.constant 0 : i32
      %dma_wait3A_349 = tpu.memref_slice %arg12[%dma_wait3A_347, %dma_wait3A_348] : memref<256x128xf32, #tpu.memory_space<vmem>> -> memref<128x128xf32, #tpu.memory_space<vmem>>
      %dma_wait3A_350 = tpu.memref_slice %arg13[%add3A_331] : memref<6144xi32, #tpu.memory_space<vmem>> -> memref<128xi32, #tpu.memory_space<vmem>>
      %dma_wait3A_351 = arith.constant 0 : i32
      %dma_wait3A_352 = arith.constant 0 : i32
      %dma_wait3A_353 = tpu.memref_slice %arg6[%dma_wait3A_351, %dma_wait3A_352] : memref<10000x128xf32, #tpu.memory_space<hbm>> -> memref<10000x128xf32, #tpu.memory_space<hbm>>
      tpu.wait_indirect_dma semaphore(%arg20 : memref<!tpu.dma_semaphore, #tpu.memory_space<semaphore_mem>>) src(%dma_wait3A_353 : memref<10000x128xf32, #tpu.memory_space<hbm>>) dst(%dma_wait3A_349 : memref<128x128xf32, #tpu.memory_space<vmem>>)
      %jit3A_354 = arith.constant 24 : i32
      %div3A_355 = arith.divsi %mul3A_268, %jit3A_354 : i32
      %sign3A_356 = arith.constant 0 : i32
      %sign3A_357 = arith.cmpi sgt, %mul3A_268, %sign3A_356 : i32
      %sign3A_358 = arith.extui %sign3A_357 : i1 to i32
      %sign3A_359 = arith.constant 0 : i32
      %sign3A_360 = arith.cmpi slt, %mul3A_268, %sign3A_359 : i32
      %sign3A_361 = arith.extui %sign3A_360 : i1 to i32
      %sign3A_362 = arith.subi %sign3A_358, %sign3A_361 : i32
      %sign3A_363 = arith.constant 0 : i32
      %sign3A_364 = arith.cmpi sgt, %jit3A_354, %sign3A_363 : i32
      %sign3A_365 = arith.extui %sign3A_364 : i1 to i32
      %sign3A_366 = arith.constant 0 : i32
      %sign3A_367 = arith.cmpi slt, %jit3A_354, %sign3A_366 : i32
      %sign3A_368 = arith.extui %sign3A_367 : i1 to i32
      %sign3A_369 = arith.subi %sign3A_365, %sign3A_368 : i32
      %ne3A_370 = arith.cmpi ne, %sign3A_362, %sign3A_369 : i32
      %rem3A_371 = arith.remsi %mul3A_268, %jit3A_354 : i32
      %ne3A_372 = arith.constant 0 : i32
      %ne3A_373 = arith.cmpi ne, %rem3A_371, %ne3A_372 : i32
      %and3A_374 = arith.andi %ne3A_370, %ne3A_373 : i1
      %sub3A_375 = arith.constant 1 : i32
      %sub3A_376 = arith.subi %div3A_355, %sub3A_375 : i32
      %select_n3A_377 = arith.select %and3A_374, %sub3A_376, %div3A_355 : i32
      %mul3A_378 = arith.constant 24 : i32
      %mul3A_379 = arith.muli %select_n3A_377, %mul3A_378 : i32
      %add3A_380 = arith.addi %select_n3A_29, %mul3A_379 : i32
      %mul3A_381 = arith.constant 128 : i32
      %mul3A_382 = arith.muli %add3A_380, %mul3A_381 : i32
      %min3A_383 = arith.constant 476928 : i32
      %min3A_384 = arith.minsi %mul3A_382, %min3A_383 : i32
      %sub3A_385 = arith.subi %mul3A_382, %min3A_384 : i32
      %jit3A_386 = arith.constant 2 : i32
      %eq3A_387 = arith.constant 0 : i32
      %eq3A_388 = arith.cmpi eq, %jit3A_386, %eq3A_387 : i32
      %jit3A_389 = arith.constant 1 : i32
      %select_n3A_390 = arith.select %eq3A_388, %jit3A_389, %jit3A_386 : i32
      %rem3A_391 = arith.remsi %select_n3A_377, %select_n3A_390 : i32
      %ne3A_392 = arith.constant 0 : i32
      %ne3A_393 = arith.cmpi ne, %rem3A_391, %ne3A_392 : i32
      %lt3A_394 = arith.constant 0 : i32
      %lt3A_395 = arith.cmpi slt, %rem3A_391, %lt3A_394 : i32
      %lt3A_396 = arith.constant 0 : i32
      %lt3A_397 = arith.cmpi slt, %select_n3A_390, %lt3A_396 : i32
      %ne3A_398 = arith.xori %lt3A_395, %lt3A_397 : i1
      %and3A_399 = arith.andi %ne3A_398, %ne3A_393 : i1
      %add3A_400 = arith.addi %rem3A_391, %select_n3A_390 : i32
      %select_n3A_401 = arith.select %and3A_399, %add3A_400, %rem3A_391 : i32
      %mul3A_402 = arith.constant 3072 : i32
      %mul3A_403 = arith.muli %select_n3A_401, %mul3A_402 : i32
      %add3A_404 = arith.addi %mul3A_403, %sub3A_385 : i32
      %mul3A_405 = arith.constant 24 : i32
      %mul3A_406 = arith.muli %select_n3A_377, %mul3A_405 : i32
      %sub3A_407 = arith.subi %mul3A_268, %mul3A_406 : i32
      %mul3A_408 = arith.constant 128 : i32
      %mul3A_409 = arith.muli %sub3A_407, %mul3A_408 : i32
      %add3A_410 = arith.addi %add3A_404, %mul3A_409 : i32
      %scan3A_411 = arith.constant 0 : i32
      %scan3A_412 = arith.constant 0 : i32
      %scan3A_413 = arith.constant 8 : i32
      %scan3A_414 = arith.addi %scan3A_412, %scan3A_413 : i32
      %scan3A_415 = arith.constant 1 : i32
      %scan3A_416 = scf.for %scan3A_482 = %scan3A_412 to %scan3A_414 step %scan3A_415 iter_args(%scan3A_483 = %scan3A_411) -> (i32)  : i32 {
        %mul3A_484 = arith.constant 16 : i32
        %mul3A_485 = arith.muli %scan3A_482, %mul3A_484 : i32
        %add3A_486 = arith.constant 0 : i32
        %add3A_487 = arith.addi %add3A_486, %mul3A_485 : i32
        %add3A_488 = vector.broadcast %add3A_487 : i32 to vector<16xi32>
        %add3A_489 = arith.addi %add3A_488, %iota3A : vector<16xi32>
        %scan3A_490 = arith.constant 0 : i32
        %scan3A_491 = arith.constant 8 : i32
        %scan3A_492 = arith.addi %scan3A_490, %scan3A_491 : i32
        %scan3A_493 = arith.constant 1 : i32
        %scan3A_494:4 = scf.for %scan3A_510 = %scan3A_490 to %scan3A_492 step %scan3A_493 iter_args(%scan3A_511 = %broadcast_in_dim3A_149, %scan3A_512 = %broadcast_in_dim3A_149, %scan3A_513 = %broadcast_in_dim3A_149, %scan3A_514 = %broadcast_in_dim3A_149) -> (vector<16xf32>, vector<16xf32>, vector<16xf32>, vector<16xf32>)  : i32 {
          %mul3A_515 = arith.constant 16 : i32
          %mul3A_516 = arith.muli %scan3A_510, %mul3A_515 : i32
          %broadcast_in_dim3A_517 = vector.broadcast %mul3A_516 : i32 to vector<16xi32>
          %add3A_518 = arith.addi %and3A_58, %broadcast_in_dim3A_517 : vector<16xi32>
          %gather3A = tpu.vector_load_idx %arg11[%add3A_489, %add3A_518] : memref<256x128xf32, #tpu.memory_space<vmem>>[vector<16xi32>, vector<16xi32>], vector<16xf32>,
          %gather3A_519 = tpu.vector_load_idx %arg12[%add3A_489, %add3A_518] : memref<256x128xf32, #tpu.memory_space<vmem>>[vector<16xi32>, vector<16xi32>], vector<16xf32>,
          %mul3A_520 = arith.mulf %gather3A, %gather3A_519 : vector<16xf32>
          %add3A_521 = arith.addf %scan3A_511, %mul3A_520 : vector<16xf32>
          %add3A_522 = arith.addi %and3A_64, %broadcast_in_dim3A_517 : vector<16xi32>
          %gather3A_523 = tpu.vector_load_idx %arg11[%add3A_489, %add3A_522] : memref<256x128xf32, #tpu.memory_space<vmem>>[vector<16xi32>, vector<16xi32>], vector<16xf32>,
          %gather3A_524 = tpu.vector_load_idx %arg12[%add3A_489, %add3A_522] : memref<256x128xf32, #tpu.memory_space<vmem>>[vector<16xi32>, vector<16xi32>], vector<16xf32>,
          %mul3A_525 = arith.mulf %gather3A_523, %gather3A_524 : vector<16xf32>
          %add3A_526 = arith.addf %scan3A_512, %mul3A_525 : vector<16xf32>
          %add3A_527 = arith.addi %and3A_70, %broadcast_in_dim3A_517 : vector<16xi32>
          %gather3A_528 = tpu.vector_load_idx %arg11[%add3A_489, %add3A_527] : memref<256x128xf32, #tpu.memory_space<vmem>>[vector<16xi32>, vector<16xi32>], vector<16xf32>,
          %gather3A_529 = tpu.vector_load_idx %arg12[%add3A_489, %add3A_527] : memref<256x128xf32, #tpu.memory_space<vmem>>[vector<16xi32>, vector<16xi32>], vector<16xf32>,
          %mul3A_530 = arith.mulf %gather3A_528, %gather3A_529 : vector<16xf32>
          %add3A_531 = arith.addf %scan3A_513, %mul3A_530 : vector<16xf32>
          %add3A_532 = arith.addi %and3A_76, %broadcast_in_dim3A_517 : vector<16xi32>
          %gather3A_533 = tpu.vector_load_idx %arg11[%add3A_489, %add3A_532] : memref<256x128xf32, #tpu.memory_space<vmem>>[vector<16xi32>, vector<16xi32>], vector<16xf32>,
          %gather3A_534 = tpu.vector_load_idx %arg12[%add3A_489, %add3A_532] : memref<256x128xf32, #tpu.memory_space<vmem>>[vector<16xi32>, vector<16xi32>], vector<16xf32>,
          %mul3A_535 = arith.mulf %gather3A_533, %gather3A_534 : vector<16xf32>
          %add3A_536 = arith.addf %scan3A_514, %mul3A_535 : vector<16xf32>
          %add3A_537 = arith.addi %and3A_82, %broadcast_in_dim3A_517 : vector<16xi32>
          %gather3A_538 = tpu.vector_load_idx %arg11[%add3A_489, %add3A_537] : memref<256x128xf32, #tpu.memory_space<vmem>>[vector<16xi32>, vector<16xi32>], vector<16xf32>,
          %gather3A_539 = tpu.vector_load_idx %arg12[%add3A_489, %add3A_537] : memref<256x128xf32, #tpu.memory_space<vmem>>[vector<16xi32>, vector<16xi32>], vector<16xf32>,
          %mul3A_540 = arith.mulf %gather3A_538, %gather3A_539 : vector<16xf32>
          %add3A_541 = arith.addf %add3A_521, %mul3A_540 : vector<16xf32>
          %add3A_542 = arith.addi %and3A_88, %broadcast_in_dim3A_517 : vector<16xi32>
          %gather3A_543 = tpu.vector_load_idx %arg11[%add3A_489, %add3A_542] : memref<256x128xf32, #tpu.memory_space<vmem>>[vector<16xi32>, vector<16xi32>], vector<16xf32>,
          %gather3A_544 = tpu.vector_load_idx %arg12[%add3A_489, %add3A_542] : memref<256x128xf32, #tpu.memory_space<vmem>>[vector<16xi32>, vector<16xi32>], vector<16xf32>,
          %mul3A_545 = arith.mulf %gather3A_543, %gather3A_544 : vector<16xf32>
          %add3A_546 = arith.addf %add3A_526, %mul3A_545 : vector<16xf32>
          %add3A_547 = arith.addi %and3A_94, %broadcast_in_dim3A_517 : vector<16xi32>
          %gather3A_548 = tpu.vector_load_idx %arg11[%add3A_489, %add3A_547] : memref<256x128xf32, #tpu.memory_space<vmem>>[vector<16xi32>, vector<16xi32>], vector<16xf32>,
          %gather3A_549 = tpu.vector_load_idx %arg12[%add3A_489, %add3A_547] : memref<256x128xf32, #tpu.memory_space<vmem>>[vector<16xi32>, vector<16xi32>], vector<16xf32>,
          %mul3A_550 = arith.mulf %gather3A_548, %gather3A_549 : vector<16xf32>
          %add3A_551 = arith.addf %add3A_531, %mul3A_550 : vector<16xf32>
          %add3A_552 = arith.addi %and3A_100, %broadcast_in_dim3A_517 : vector<16xi32>
          %gather3A_553 = tpu.vector_load_idx %arg11[%add3A_489, %add3A_552] : memref<256x128xf32, #tpu.memory_space<vmem>>[vector<16xi32>, vector<16xi32>], vector<16xf32>,
          %gather3A_554 = tpu.vector_load_idx %arg12[%add3A_489, %add3A_552] : memref<256x128xf32, #tpu.memory_space<vmem>>[vector<16xi32>, vector<16xi32>], vector<16xf32>,
          %mul3A_555 = arith.mulf %gather3A_553, %gather3A_554 : vector<16xf32>
          %add3A_556 = arith.addf %add3A_536, %mul3A_555 : vector<16xf32>
          %add3A_557 = arith.addi %and3A_106, %broadcast_in_dim3A_517 : vector<16xi32>
          %gather3A_558 = tpu.vector_load_idx %arg11[%add3A_489, %add3A_557] : memref<256x128xf32, #tpu.memory_space<vmem>>[vector<16xi32>, vector<16xi32>], vector<16xf32>,
          %gather3A_559 = tpu.vector_load_idx %arg12[%add3A_489, %add3A_557] : memref<256x128xf32, #tpu.memory_space<vmem>>[vector<16xi32>, vector<16xi32>], vector<16xf32>,
          %mul3A_560 = arith.mulf %gather3A_558, %gather3A_559 : vector<16xf32>
          %add3A_561 = arith.addf %add3A_541, %mul3A_560 : vector<16xf32>
          %add3A_562 = arith.addi %and3A_112, %broadcast_in_dim3A_517 : vector<16xi32>
          %gather3A_563 = tpu.vector_load_idx %arg11[%add3A_489, %add3A_562] : memref<256x128xf32, #tpu.memory_space<vmem>>[vector<16xi32>, vector<16xi32>], vector<16xf32>,
          %gather3A_564 = tpu.vector_load_idx %arg12[%add3A_489, %add3A_562] : memref<256x128xf32, #tpu.memory_space<vmem>>[vector<16xi32>, vector<16xi32>], vector<16xf32>,
          %mul3A_565 = arith.mulf %gather3A_563, %gather3A_564 : vector<16xf32>
          %add3A_566 = arith.addf %add3A_546, %mul3A_565 : vector<16xf32>
          %add3A_567 = arith.addi %and3A_118, %broadcast_in_dim3A_517 : vector<16xi32>
          %gather3A_568 = tpu.vector_load_idx %arg11[%add3A_489, %add3A_567] : memref<256x128xf32, #tpu.memory_space<vmem>>[vector<16xi32>, vector<16xi32>], vector<16xf32>,
          %gather3A_569 = tpu.vector_load_idx %arg12[%add3A_489, %add3A_567] : memref<256x128xf32, #tpu.memory_space<vmem>>[vector<16xi32>, vector<16xi32>], vector<16xf32>,
          %mul3A_570 = arith.mulf %gather3A_568, %gather3A_569 : vector<16xf32>
          %add3A_571 = arith.addf %add3A_551, %mul3A_570 : vector<16xf32>
          %add3A_572 = arith.addi %and3A_124, %broadcast_in_dim3A_517 : vector<16xi32>
          %gather3A_573 = tpu.vector_load_idx %arg11[%add3A_489, %add3A_572] : memref<256x128xf32, #tpu.memory_space<vmem>>[vector<16xi32>, vector<16xi32>], vector<16xf32>,
          %gather3A_574 = tpu.vector_load_idx %arg12[%add3A_489, %add3A_572] : memref<256x128xf32, #tpu.memory_space<vmem>>[vector<16xi32>, vector<16xi32>], vector<16xf32>,
          %mul3A_575 = arith.mulf %gather3A_573, %gather3A_574 : vector<16xf32>
          %add3A_576 = arith.addf %add3A_556, %mul3A_575 : vector<16xf32>
          %add3A_577 = arith.addi %and3A_130, %broadcast_in_dim3A_517 : vector<16xi32>
          %gather3A_578 = tpu.vector_load_idx %arg11[%add3A_489, %add3A_577] : memref<256x128xf32, #tpu.memory_space<vmem>>[vector<16xi32>, vector<16xi32>], vector<16xf32>,
          %gather3A_579 = tpu.vector_load_idx %arg12[%add3A_489, %add3A_577] : memref<256x128xf32, #tpu.memory_space<vmem>>[vector<16xi32>, vector<16xi32>], vector<16xf32>,
          %mul3A_580 = arith.mulf %gather3A_578, %gather3A_579 : vector<16xf32>
          %add3A_581 = arith.addf %add3A_561, %mul3A_580 : vector<16xf32>
          %add3A_582 = arith.addi %and3A_136, %broadcast_in_dim3A_517 : vector<16xi32>
          %gather3A_583 = tpu.vector_load_idx %arg11[%add3A_489, %add3A_582] : memref<256x128xf32, #tpu.memory_space<vmem>>[vector<16xi32>, vector<16xi32>], vector<16xf32>,
          %gather3A_584 = tpu.vector_load_idx %arg12[%add3A_489, %add3A_582] : memref<256x128xf32, #tpu.memory_space<vmem>>[vector<16xi32>, vector<16xi32>], vector<16xf32>,
          %mul3A_585 = arith.mulf %gather3A_583, %gather3A_584 : vector<16xf32>
          %add3A_586 = arith.addf %add3A_566, %mul3A_585 : vector<16xf32>
          %add3A_587 = arith.addi %and3A_142, %broadcast_in_dim3A_517 : vector<16xi32>
          %gather3A_588 = tpu.vector_load_idx %arg11[%add3A_489, %add3A_587] : memref<256x128xf32, #tpu.memory_space<vmem>>[vector<16xi32>, vector<16xi32>], vector<16xf32>,
          %gather3A_589 = tpu.vector_load_idx %arg12[%add3A_489, %add3A_587] : memref<256x128xf32, #tpu.memory_space<vmem>>[vector<16xi32>, vector<16xi32>], vector<16xf32>,
          %mul3A_590 = arith.mulf %gather3A_588, %gather3A_589 : vector<16xf32>
          %add3A_591 = arith.addf %add3A_571, %mul3A_590 : vector<16xf32>
          %add3A_592 = arith.addi %and3A_148, %broadcast_in_dim3A_517 : vector<16xi32>
          %gather3A_593 = tpu.vector_load_idx %arg11[%add3A_489, %add3A_592] : memref<256x128xf32, #tpu.memory_space<vmem>>[vector<16xi32>, vector<16xi32>], vector<16xf32>,
          %gather3A_594 = tpu.vector_load_idx %arg12[%add3A_489, %add3A_592] : memref<256x128xf32, #tpu.memory_space<vmem>>[vector<16xi32>, vector<16xi32>], vector<16xf32>,
          %mul3A_595 = arith.mulf %gather3A_593, %gather3A_594 : vector<16xf32>
          %add3A_596 = arith.addf %add3A_576, %mul3A_595 : vector<16xf32>
          scf.yield %add3A_581, %add3A_586, %add3A_591, %add3A_596 : vector<16xf32>, vector<16xf32>, vector<16xf32>, vector<16xf32>
        }
        %scan3A_495 = arith.constant 8 : i32
        %add3A_496 = arith.addf %scan3A_494#0, %scan3A_494#1 : vector<16xf32>
        %add3A_497 = arith.addf %scan3A_494#2, %scan3A_494#3 : vector<16xf32>
        %add3A_498 = arith.addf %add3A_496, %add3A_497 : vector<16xf32>
        %mul3A_499 = arith.constant 16 : i32
        %mul3A_500 = arith.muli %scan3A_482, %mul3A_499 : i32
        %add3A_501 = arith.addi %add3A_410, %mul3A_500 : i32
        %get3A = arith.index_cast %add3A_501 : i32 to index
        %get3A_502 = tpu.vector_load %arg14[%get3A] {strides = array<i32>} : memref<6144xi32, #tpu.memory_space<vmem>>, vector<16xi32>,
        %mul3A_503 = arith.constant 3 : i32
        %mul3A_504 = vector.broadcast %mul3A_503 : i32 to vector<16xi32>
        %mul3A_505 = arith.muli %get3A_502, %mul3A_504 : vector<16xi32>
        %get3A_506 = arith.index_cast %add3A_501 : i32 to index
        %get3A_507 = tpu.vector_load %arg15[%get3A_506] {strides = array<i32>} : memref<6144xi32, #tpu.memory_space<vmem>>, vector<16xi32>,
        %add3A_508 = arith.addi %mul3A_505, %get3A_507 : vector<16xi32>
        tpu.vector_store_idx %arg16[%add3A_508], %add3A_498 {add = true} : memref<30720xf32, #tpu.memory_space<vmem>>[vector<16xi32>], vector<16xf32>,
        %scan3A_509 = arith.constant 0 : i32
        scf.yield %scan3A_509 : i32
      }
      %scan3A_417 = arith.constant 8 : i32
      %add3A_418 = arith.constant 1 : i32
      %add3A_419 = arith.addi %mul3A_268, %add3A_418 : i32
      %jit3A_420 = arith.constant 24 : i32
      %eq3A_421 = arith.constant 0 : i32
      %eq3A_422 = arith.cmpi eq, %jit3A_420, %eq3A_421 : i32
      %jit3A_423 = arith.constant 1 : i32
      %select_n3A_424 = arith.select %eq3A_422, %jit3A_423, %jit3A_420 : i32
      %rem3A_425 = arith.remsi %add3A_419, %select_n3A_424 : i32
      %ne3A_426 = arith.constant 0 : i32
      %ne3A_427 = arith.cmpi ne, %rem3A_425, %ne3A_426 : i32
      %lt3A_428 = arith.constant 0 : i32
      %lt3A_429 = arith.cmpi slt, %rem3A_425, %lt3A_428 : i32
      %lt3A_430 = arith.constant 0 : i32
      %lt3A_431 = arith.cmpi slt, %select_n3A_424, %lt3A_430 : i32
      %ne3A_432 = arith.xori %lt3A_429, %lt3A_431 : i1
      %and3A_433 = arith.andi %ne3A_432, %ne3A_427 : i1
      %add3A_434 = arith.addi %rem3A_425, %select_n3A_424 : i32
      %select_n3A_435 = arith.select %and3A_433, %add3A_434, %rem3A_425 : i32
      %eq3A_436 = arith.constant 0 : i32
      %eq3A_437 = arith.cmpi eq, %select_n3A_435, %eq3A_436 : i32
      %add3A_438 = arith.constant 1 : i32
      %add3A_439 = arith.addi %mul3A_268, %add3A_438 : i32
      %jit3A_440 = arith.constant 24 : i32
      %div3A_441 = arith.divsi %add3A_439, %jit3A_440 : i32
      %sign3A_442 = arith.constant 0 : i32
      %sign3A_443 = arith.cmpi sgt, %add3A_439, %sign3A_442 : i32
      %sign3A_444 = arith.extui %sign3A_443 : i1 to i32
      %sign3A_445 = arith.constant 0 : i32
      %sign3A_446 = arith.cmpi slt, %add3A_439, %sign3A_445 : i32
      %sign3A_447 = arith.extui %sign3A_446 : i1 to i32
      %sign3A_448 = arith.subi %sign3A_444, %sign3A_447 : i32
      %sign3A_449 = arith.constant 0 : i32
      %sign3A_450 = arith.cmpi sgt, %jit3A_440, %sign3A_449 : i32
      %sign3A_451 = arith.extui %sign3A_450 : i1 to i32
      %sign3A_452 = arith.constant 0 : i32
      %sign3A_453 = arith.cmpi slt, %jit3A_440, %sign3A_452 : i32
      %sign3A_454 = arith.extui %sign3A_453 : i1 to i32
      %sign3A_455 = arith.subi %sign3A_451, %sign3A_454 : i32
      %ne3A_456 = arith.cmpi ne, %sign3A_448, %sign3A_455 : i32
      %rem3A_457 = arith.remsi %add3A_439, %jit3A_440 : i32
      %ne3A_458 = arith.constant 0 : i32
      %ne3A_459 = arith.cmpi ne, %rem3A_457, %ne3A_458 : i32
      %and3A_460 = arith.andi %ne3A_456, %ne3A_459 : i1
      %sub3A_461 = arith.constant 1 : i32
      %sub3A_462 = arith.subi %div3A_441, %sub3A_461 : i32
      %select_n3A_463 = arith.select %and3A_460, %sub3A_462, %div3A_441 : i32
      %add3A_464 = arith.constant 1 : i32
      %add3A_465 = arith.addi %select_n3A_463, %add3A_464 : i32
      %lt3A_466 = arith.cmpi slt, %add3A_465, %select_n3A_52 : i32
      %and3A_467 = arith.andi %eq3A_437, %lt3A_466 : i1
      %convert_element_type3A_468 = arith.extui %and3A_467 : i1 to i32
      %cond3A_469 = arith.constant 0 : i32
      %cond3A_470 = arith.cmpi ne, %convert_element_type3A_468, %cond3A_469 : i32
      scf.if %cond3A_470 {
        %add3A_482 = arith.constant 1 : i32
        %add3A_483 = arith.addi %mul3A_268, %add3A_482 : i32
        %jit3A_484 = arith.constant 24 : i32
        %div3A_485 = arith.divsi %add3A_483, %jit3A_484 : i32
        %sign3A_486 = arith.constant 0 : i32
        %sign3A_487 = arith.cmpi sgt, %add3A_483, %sign3A_486 : i32
        %sign3A_488 = arith.extui %sign3A_487 : i1 to i32
        %sign3A_489 = arith.constant 0 : i32
        %sign3A_490 = arith.cmpi slt, %add3A_483, %sign3A_489 : i32
        %sign3A_491 = arith.extui %sign3A_490 : i1 to i32
        %sign3A_492 = arith.subi %sign3A_488, %sign3A_491 : i32
        %sign3A_493 = arith.constant 0 : i32
        %sign3A_494 = arith.cmpi sgt, %jit3A_484, %sign3A_493 : i32
        %sign3A_495 = arith.extui %sign3A_494 : i1 to i32
        %sign3A_496 = arith.constant 0 : i32
        %sign3A_497 = arith.cmpi slt, %jit3A_484, %sign3A_496 : i32
        %sign3A_498 = arith.extui %sign3A_497 : i1 to i32
        %sign3A_499 = arith.subi %sign3A_495, %sign3A_498 : i32
        %ne3A_500 = arith.cmpi ne, %sign3A_492, %sign3A_499 : i32
        %rem3A_501 = arith.remsi %add3A_483, %jit3A_484 : i32
        %ne3A_502 = arith.constant 0 : i32
        %ne3A_503 = arith.cmpi ne, %rem3A_501, %ne3A_502 : i32
        %and3A_504 = arith.andi %ne3A_500, %ne3A_503 : i1
        %sub3A_505 = arith.constant 1 : i32
        %sub3A_506 = arith.subi %div3A_485, %sub3A_505 : i32
        %select_n3A_507 = arith.select %and3A_504, %sub3A_506, %div3A_485 : i32
        %add3A_508 = arith.constant 1 : i32
        %add3A_509 = arith.addi %select_n3A_507, %add3A_508 : i32
        %jit3A_510 = arith.constant 2 : i32
        %eq3A_511 = arith.constant 0 : i32
        %eq3A_512 = arith.cmpi eq, %jit3A_510, %eq3A_511 : i32
        %jit3A_513 = arith.constant 1 : i32
        %select_n3A_514 = arith.select %eq3A_512, %jit3A_513, %jit3A_510 : i32
        %rem3A_515 = arith.remsi %add3A_509, %select_n3A_514 : i32
        %ne3A_516 = arith.constant 0 : i32
        %ne3A_517 = arith.cmpi ne, %rem3A_515, %ne3A_516 : i32
        %lt3A_518 = arith.constant 0 : i32
        %lt3A_519 = arith.cmpi slt, %rem3A_515, %lt3A_518 : i32
        %lt3A_520 = arith.constant 0 : i32
        %lt3A_521 = arith.cmpi slt, %select_n3A_514, %lt3A_520 : i32
        %ne3A_522 = arith.xori %lt3A_519, %lt3A_521 : i1
        %and3A_523 = arith.andi %ne3A_522, %ne3A_517 : i1
        %add3A_524 = arith.addi %rem3A_515, %select_n3A_514 : i32
        %select_n3A_525 = arith.select %and3A_523, %add3A_524, %rem3A_515 : i32
        %mul3A_526 = arith.constant 24 : i32
        %mul3A_527 = arith.muli %add3A_509, %mul3A_526 : i32
        %add3A_528 = arith.addi %select_n3A_29, %mul3A_527 : i32
        %mul3A_529 = arith.constant 128 : i32
        %mul3A_530 = arith.muli %add3A_528, %mul3A_529 : i32
        %min3A_531 = arith.constant 476928 : i32
        %min3A_532 = arith.minsi %mul3A_530, %min3A_531 : i32
        %mul3A_533 = arith.constant 3072 : i32
        %mul3A_534 = arith.muli %select_n3A_525, %mul3A_533 : i32
        %dma_start3A_535 = tpu.memref_slice %arg13[%mul3A_534] : memref<6144xi32, #tpu.memory_space<vmem>> -> memref<3072xi32, #tpu.memory_space<vmem>>
        %dma_start3A_536 = tpu.memref_slice %arg3[%min3A_532] : memref<480000xi32, #tpu.memory_space<hbm>> -> memref<3072xi32, #tpu.memory_space<hbm>>
        %dma_start3A_537 = tpu.memref_slice %arg13[%mul3A_534] : memref<6144xi32, #tpu.memory_space<vmem>> -> memref<3072xi32, #tpu.memory_space<vmem>>
        %dma_start3A_538 = tpu.memref_slice %arg3[%min3A_532] : memref<480000xi32, #tpu.memory_space<hbm>> -> memref<3072xi32, #tpu.memory_space<hbm>>
        tpu.enqueue_dma source(%dma_start3A_538 : memref<3072xi32, #tpu.memory_space<hbm>>) target(%dma_start3A_537 : memref<3072xi32, #tpu.memory_space<vmem>>) target_semaphore(%arg22 : memref<!tpu.dma_semaphore, #tpu.memory_space<semaphore_mem>>)
        %dma_start3A_539 = tpu.memref_slice %arg14[%mul3A_534] : memref<6144xi32, #tpu.memory_space<vmem>> -> memref<3072xi32, #tpu.memory_space<vmem>>
        %dma_start3A_540 = tpu.memref_slice %arg4[%min3A_532] : memref<480000xi32, #tpu.memory_space<hbm>> -> memref<3072xi32, #tpu.memory_space<hbm>>
        %dma_start3A_541 = tpu.memref_slice %arg14[%mul3A_534] : memref<6144xi32, #tpu.memory_space<vmem>> -> memref<3072xi32, #tpu.memory_space<vmem>>
        %dma_start3A_542 = tpu.memref_slice %arg4[%min3A_532] : memref<480000xi32, #tpu.memory_space<hbm>> -> memref<3072xi32, #tpu.memory_space<hbm>>
        tpu.enqueue_dma source(%dma_start3A_542 : memref<3072xi32, #tpu.memory_space<hbm>>) target(%dma_start3A_541 : memref<3072xi32, #tpu.memory_space<vmem>>) target_semaphore(%arg22 : memref<!tpu.dma_semaphore, #tpu.memory_space<semaphore_mem>>)
        %dma_start3A_543 = tpu.memref_slice %arg15[%mul3A_534] : memref<6144xi32, #tpu.memory_space<vmem>> -> memref<3072xi32, #tpu.memory_space<vmem>>
        %dma_start3A_544 = tpu.memref_slice %arg5[%min3A_532] : memref<480000xi32, #tpu.memory_space<hbm>> -> memref<3072xi32, #tpu.memory_space<hbm>>
        %dma_start3A_545 = tpu.memref_slice %arg15[%mul3A_534] : memref<6144xi32, #tpu.memory_space<vmem>> -> memref<3072xi32, #tpu.memory_space<vmem>>
        %dma_start3A_546 = tpu.memref_slice %arg5[%min3A_532] : memref<480000xi32, #tpu.memory_space<hbm>> -> memref<3072xi32, #tpu.memory_space<hbm>>
        tpu.enqueue_dma source(%dma_start3A_546 : memref<3072xi32, #tpu.memory_space<hbm>>) target(%dma_start3A_545 : memref<3072xi32, #tpu.memory_space<vmem>>) target_semaphore(%arg22 : memref<!tpu.dma_semaphore, #tpu.memory_space<semaphore_mem>>)
      } else {
      }
      %add3A_471 = arith.constant 2 : i32
      %add3A_472 = arith.addi %mul3A_268, %add3A_471 : i32
      %lt3A_473 = arith.cmpi slt, %add3A_472, %select_n3A_16 : i32
      %convert_element_type3A_474 = arith.extui %lt3A_473 : i1 to i32
      %cond3A_475 = arith.constant 0 : i32
      %cond3A_476 = arith.cmpi ne, %convert_element_type3A_474, %cond3A_475 : i32
      scf.if %cond3A_476 {
        %add3A_482 = arith.constant 2 : i32
        %add3A_483 = arith.addi %mul3A_268, %add3A_482 : i32
        %jit3A_484 = arith.constant 24 : i32
        %div3A_485 = arith.divsi %add3A_483, %jit3A_484 : i32
        %sign3A_486 = arith.constant 0 : i32
        %sign3A_487 = arith.cmpi sgt, %add3A_483, %sign3A_486 : i32
        %sign3A_488 = arith.extui %sign3A_487 : i1 to i32
        %sign3A_489 = arith.constant 0 : i32
        %sign3A_490 = arith.cmpi slt, %add3A_483, %sign3A_489 : i32
        %sign3A_491 = arith.extui %sign3A_490 : i1 to i32
        %sign3A_492 = arith.subi %sign3A_488, %sign3A_491 : i32
        %sign3A_493 = arith.constant 0 : i32
        %sign3A_494 = arith.cmpi sgt, %jit3A_484, %sign3A_493 : i32
        %sign3A_495 = arith.extui %sign3A_494 : i1 to i32
        %sign3A_496 = arith.constant 0 : i32
        %sign3A_497 = arith.cmpi slt, %jit3A_484, %sign3A_496 : i32
        %sign3A_498 = arith.extui %sign3A_497 : i1 to i32
        %sign3A_499 = arith.subi %sign3A_495, %sign3A_498 : i32
        %ne3A_500 = arith.cmpi ne, %sign3A_492, %sign3A_499 : i32
        %rem3A_501 = arith.remsi %add3A_483, %jit3A_484 : i32
        %ne3A_502 = arith.constant 0 : i32
        %ne3A_503 = arith.cmpi ne, %rem3A_501, %ne3A_502 : i32
        %and3A_504 = arith.andi %ne3A_500, %ne3A_503 : i1
        %sub3A_505 = arith.constant 1 : i32
        %sub3A_506 = arith.subi %div3A_485, %sub3A_505 : i32
        %select_n3A_507 = arith.select %and3A_504, %sub3A_506, %div3A_485 : i32
        %mul3A_508 = arith.constant 24 : i32
        %mul3A_509 = arith.muli %select_n3A_507, %mul3A_508 : i32
        %add3A_510 = arith.addi %select_n3A_29, %mul3A_509 : i32
        %mul3A_511 = arith.constant 128 : i32
        %mul3A_512 = arith.muli %add3A_510, %mul3A_511 : i32
        %min3A_513 = arith.constant 476928 : i32
        %min3A_514 = arith.minsi %mul3A_512, %min3A_513 : i32
        %sub3A_515 = arith.subi %mul3A_512, %min3A_514 : i32
        %jit3A_516 = arith.constant 2 : i32
        %eq3A_517 = arith.constant 0 : i32
        %eq3A_518 = arith.cmpi eq, %jit3A_516, %eq3A_517 : i32
        %jit3A_519 = arith.constant 1 : i32
        %select_n3A_520 = arith.select %eq3A_518, %jit3A_519, %jit3A_516 : i32
        %rem3A_521 = arith.remsi %select_n3A_507, %select_n3A_520 : i32
        %ne3A_522 = arith.constant 0 : i32
        %ne3A_523 = arith.cmpi ne, %rem3A_521, %ne3A_522 : i32
        %lt3A_524 = arith.constant 0 : i32
        %lt3A_525 = arith.cmpi slt, %rem3A_521, %lt3A_524 : i32
        %lt3A_526 = arith.constant 0 : i32
        %lt3A_527 = arith.cmpi slt, %select_n3A_520, %lt3A_526 : i32
        %ne3A_528 = arith.xori %lt3A_525, %lt3A_527 : i1
        %and3A_529 = arith.andi %ne3A_528, %ne3A_523 : i1
        %add3A_530 = arith.addi %rem3A_521, %select_n3A_520 : i32
        %select_n3A_531 = arith.select %and3A_529, %add3A_530, %rem3A_521 : i32
        %mul3A_532 = arith.constant 3072 : i32
        %mul3A_533 = arith.muli %select_n3A_531, %mul3A_532 : i32
        %add3A_534 = arith.addi %mul3A_533, %sub3A_515 : i32
        %mul3A_535 = arith.constant 24 : i32
        %mul3A_536 = arith.muli %select_n3A_507, %mul3A_535 : i32
        %sub3A_537 = arith.subi %add3A_483, %mul3A_536 : i32
        %mul3A_538 = arith.constant 128 : i32
        %mul3A_539 = arith.muli %sub3A_537, %mul3A_538 : i32
        %add3A_540 = arith.addi %add3A_534, %mul3A_539 : i32
        %gt3A_541 = arith.constant 0 : i32
        %gt3A_542 = arith.cmpi sgt, %add3A_483, %gt3A_541 : i32
        %jit3A_543 = arith.constant 24 : i32
        %eq3A_544 = arith.constant 0 : i32
        %eq3A_545 = arith.cmpi eq, %jit3A_543, %eq3A_544 : i32
        %jit3A_546 = arith.constant 1 : i32
        %select_n3A_547 = arith.select %eq3A_545, %jit3A_546, %jit3A_543 : i32
        %rem3A_548 = arith.remsi %add3A_483, %select_n3A_547 : i32
        %ne3A_549 = arith.constant 0 : i32
        %ne3A_550 = arith.cmpi ne, %rem3A_548, %ne3A_549 : i32
        %lt3A_551 = arith.constant 0 : i32
        %lt3A_552 = arith.cmpi slt, %rem3A_548, %lt3A_551 : i32
        %lt3A_553 = arith.constant 0 : i32
        %lt3A_554 = arith.cmpi slt, %select_n3A_547, %lt3A_553 : i32
        %ne3A_555 = arith.xori %lt3A_552, %lt3A_554 : i1
        %and3A_556 = arith.andi %ne3A_555, %ne3A_550 : i1
        %add3A_557 = arith.addi %rem3A_548, %select_n3A_547 : i32
        %select_n3A_558 = arith.select %and3A_556, %add3A_557, %rem3A_548 : i32
        %eq3A_559 = arith.constant 0 : i32
        %eq3A_560 = arith.cmpi eq, %select_n3A_558, %eq3A_559 : i32
        %and3A_561 = arith.andi %gt3A_542, %eq3A_560 : i1
        %convert_element_type3A_562 = arith.extui %and3A_561 : i1 to i32
        %cond3A_563 = arith.constant 0 : i32
        %cond3A_564 = arith.cmpi ne, %convert_element_type3A_562, %cond3A_563 : i32
        scf.if %cond3A_564 {
          %jit3A_587 = arith.constant 2 : i32
          %eq3A_588 = arith.constant 0 : i32
          %eq3A_589 = arith.cmpi eq, %jit3A_587, %eq3A_588 : i32
          %jit3A_590 = arith.constant 1 : i32
          %select_n3A_591 = arith.select %eq3A_589, %jit3A_590, %jit3A_587 : i32
          %rem3A_592 = arith.remsi %select_n3A_507, %select_n3A_591 : i32
          %ne3A_593 = arith.constant 0 : i32
          %ne3A_594 = arith.cmpi ne, %rem3A_592, %ne3A_593 : i32
          %lt3A_595 = arith.constant 0 : i32
          %lt3A_596 = arith.cmpi slt, %rem3A_592, %lt3A_595 : i32
          %lt3A_597 = arith.constant 0 : i32
          %lt3A_598 = arith.cmpi slt, %select_n3A_591, %lt3A_597 : i32
          %ne3A_599 = arith.xori %lt3A_596, %lt3A_598 : i1
          %and3A_600 = arith.andi %ne3A_599, %ne3A_594 : i1
          %add3A_601 = arith.addi %rem3A_592, %select_n3A_591 : i32
          %select_n3A_602 = arith.select %and3A_600, %add3A_601, %rem3A_592 : i32
          %mul3A_603 = arith.constant 24 : i32
          %mul3A_604 = arith.muli %select_n3A_507, %mul3A_603 : i32
          %add3A_605 = arith.addi %select_n3A_29, %mul3A_604 : i32
          %mul3A_606 = arith.constant 128 : i32
          %mul3A_607 = arith.muli %add3A_605, %mul3A_606 : i32
          %min3A_608 = arith.constant 476928 : i32
          %min3A_609 = arith.minsi %mul3A_607, %min3A_608 : i32
          %mul3A_610 = arith.constant 3072 : i32
          %mul3A_611 = arith.muli %select_n3A_602, %mul3A_610 : i32
          %dma_wait3A_612 = tpu.memref_slice %arg13[%mul3A_611] : memref<6144xi32, #tpu.memory_space<vmem>> -> memref<3072xi32, #tpu.memory_space<vmem>>
          %dma_wait3A_613 = tpu.memref_slice %arg3[%min3A_609] : memref<480000xi32, #tpu.memory_space<hbm>> -> memref<3072xi32, #tpu.memory_space<hbm>>
          %dma_wait3A_614 = tpu.memref_slice %arg13[%mul3A_611] : memref<6144xi32, #tpu.memory_space<vmem>> -> memref<3072xi32, #tpu.memory_space<vmem>>
          %dma_wait3A_615 = tpu.memref_slice %arg3[%min3A_609] : memref<480000xi32, #tpu.memory_space<hbm>> -> memref<3072xi32, #tpu.memory_space<hbm>>
          tpu.wait_dma2 semaphore(%arg22 : memref<!tpu.dma_semaphore, #tpu.memory_space<semaphore_mem>>) src(%dma_wait3A_615 : memref<3072xi32, #tpu.memory_space<hbm>>) dst(%dma_wait3A_614 : memref<3072xi32, #tpu.memory_space<vmem>>)
          %dma_wait3A_616 = tpu.memref_slice %arg14[%mul3A_611] : memref<6144xi32, #tpu.memory_space<vmem>> -> memref<3072xi32, #tpu.memory_space<vmem>>
          %dma_wait3A_617 = tpu.memref_slice %arg4[%min3A_609] : memref<480000xi32, #tpu.memory_space<hbm>> -> memref<3072xi32, #tpu.memory_space<hbm>>
          %dma_wait3A_618 = tpu.memref_slice %arg14[%mul3A_611] : memref<6144xi32, #tpu.memory_space<vmem>> -> memref<3072xi32, #tpu.memory_space<vmem>>
          %dma_wait3A_619 = tpu.memref_slice %arg4[%min3A_609] : memref<480000xi32, #tpu.memory_space<hbm>> -> memref<3072xi32, #tpu.memory_space<hbm>>
          tpu.wait_dma2 semaphore(%arg22 : memref<!tpu.dma_semaphore, #tpu.memory_space<semaphore_mem>>) src(%dma_wait3A_619 : memref<3072xi32, #tpu.memory_space<hbm>>) dst(%dma_wait3A_618 : memref<3072xi32, #tpu.memory_space<vmem>>)
          %dma_wait3A_620 = tpu.memref_slice %arg15[%mul3A_611] : memref<6144xi32, #tpu.memory_space<vmem>> -> memref<3072xi32, #tpu.memory_space<vmem>>
          %dma_wait3A_621 = tpu.memref_slice %arg5[%min3A_609] : memref<480000xi32, #tpu.memory_space<hbm>> -> memref<3072xi32, #tpu.memory_space<hbm>>
          %dma_wait3A_622 = tpu.memref_slice %arg15[%mul3A_611] : memref<6144xi32, #tpu.memory_space<vmem>> -> memref<3072xi32, #tpu.memory_space<vmem>>
          %dma_wait3A_623 = tpu.memref_slice %arg5[%min3A_609] : memref<480000xi32, #tpu.memory_space<hbm>> -> memref<3072xi32, #tpu.memory_space<hbm>>
          tpu.wait_dma2 semaphore(%arg22 : memref<!tpu.dma_semaphore, #tpu.memory_space<semaphore_mem>>) src(%dma_wait3A_623 : memref<3072xi32, #tpu.memory_space<hbm>>) dst(%dma_wait3A_622 : memref<3072xi32, #tpu.memory_space<vmem>>)
        } else {
        }
        %add3A_565 = arith.addi %select_n3A_29, %add3A_483 : i32
        %mul3A_566 = arith.constant 128 : i32
        %mul3A_567 = arith.muli %add3A_565, %mul3A_566 : i32
        %add3A_568 = arith.constant 0 : i32
        %add3A_569 = arith.addi %mul3A_567, %add3A_568 : i32
        %dma_start3A_570 = arith.constant 0 : i32
        %dma_start3A_571 = arith.constant 0 : i32
        %dma_start3A_572 = tpu.memref_slice %arg11[%dma_start3A_570, %dma_start3A_571] : memref<256x128xf32, #tpu.memory_space<vmem>> -> memref<128x128xf32, #tpu.memory_space<vmem>>
        %dma_start3A_573 = arith.constant 0 : i32
        %dma_start3A_574 = tpu.memref_slice %arg2[%add3A_569, %dma_start3A_573] : memref<480000x128xf32, #tpu.memory_space<hbm>> -> memref<128x128xf32, #tpu.memory_space<hbm>>
        %dma_start3A_575 = arith.constant 0 : i32
        %dma_start3A_576 = arith.constant 0 : i32
        %dma_start3A_577 = tpu.memref_slice %arg11[%dma_start3A_575, %dma_start3A_576] : memref<256x128xf32, #tpu.memory_space<vmem>> -> memref<128x128xf32, #tpu.memory_space<vmem>>
        %dma_start3A_578 = arith.constant 0 : i32
        %dma_start3A_579 = tpu.memref_slice %arg2[%add3A_569, %dma_start3A_578] : memref<480000x128xf32, #tpu.memory_space<hbm>> -> memref<128x128xf32, #tpu.memory_space<hbm>>
        tpu.enqueue_dma source(%dma_start3A_579 : memref<128x128xf32, #tpu.memory_space<hbm>>) target(%dma_start3A_577 : memref<128x128xf32, #tpu.memory_space<vmem>>) target_semaphore(%arg20 : memref<!tpu.dma_semaphore, #tpu.memory_space<semaphore_mem>>)
        %dma_start3A_580 = arith.constant 0 : i32
        %dma_start3A_581 = arith.constant 0 : i32
        %dma_start3A_582 = tpu.memref_slice %arg12[%dma_start3A_580, %dma_start3A_581] : memref<256x128xf32, #tpu.memory_space<vmem>> -> memref<128x128xf32, #tpu.memory_space<vmem>>
        %dma_start3A_583 = tpu.memref_slice %arg13[%add3A_540] : memref<6144xi32, #tpu.memory_space<vmem>> -> memref<128xi32, #tpu.memory_space<vmem>>
        %dma_start3A_584 = arith.constant 0 : i32
        %dma_start3A_585 = arith.constant 0 : i32
        %dma_start3A_586 = tpu.memref_slice %arg6[%dma_start3A_584, %dma_start3A_585] : memref<10000x128xf32, #tpu.memory_space<hbm>> -> memref<10000x128xf32, #tpu.memory_space<hbm>>
        tpu.enqueue_indirect_dma source(%dma_start3A_586 : memref<10000x128xf32, #tpu.memory_space<hbm>>) target(%dma_start3A_582 : memref<128x128xf32, #tpu.memory_space<vmem>>) offsets(%dma_start3A_583 : memref<128xi32, #tpu.memory_space<vmem>>) semaphore(%arg20 : memref<!tpu.dma_semaphore, #tpu.memory_space<semaphore_mem>>)
      } else {
      }
      %lt3A_477 = arith.cmpi slt, %add3A_270, %select_n3A_16 : i32
      %convert_element_type3A_478 = arith.extui %lt3A_477 : i1 to i32
      %cond3A_479 = arith.constant 0 : i32
      %cond3A_480 = arith.cmpi ne, %convert_element_type3A_478, %cond3A_479 : i32
      scf.if %cond3A_480 {
        %jit3A_482 = arith.constant 24 : i32
        %div3A_483 = arith.divsi %add3A_270, %jit3A_482 : i32
        %sign3A_484 = arith.constant 0 : i32
        %sign3A_485 = arith.cmpi sgt, %add3A_270, %sign3A_484 : i32
        %sign3A_486 = arith.extui %sign3A_485 : i1 to i32
        %sign3A_487 = arith.constant 0 : i32
        %sign3A_488 = arith.cmpi slt, %add3A_270, %sign3A_487 : i32
        %sign3A_489 = arith.extui %sign3A_488 : i1 to i32
        %sign3A_490 = arith.subi %sign3A_486, %sign3A_489 : i32
        %sign3A_491 = arith.constant 0 : i32
        %sign3A_492 = arith.cmpi sgt, %jit3A_482, %sign3A_491 : i32
        %sign3A_493 = arith.extui %sign3A_492 : i1 to i32
        %sign3A_494 = arith.constant 0 : i32
        %sign3A_495 = arith.cmpi slt, %jit3A_482, %sign3A_494 : i32
        %sign3A_496 = arith.extui %sign3A_495 : i1 to i32
        %sign3A_497 = arith.subi %sign3A_493, %sign3A_496 : i32
        %ne3A_498 = arith.cmpi ne, %sign3A_490, %sign3A_497 : i32
        %rem3A_499 = arith.remsi %add3A_270, %jit3A_482 : i32
        %ne3A_500 = arith.constant 0 : i32
        %ne3A_501 = arith.cmpi ne, %rem3A_499, %ne3A_500 : i32
        %and3A_502 = arith.andi %ne3A_498, %ne3A_501 : i1
        %sub3A_503 = arith.constant 1 : i32
        %sub3A_504 = arith.subi %div3A_483, %sub3A_503 : i32
        %select_n3A_505 = arith.select %and3A_502, %sub3A_504, %div3A_483 : i32
        %mul3A_506 = arith.constant 24 : i32
        %mul3A_507 = arith.muli %select_n3A_505, %mul3A_506 : i32
        %add3A_508 = arith.addi %select_n3A_29, %mul3A_507 : i32
        %mul3A_509 = arith.constant 128 : i32
        %mul3A_510 = arith.muli %add3A_508, %mul3A_509 : i32
        %min3A_511 = arith.constant 476928 : i32
        %min3A_512 = arith.minsi %mul3A_510, %min3A_511 : i32
        %sub3A_513 = arith.subi %mul3A_510, %min3A_512 : i32
        %jit3A_514 = arith.constant 2 : i32
        %eq3A_515 = arith.constant 0 : i32
        %eq3A_516 = arith.cmpi eq, %jit3A_514, %eq3A_515 : i32
        %jit3A_517 = arith.constant 1 : i32
        %select_n3A_518 = arith.select %eq3A_516, %jit3A_517, %jit3A_514 : i32
        %rem3A_519 = arith.remsi %select_n3A_505, %select_n3A_518 : i32
        %ne3A_520 = arith.constant 0 : i32
        %ne3A_521 = arith.cmpi ne, %rem3A_519, %ne3A_520 : i32
        %lt3A_522 = arith.constant 0 : i32
        %lt3A_523 = arith.cmpi slt, %rem3A_519, %lt3A_522 : i32
        %lt3A_524 = arith.constant 0 : i32
        %lt3A_525 = arith.cmpi slt, %select_n3A_518, %lt3A_524 : i32
        %ne3A_526 = arith.xori %lt3A_523, %lt3A_525 : i1
        %and3A_527 = arith.andi %ne3A_526, %ne3A_521 : i1
        %add3A_528 = arith.addi %rem3A_519, %select_n3A_518 : i32
        %select_n3A_529 = arith.select %and3A_527, %add3A_528, %rem3A_519 : i32
        %mul3A_530 = arith.constant 3072 : i32
        %mul3A_531 = arith.muli %select_n3A_529, %mul3A_530 : i32
        %add3A_532 = arith.addi %mul3A_531, %sub3A_513 : i32
        %mul3A_533 = arith.constant 24 : i32
        %mul3A_534 = arith.muli %select_n3A_505, %mul3A_533 : i32
        %sub3A_535 = arith.subi %add3A_270, %mul3A_534 : i32
        %mul3A_536 = arith.constant 128 : i32
        %mul3A_537 = arith.muli %sub3A_535, %mul3A_536 : i32
        %add3A_538 = arith.addi %add3A_532, %mul3A_537 : i32
        %add3A_539 = arith.addi %select_n3A_29, %add3A_270 : i32
        %mul3A_540 = arith.constant 128 : i32
        %mul3A_541 = arith.muli %add3A_539, %mul3A_540 : i32
        %add3A_542 = arith.constant 0 : i32
        %add3A_543 = arith.addi %mul3A_541, %add3A_542 : i32
        %dma_wait3A_544 = arith.constant 128 : i32
        %dma_wait3A_545 = arith.constant 0 : i32
        %dma_wait3A_546 = tpu.memref_slice %arg11[%dma_wait3A_544, %dma_wait3A_545] : memref<256x128xf32, #tpu.memory_space<vmem>> -> memref<128x128xf32, #tpu.memory_space<vmem>>
        %dma_wait3A_547 = arith.constant 0 : i32
        %dma_wait3A_548 = tpu.memref_slice %arg2[%add3A_543, %dma_wait3A_547] : memref<480000x128xf32, #tpu.memory_space<hbm>> -> memref<128x128xf32, #tpu.memory_space<hbm>>
        %dma_wait3A_549 = arith.constant 128 : i32
        %dma_wait3A_550 = arith.constant 0 : i32
        %dma_wait3A_551 = tpu.memref_slice %arg11[%dma_wait3A_549, %dma_wait3A_550] : memref<256x128xf32, #tpu.memory_space<vmem>> -> memref<128x128xf32, #tpu.memory_space<vmem>>
        %dma_wait3A_552 = arith.constant 0 : i32
        %dma_wait3A_553 = tpu.memref_slice %arg2[%add3A_543, %dma_wait3A_552] : memref<480000x128xf32, #tpu.memory_space<hbm>> -> memref<128x128xf32, #tpu.memory_space<hbm>>
        tpu.wait_dma2 semaphore(%arg21 : memref<!tpu.dma_semaphore, #tpu.memory_space<semaphore_mem>>) src(%dma_wait3A_553 : memref<128x128xf32, #tpu.memory_space<hbm>>) dst(%dma_wait3A_551 : memref<128x128xf32, #tpu.memory_space<vmem>>)
        %dma_wait3A_554 = arith.constant 128 : i32
        %dma_wait3A_555 = arith.constant 0 : i32
        %dma_wait3A_556 = tpu.memref_slice %arg12[%dma_wait3A_554, %dma_wait3A_555] : memref<256x128xf32, #tpu.memory_space<vmem>> -> memref<128x128xf32, #tpu.memory_space<vmem>>
        %dma_wait3A_557 = tpu.memref_slice %arg13[%add3A_538] : memref<6144xi32, #tpu.memory_space<vmem>> -> memref<128xi32, #tpu.memory_space<vmem>>
        %dma_wait3A_558 = arith.constant 0 : i32
        %dma_wait3A_559 = arith.constant 0 : i32
        %dma_wait3A_560 = tpu.memref_slice %arg6[%dma_wait3A_558, %dma_wait3A_559] : memref<10000x128xf32, #tpu.memory_space<hbm>> -> memref<10000x128xf32, #tpu.memory_space<hbm>>
        tpu.wait_indirect_dma semaphore(%arg21 : memref<!tpu.dma_semaphore, #tpu.memory_space<semaphore_mem>>) src(%dma_wait3A_560 : memref<10000x128xf32, #tpu.memory_space<hbm>>) dst(%dma_wait3A_556 : memref<128x128xf32, #tpu.memory_space<vmem>>)
        %jit3A_561 = arith.constant 24 : i32
        %div3A_562 = arith.divsi %add3A_270, %jit3A_561 : i32
        %sign3A_563 = arith.constant 0 : i32
        %sign3A_564 = arith.cmpi sgt, %add3A_270, %sign3A_563 : i32
        %sign3A_565 = arith.extui %sign3A_564 : i1 to i32
        %sign3A_566 = arith.constant 0 : i32
        %sign3A_567 = arith.cmpi slt, %add3A_270, %sign3A_566 : i32
        %sign3A_568 = arith.extui %sign3A_567 : i1 to i32
        %sign3A_569 = arith.subi %sign3A_565, %sign3A_568 : i32
        %sign3A_570 = arith.constant 0 : i32
        %sign3A_571 = arith.cmpi sgt, %jit3A_561, %sign3A_570 : i32
        %sign3A_572 = arith.extui %sign3A_571 : i1 to i32
        %sign3A_573 = arith.constant 0 : i32
        %sign3A_574 = arith.cmpi slt, %jit3A_561, %sign3A_573 : i32
        %sign3A_575 = arith.extui %sign3A_574 : i1 to i32
        %sign3A_576 = arith.subi %sign3A_572, %sign3A_575 : i32
        %ne3A_577 = arith.cmpi ne, %sign3A_569, %sign3A_576 : i32
        %rem3A_578 = arith.remsi %add3A_270, %jit3A_561 : i32
        %ne3A_579 = arith.constant 0 : i32
        %ne3A_580 = arith.cmpi ne, %rem3A_578, %ne3A_579 : i32
        %and3A_581 = arith.andi %ne3A_577, %ne3A_580 : i1
        %sub3A_582 = arith.constant 1 : i32
        %sub3A_583 = arith.subi %div3A_562, %sub3A_582 : i32
        %select_n3A_584 = arith.select %and3A_581, %sub3A_583, %div3A_562 : i32
        %mul3A_585 = arith.constant 24 : i32
        %mul3A_586 = arith.muli %select_n3A_584, %mul3A_585 : i32
        %add3A_587 = arith.addi %select_n3A_29, %mul3A_586 : i32
        %mul3A_588 = arith.constant 128 : i32
        %mul3A_589 = arith.muli %add3A_587, %mul3A_588 : i32
        %min3A_590 = arith.constant 476928 : i32
        %min3A_591 = arith.minsi %mul3A_589, %min3A_590 : i32
        %sub3A_592 = arith.subi %mul3A_589, %min3A_591 : i32
        %jit3A_593 = arith.constant 2 : i32
        %eq3A_594 = arith.constant 0 : i32
        %eq3A_595 = arith.cmpi eq, %jit3A_593, %eq3A_594 : i32
        %jit3A_596 = arith.constant 1 : i32
        %select_n3A_597 = arith.select %eq3A_595, %jit3A_596, %jit3A_593 : i32
        %rem3A_598 = arith.remsi %select_n3A_584, %select_n3A_597 : i32
        %ne3A_599 = arith.constant 0 : i32
        %ne3A_600 = arith.cmpi ne, %rem3A_598, %ne3A_599 : i32
        %lt3A_601 = arith.constant 0 : i32
        %lt3A_602 = arith.cmpi slt, %rem3A_598, %lt3A_601 : i32
        %lt3A_603 = arith.constant 0 : i32
        %lt3A_604 = arith.cmpi slt, %select_n3A_597, %lt3A_603 : i32
        %ne3A_605 = arith.xori %lt3A_602, %lt3A_604 : i1
        %and3A_606 = arith.andi %ne3A_605, %ne3A_600 : i1
        %add3A_607 = arith.addi %rem3A_598, %select_n3A_597 : i32
        %select_n3A_608 = arith.select %and3A_606, %add3A_607, %rem3A_598 : i32
        %mul3A_609 = arith.constant 3072 : i32
        %mul3A_610 = arith.muli %select_n3A_608, %mul3A_609 : i32
        %add3A_611 = arith.addi %mul3A_610, %sub3A_592 : i32
        %mul3A_612 = arith.constant 24 : i32
        %mul3A_613 = arith.muli %select_n3A_584, %mul3A_612 : i32
        %sub3A_614 = arith.subi %add3A_270, %mul3A_613 : i32
        %mul3A_615 = arith.constant 128 : i32
        %mul3A_616 = arith.muli %sub3A_614, %mul3A_615 : i32
        %add3A_617 = arith.addi %add3A_611, %mul3A_616 : i32
        %scan3A_618 = arith.constant 0 : i32
        %scan3A_619 = arith.constant 0 : i32
        %scan3A_620 = arith.constant 8 : i32
        %scan3A_621 = arith.addi %scan3A_619, %scan3A_620 : i32
        %scan3A_622 = arith.constant 1 : i32
        %scan3A_623 = scf.for %scan3A_678 = %scan3A_619 to %scan3A_621 step %scan3A_622 iter_args(%scan3A_679 = %scan3A_618) -> (i32)  : i32 {
          %mul3A_680 = arith.constant 16 : i32
          %mul3A_681 = arith.muli %scan3A_678, %mul3A_680 : i32
          %add3A_682 = arith.constant 128 : i32
          %add3A_683 = arith.addi %add3A_682, %mul3A_681 : i32
          %add3A_684 = vector.broadcast %add3A_683 : i32 to vector<16xi32>
          %add3A_685 = arith.addi %add3A_684, %iota3A : vector<16xi32>
          %scan3A_686 = arith.constant 0 : i32
          %scan3A_687 = arith.constant 8 : i32
          %scan3A_688 = arith.addi %scan3A_686, %scan3A_687 : i32
          %scan3A_689 = arith.constant 1 : i32
          %scan3A_690:4 = scf.for %scan3A_706 = %scan3A_686 to %scan3A_688 step %scan3A_689 iter_args(%scan3A_707 = %broadcast_in_dim3A_149, %scan3A_708 = %broadcast_in_dim3A_149, %scan3A_709 = %broadcast_in_dim3A_149, %scan3A_710 = %broadcast_in_dim3A_149) -> (vector<16xf32>, vector<16xf32>, vector<16xf32>, vector<16xf32>)  : i32 {
            %mul3A_711 = arith.constant 16 : i32
            %mul3A_712 = arith.muli %scan3A_706, %mul3A_711 : i32
            %broadcast_in_dim3A_713 = vector.broadcast %mul3A_712 : i32 to vector<16xi32>
            %add3A_714 = arith.addi %and3A_58, %broadcast_in_dim3A_713 : vector<16xi32>
            %gather3A = tpu.vector_load_idx %arg11[%add3A_685, %add3A_714] : memref<256x128xf32, #tpu.memory_space<vmem>>[vector<16xi32>, vector<16xi32>], vector<16xf32>,
            %gather3A_715 = tpu.vector_load_idx %arg12[%add3A_685, %add3A_714] : memref<256x128xf32, #tpu.memory_space<vmem>>[vector<16xi32>, vector<16xi32>], vector<16xf32>,
            %mul3A_716 = arith.mulf %gather3A, %gather3A_715 : vector<16xf32>
            %add3A_717 = arith.addf %scan3A_707, %mul3A_716 : vector<16xf32>
            %add3A_718 = arith.addi %and3A_64, %broadcast_in_dim3A_713 : vector<16xi32>
            %gather3A_719 = tpu.vector_load_idx %arg11[%add3A_685, %add3A_718] : memref<256x128xf32, #tpu.memory_space<vmem>>[vector<16xi32>, vector<16xi32>], vector<16xf32>,
            %gather3A_720 = tpu.vector_load_idx %arg12[%add3A_685, %add3A_718] : memref<256x128xf32, #tpu.memory_space<vmem>>[vector<16xi32>, vector<16xi32>], vector<16xf32>,
            %mul3A_721 = arith.mulf %gather3A_719, %gather3A_720 : vector<16xf32>
            %add3A_722 = arith.addf %scan3A_708, %mul3A_721 : vector<16xf32>
            %add3A_723 = arith.addi %and3A_70, %broadcast_in_dim3A_713 : vector<16xi32>
            %gather3A_724 = tpu.vector_load_idx %arg11[%add3A_685, %add3A_723] : memref<256x128xf32, #tpu.memory_space<vmem>>[vector<16xi32>, vector<16xi32>], vector<16xf32>,
            %gather3A_725 = tpu.vector_load_idx %arg12[%add3A_685, %add3A_723] : memref<256x128xf32, #tpu.memory_space<vmem>>[vector<16xi32>, vector<16xi32>], vector<16xf32>,
            %mul3A_726 = arith.mulf %gather3A_724, %gather3A_725 : vector<16xf32>
            %add3A_727 = arith.addf %scan3A_709, %mul3A_726 : vector<16xf32>
            %add3A_728 = arith.addi %and3A_76, %broadcast_in_dim3A_713 : vector<16xi32>
            %gather3A_729 = tpu.vector_load_idx %arg11[%add3A_685, %add3A_728] : memref<256x128xf32, #tpu.memory_space<vmem>>[vector<16xi32>, vector<16xi32>], vector<16xf32>,
            %gather3A_730 = tpu.vector_load_idx %arg12[%add3A_685, %add3A_728] : memref<256x128xf32, #tpu.memory_space<vmem>>[vector<16xi32>, vector<16xi32>], vector<16xf32>,
            %mul3A_731 = arith.mulf %gather3A_729, %gather3A_730 : vector<16xf32>
            %add3A_732 = arith.addf %scan3A_710, %mul3A_731 : vector<16xf32>
            %add3A_733 = arith.addi %and3A_82, %broadcast_in_dim3A_713 : vector<16xi32>
            %gather3A_734 = tpu.vector_load_idx %arg11[%add3A_685, %add3A_733] : memref<256x128xf32, #tpu.memory_space<vmem>>[vector<16xi32>, vector<16xi32>], vector<16xf32>,
            %gather3A_735 = tpu.vector_load_idx %arg12[%add3A_685, %add3A_733] : memref<256x128xf32, #tpu.memory_space<vmem>>[vector<16xi32>, vector<16xi32>], vector<16xf32>,
            %mul3A_736 = arith.mulf %gather3A_734, %gather3A_735 : vector<16xf32>
            %add3A_737 = arith.addf %add3A_717, %mul3A_736 : vector<16xf32>
            %add3A_738 = arith.addi %and3A_88, %broadcast_in_dim3A_713 : vector<16xi32>
            %gather3A_739 = tpu.vector_load_idx %arg11[%add3A_685, %add3A_738] : memref<256x128xf32, #tpu.memory_space<vmem>>[vector<16xi32>, vector<16xi32>], vector<16xf32>,
            %gather3A_740 = tpu.vector_load_idx %arg12[%add3A_685, %add3A_738] : memref<256x128xf32, #tpu.memory_space<vmem>>[vector<16xi32>, vector<16xi32>], vector<16xf32>,
            %mul3A_741 = arith.mulf %gather3A_739, %gather3A_740 : vector<16xf32>
            %add3A_742 = arith.addf %add3A_722, %mul3A_741 : vector<16xf32>
            %add3A_743 = arith.addi %and3A_94, %broadcast_in_dim3A_713 : vector<16xi32>
            %gather3A_744 = tpu.vector_load_idx %arg11[%add3A_685, %add3A_743] : memref<256x128xf32, #tpu.memory_space<vmem>>[vector<16xi32>, vector<16xi32>], vector<16xf32>,
            %gather3A_745 = tpu.vector_load_idx %arg12[%add3A_685, %add3A_743] : memref<256x128xf32, #tpu.memory_space<vmem>>[vector<16xi32>, vector<16xi32>], vector<16xf32>,
            %mul3A_746 = arith.mulf %gather3A_744, %gather3A_745 : vector<16xf32>
            %add3A_747 = arith.addf %add3A_727, %mul3A_746 : vector<16xf32>
            %add3A_748 = arith.addi %and3A_100, %broadcast_in_dim3A_713 : vector<16xi32>
            %gather3A_749 = tpu.vector_load_idx %arg11[%add3A_685, %add3A_748] : memref<256x128xf32, #tpu.memory_space<vmem>>[vector<16xi32>, vector<16xi32>], vector<16xf32>,
            %gather3A_750 = tpu.vector_load_idx %arg12[%add3A_685, %add3A_748] : memref<256x128xf32, #tpu.memory_space<vmem>>[vector<16xi32>, vector<16xi32>], vector<16xf32>,
            %mul3A_751 = arith.mulf %gather3A_749, %gather3A_750 : vector<16xf32>
            %add3A_752 = arith.addf %add3A_732, %mul3A_751 : vector<16xf32>
            %add3A_753 = arith.addi %and3A_106, %broadcast_in_dim3A_713 : vector<16xi32>
            %gather3A_754 = tpu.vector_load_idx %arg11[%add3A_685, %add3A_753] : memref<256x128xf32, #tpu.memory_space<vmem>>[vector<16xi32>, vector<16xi32>], vector<16xf32>,
            %gather3A_755 = tpu.vector_load_idx %arg12[%add3A_685, %add3A_753] : memref<256x128xf32, #tpu.memory_space<vmem>>[vector<16xi32>, vector<16xi32>], vector<16xf32>,
            %mul3A_756 = arith.mulf %gather3A_754, %gather3A_755 : vector<16xf32>
            %add3A_757 = arith.addf %add3A_737, %mul3A_756 : vector<16xf32>
            %add3A_758 = arith.addi %and3A_112, %broadcast_in_dim3A_713 : vector<16xi32>
            %gather3A_759 = tpu.vector_load_idx %arg11[%add3A_685, %add3A_758] : memref<256x128xf32, #tpu.memory_space<vmem>>[vector<16xi32>, vector<16xi32>], vector<16xf32>,
            %gather3A_760 = tpu.vector_load_idx %arg12[%add3A_685, %add3A_758] : memref<256x128xf32, #tpu.memory_space<vmem>>[vector<16xi32>, vector<16xi32>], vector<16xf32>,
            %mul3A_761 = arith.mulf %gather3A_759, %gather3A_760 : vector<16xf32>
            %add3A_762 = arith.addf %add3A_742, %mul3A_761 : vector<16xf32>
            %add3A_763 = arith.addi %and3A_118, %broadcast_in_dim3A_713 : vector<16xi32>
            %gather3A_764 = tpu.vector_load_idx %arg11[%add3A_685, %add3A_763] : memref<256x128xf32, #tpu.memory_space<vmem>>[vector<16xi32>, vector<16xi32>], vector<16xf32>,
            %gather3A_765 = tpu.vector_load_idx %arg12[%add3A_685, %add3A_763] : memref<256x128xf32, #tpu.memory_space<vmem>>[vector<16xi32>, vector<16xi32>], vector<16xf32>,
            %mul3A_766 = arith.mulf %gather3A_764, %gather3A_765 : vector<16xf32>
            %add3A_767 = arith.addf %add3A_747, %mul3A_766 : vector<16xf32>
            %add3A_768 = arith.addi %and3A_124, %broadcast_in_dim3A_713 : vector<16xi32>
            %gather3A_769 = tpu.vector_load_idx %arg11[%add3A_685, %add3A_768] : memref<256x128xf32, #tpu.memory_space<vmem>>[vector<16xi32>, vector<16xi32>], vector<16xf32>,
            %gather3A_770 = tpu.vector_load_idx %arg12[%add3A_685, %add3A_768] : memref<256x128xf32, #tpu.memory_space<vmem>>[vector<16xi32>, vector<16xi32>], vector<16xf32>,
            %mul3A_771 = arith.mulf %gather3A_769, %gather3A_770 : vector<16xf32>
            %add3A_772 = arith.addf %add3A_752, %mul3A_771 : vector<16xf32>
            %add3A_773 = arith.addi %and3A_130, %broadcast_in_dim3A_713 : vector<16xi32>
            %gather3A_774 = tpu.vector_load_idx %arg11[%add3A_685, %add3A_773] : memref<256x128xf32, #tpu.memory_space<vmem>>[vector<16xi32>, vector<16xi32>], vector<16xf32>,
            %gather3A_775 = tpu.vector_load_idx %arg12[%add3A_685, %add3A_773] : memref<256x128xf32, #tpu.memory_space<vmem>>[vector<16xi32>, vector<16xi32>], vector<16xf32>,
            %mul3A_776 = arith.mulf %gather3A_774, %gather3A_775 : vector<16xf32>
            %add3A_777 = arith.addf %add3A_757, %mul3A_776 : vector<16xf32>
            %add3A_778 = arith.addi %and3A_136, %broadcast_in_dim3A_713 : vector<16xi32>
            %gather3A_779 = tpu.vector_load_idx %arg11[%add3A_685, %add3A_778] : memref<256x128xf32, #tpu.memory_space<vmem>>[vector<16xi32>, vector<16xi32>], vector<16xf32>,
            %gather3A_780 = tpu.vector_load_idx %arg12[%add3A_685, %add3A_778] : memref<256x128xf32, #tpu.memory_space<vmem>>[vector<16xi32>, vector<16xi32>], vector<16xf32>,
            %mul3A_781 = arith.mulf %gather3A_779, %gather3A_780 : vector<16xf32>
            %add3A_782 = arith.addf %add3A_762, %mul3A_781 : vector<16xf32>
            %add3A_783 = arith.addi %and3A_142, %broadcast_in_dim3A_713 : vector<16xi32>
            %gather3A_784 = tpu.vector_load_idx %arg11[%add3A_685, %add3A_783] : memref<256x128xf32, #tpu.memory_space<vmem>>[vector<16xi32>, vector<16xi32>], vector<16xf32>,
            %gather3A_785 = tpu.vector_load_idx %arg12[%add3A_685, %add3A_783] : memref<256x128xf32, #tpu.memory_space<vmem>>[vector<16xi32>, vector<16xi32>], vector<16xf32>,
            %mul3A_786 = arith.mulf %gather3A_784, %gather3A_785 : vector<16xf32>
            %add3A_787 = arith.addf %add3A_767, %mul3A_786 : vector<16xf32>
            %add3A_788 = arith.addi %and3A_148, %broadcast_in_dim3A_713 : vector<16xi32>
            %gather3A_789 = tpu.vector_load_idx %arg11[%add3A_685, %add3A_788] : memref<256x128xf32, #tpu.memory_space<vmem>>[vector<16xi32>, vector<16xi32>], vector<16xf32>,
            %gather3A_790 = tpu.vector_load_idx %arg12[%add3A_685, %add3A_788] : memref<256x128xf32, #tpu.memory_space<vmem>>[vector<16xi32>, vector<16xi32>], vector<16xf32>,
            %mul3A_791 = arith.mulf %gather3A_789, %gather3A_790 : vector<16xf32>
            %add3A_792 = arith.addf %add3A_772, %mul3A_791 : vector<16xf32>
            scf.yield %add3A_777, %add3A_782, %add3A_787, %add3A_792 : vector<16xf32>, vector<16xf32>, vector<16xf32>, vector<16xf32>
          }
          %scan3A_691 = arith.constant 8 : i32
          %add3A_692 = arith.addf %scan3A_690#0, %scan3A_690#1 : vector<16xf32>
          %add3A_693 = arith.addf %scan3A_690#2, %scan3A_690#3 : vector<16xf32>
          %add3A_694 = arith.addf %add3A_692, %add3A_693 : vector<16xf32>
          %mul3A_695 = arith.constant 16 : i32
          %mul3A_696 = arith.muli %scan3A_678, %mul3A_695 : i32
          %add3A_697 = arith.addi %add3A_617, %mul3A_696 : i32
          %get3A = arith.index_cast %add3A_697 : i32 to index
          %get3A_698 = tpu.vector_load %arg14[%get3A] {strides = array<i32>} : memref<6144xi32, #tpu.memory_space<vmem>>, vector<16xi32>,
          %mul3A_699 = arith.constant 3 : i32
          %mul3A_700 = vector.broadcast %mul3A_699 : i32 to vector<16xi32>
          %mul3A_701 = arith.muli %get3A_698, %mul3A_700 : vector<16xi32>
          %get3A_702 = arith.index_cast %add3A_697 : i32 to index
          %get3A_703 = tpu.vector_load %arg15[%get3A_702] {strides = array<i32>} : memref<6144xi32, #tpu.memory_space<vmem>>, vector<16xi32>,
          %add3A_704 = arith.addi %mul3A_701, %get3A_703 : vector<16xi32>
          tpu.vector_store_idx %arg16[%add3A_704], %add3A_694 {add = true} : memref<30720xf32, #tpu.memory_space<vmem>>[vector<16xi32>], vector<16xf32>,
          %scan3A_705 = arith.constant 0 : i32
          scf.yield %scan3A_705 : i32
        }
        %scan3A_624 = arith.constant 8 : i32
        %add3A_625 = arith.constant 1 : i32
        %add3A_626 = arith.addi %add3A_270, %add3A_625 : i32
        %jit3A_627 = arith.constant 24 : i32
        %eq3A_628 = arith.constant 0 : i32
        %eq3A_629 = arith.cmpi eq, %jit3A_627, %eq3A_628 : i32
        %jit3A_630 = arith.constant 1 : i32
        %select_n3A_631 = arith.select %eq3A_629, %jit3A_630, %jit3A_627 : i32
        %rem3A_632 = arith.remsi %add3A_626, %select_n3A_631 : i32
        %ne3A_633 = arith.constant 0 : i32
        %ne3A_634 = arith.cmpi ne, %rem3A_632, %ne3A_633 : i32
        %lt3A_635 = arith.constant 0 : i32
        %lt3A_636 = arith.cmpi slt, %rem3A_632, %lt3A_635 : i32
        %lt3A_637 = arith.constant 0 : i32
        %lt3A_638 = arith.cmpi slt, %select_n3A_631, %lt3A_637 : i32
        %ne3A_639 = arith.xori %lt3A_636, %lt3A_638 : i1
        %and3A_640 = arith.andi %ne3A_639, %ne3A_634 : i1
        %add3A_641 = arith.addi %rem3A_632, %select_n3A_631 : i32
        %select_n3A_642 = arith.select %and3A_640, %add3A_641, %rem3A_632 : i32
        %eq3A_643 = arith.constant 0 : i32
        %eq3A_644 = arith.cmpi eq, %select_n3A_642, %eq3A_643 : i32
        %add3A_645 = arith.constant 1 : i32
        %add3A_646 = arith.addi %add3A_270, %add3A_645 : i32
        %jit3A_647 = arith.constant 24 : i32
        %div3A_648 = arith.divsi %add3A_646, %jit3A_647 : i32
        %sign3A_649 = arith.constant 0 : i32
        %sign3A_650 = arith.cmpi sgt, %add3A_646, %sign3A_649 : i32
        %sign3A_651 = arith.extui %sign3A_650 : i1 to i32
        %sign3A_652 = arith.constant 0 : i32
        %sign3A_653 = arith.cmpi slt, %add3A_646, %sign3A_652 : i32
        %sign3A_654 = arith.extui %sign3A_653 : i1 to i32
        %sign3A_655 = arith.subi %sign3A_651, %sign3A_654 : i32
        %sign3A_656 = arith.constant 0 : i32
        %sign3A_657 = arith.cmpi sgt, %jit3A_647, %sign3A_656 : i32
        %sign3A_658 = arith.extui %sign3A_657 : i1 to i32
        %sign3A_659 = arith.constant 0 : i32
        %sign3A_660 = arith.cmpi slt, %jit3A_647, %sign3A_659 : i32
        %sign3A_661 = arith.extui %sign3A_660 : i1 to i32
        %sign3A_662 = arith.subi %sign3A_658, %sign3A_661 : i32
        %ne3A_663 = arith.cmpi ne, %sign3A_655, %sign3A_662 : i32
        %rem3A_664 = arith.remsi %add3A_646, %jit3A_647 : i32
        %ne3A_665 = arith.constant 0 : i32
        %ne3A_666 = arith.cmpi ne, %rem3A_664, %ne3A_665 : i32
        %and3A_667 = arith.andi %ne3A_663, %ne3A_666 : i1
        %sub3A_668 = arith.constant 1 : i32
        %sub3A_669 = arith.subi %div3A_648, %sub3A_668 : i32
        %select_n3A_670 = arith.select %and3A_667, %sub3A_669, %div3A_648 : i32
        %add3A_671 = arith.constant 1 : i32
        %add3A_672 = arith.addi %select_n3A_670, %add3A_671 : i32
        %lt3A_673 = arith.cmpi slt, %add3A_672, %select_n3A_52 : i32
        %and3A_674 = arith.andi %eq3A_644, %lt3A_673 : i1
        %convert_element_type3A_675 = arith.extui %and3A_674 : i1 to i32
        %cond3A_676 = arith.constant 0 : i32
        %cond3A_677 = arith.cmpi ne, %convert_element_type3A_675, %cond3A_676 : i32
        scf.if %cond3A_677 {
          %add3A_678 = arith.constant 1 : i32
          %add3A_679 = arith.addi %add3A_270, %add3A_678 : i32
          %jit3A_680 = arith.constant 24 : i32
          %div3A_681 = arith.divsi %add3A_679, %jit3A_680 : i32
          %sign3A_682 = arith.constant 0 : i32
          %sign3A_683 = arith.cmpi sgt, %add3A_679, %sign3A_682 : i32
          %sign3A_684 = arith.extui %sign3A_683 : i1 to i32
          %sign3A_685 = arith.constant 0 : i32
          %sign3A_686 = arith.cmpi slt, %add3A_679, %sign3A_685 : i32
          %sign3A_687 = arith.extui %sign3A_686 : i1 to i32
          %sign3A_688 = arith.subi %sign3A_684, %sign3A_687 : i32
          %sign3A_689 = arith.constant 0 : i32
          %sign3A_690 = arith.cmpi sgt, %jit3A_680, %sign3A_689 : i32
          %sign3A_691 = arith.extui %sign3A_690 : i1 to i32
          %sign3A_692 = arith.constant 0 : i32
          %sign3A_693 = arith.cmpi slt, %jit3A_680, %sign3A_692 : i32
          %sign3A_694 = arith.extui %sign3A_693 : i1 to i32
          %sign3A_695 = arith.subi %sign3A_691, %sign3A_694 : i32
          %ne3A_696 = arith.cmpi ne, %sign3A_688, %sign3A_695 : i32
          %rem3A_697 = arith.remsi %add3A_679, %jit3A_680 : i32
          %ne3A_698 = arith.constant 0 : i32
          %ne3A_699 = arith.cmpi ne, %rem3A_697, %ne3A_698 : i32
          %and3A_700 = arith.andi %ne3A_696, %ne3A_699 : i1
          %sub3A_701 = arith.constant 1 : i32
          %sub3A_702 = arith.subi %div3A_681, %sub3A_701 : i32
          %select_n3A_703 = arith.select %and3A_700, %sub3A_702, %div3A_681 : i32
          %add3A_704 = arith.constant 1 : i32
          %add3A_705 = arith.addi %select_n3A_703, %add3A_704 : i32
          %jit3A_706 = arith.constant 2 : i32
          %eq3A_707 = arith.constant 0 : i32
          %eq3A_708 = arith.cmpi eq, %jit3A_706, %eq3A_707 : i32
          %jit3A_709 = arith.constant 1 : i32
          %select_n3A_710 = arith.select %eq3A_708, %jit3A_709, %jit3A_706 : i32
          %rem3A_711 = arith.remsi %add3A_705, %select_n3A_710 : i32
          %ne3A_712 = arith.constant 0 : i32
          %ne3A_713 = arith.cmpi ne, %rem3A_711, %ne3A_712 : i32
          %lt3A_714 = arith.constant 0 : i32
          %lt3A_715 = arith.cmpi slt, %rem3A_711, %lt3A_714 : i32
          %lt3A_716 = arith.constant 0 : i32
          %lt3A_717 = arith.cmpi slt, %select_n3A_710, %lt3A_716 : i32
          %ne3A_718 = arith.xori %lt3A_715, %lt3A_717 : i1
          %and3A_719 = arith.andi %ne3A_718, %ne3A_713 : i1
          %add3A_720 = arith.addi %rem3A_711, %select_n3A_710 : i32
          %select_n3A_721 = arith.select %and3A_719, %add3A_720, %rem3A_711 : i32
          %mul3A_722 = arith.constant 24 : i32
          %mul3A_723 = arith.muli %add3A_705, %mul3A_722 : i32
          %add3A_724 = arith.addi %select_n3A_29, %mul3A_723 : i32
          %mul3A_725 = arith.constant 128 : i32
          %mul3A_726 = arith.muli %add3A_724, %mul3A_725 : i32
          %min3A_727 = arith.constant 476928 : i32
          %min3A_728 = arith.minsi %mul3A_726, %min3A_727 : i32
          %mul3A_729 = arith.constant 3072 : i32
          %mul3A_730 = arith.muli %select_n3A_721, %mul3A_729 : i32
          %dma_start3A_731 = tpu.memref_slice %arg13[%mul3A_730] : memref<6144xi32, #tpu.memory_space<vmem>> -> memref<3072xi32, #tpu.memory_space<vmem>>
          %dma_start3A_732 = tpu.memref_slice %arg3[%min3A_728] : memref<480000xi32, #tpu.memory_space<hbm>> -> memref<3072xi32, #tpu.memory_space<hbm>>
          %dma_start3A_733 = tpu.memref_slice %arg13[%mul3A_730] : memref<6144xi32, #tpu.memory_space<vmem>> -> memref<3072xi32, #tpu.memory_space<vmem>>
          %dma_start3A_734 = tpu.memref_slice %arg3[%min3A_728] : memref<480000xi32, #tpu.memory_space<hbm>> -> memref<3072xi32, #tpu.memory_space<hbm>>
          tpu.enqueue_dma source(%dma_start3A_734 : memref<3072xi32, #tpu.memory_space<hbm>>) target(%dma_start3A_733 : memref<3072xi32, #tpu.memory_space<vmem>>) target_semaphore(%arg22 : memref<!tpu.dma_semaphore, #tpu.memory_space<semaphore_mem>>)
          %dma_start3A_735 = tpu.memref_slice %arg14[%mul3A_730] : memref<6144xi32, #tpu.memory_space<vmem>> -> memref<3072xi32, #tpu.memory_space<vmem>>
          %dma_start3A_736 = tpu.memref_slice %arg4[%min3A_728] : memref<480000xi32, #tpu.memory_space<hbm>> -> memref<3072xi32, #tpu.memory_space<hbm>>
          %dma_start3A_737 = tpu.memref_slice %arg14[%mul3A_730] : memref<6144xi32, #tpu.memory_space<vmem>> -> memref<3072xi32, #tpu.memory_space<vmem>>
          %dma_start3A_738 = tpu.memref_slice %arg4[%min3A_728] : memref<480000xi32, #tpu.memory_space<hbm>> -> memref<3072xi32, #tpu.memory_space<hbm>>
          tpu.enqueue_dma source(%dma_start3A_738 : memref<3072xi32, #tpu.memory_space<hbm>>) target(%dma_start3A_737 : memref<3072xi32, #tpu.memory_space<vmem>>) target_semaphore(%arg22 : memref<!tpu.dma_semaphore, #tpu.memory_space<semaphore_mem>>)
          %dma_start3A_739 = tpu.memref_slice %arg15[%mul3A_730] : memref<6144xi32, #tpu.memory_space<vmem>> -> memref<3072xi32, #tpu.memory_space<vmem>>
          %dma_start3A_740 = tpu.memref_slice %arg5[%min3A_728] : memref<480000xi32, #tpu.memory_space<hbm>> -> memref<3072xi32, #tpu.memory_space<hbm>>
          %dma_start3A_741 = tpu.memref_slice %arg15[%mul3A_730] : memref<6144xi32, #tpu.memory_space<vmem>> -> memref<3072xi32, #tpu.memory_space<vmem>>
          %dma_start3A_742 = tpu.memref_slice %arg5[%min3A_728] : memref<480000xi32, #tpu.memory_space<hbm>> -> memref<3072xi32, #tpu.memory_space<hbm>>
          tpu.enqueue_dma source(%dma_start3A_742 : memref<3072xi32, #tpu.memory_space<hbm>>) target(%dma_start3A_741 : memref<3072xi32, #tpu.memory_space<vmem>>) target_semaphore(%arg22 : memref<!tpu.dma_semaphore, #tpu.memory_space<semaphore_mem>>)
        } else {
        }
      } else {
      }
      %while3A_481 = arith.constant 0 : i32
      scf.yield %while3A_481 : i32
    }
    %while3A_263 = arith.constant 1 : i32
    %while3A_264 = scf.for %while3A_265 = %while3A_260 to %while3A_256 step %while3A_263 iter_args(%while3A_266 = %while3A_262) -> (i32)  : i32 {
      %mul3A_267 = arith.constant 2 : i32
      %mul3A_268 = arith.muli %while3A_265, %mul3A_267 : i32
      %add3A_269 = arith.constant 1 : i32
      %add3A_270 = arith.addi %mul3A_268, %add3A_269 : i32
      %lt3A_271 = arith.cmpi slt, %add3A_270, %select_n3A_16 : i32
      %convert_element_type3A_272 = arith.extui %lt3A_271 : i1 to i32
      %cond3A_273 = arith.constant 0 : i32
      %cond3A_274 = arith.cmpi ne, %convert_element_type3A_272, %cond3A_273 : i32
      scf.if %cond3A_274 {
        %jit3A_482 = arith.constant 24 : i32
        %div3A_483 = arith.divsi %add3A_270, %jit3A_482 : i32
        %sign3A_484 = arith.constant 0 : i32
        %sign3A_485 = arith.cmpi sgt, %add3A_270, %sign3A_484 : i32
        %sign3A_486 = arith.extui %sign3A_485 : i1 to i32
        %sign3A_487 = arith.constant 0 : i32
        %sign3A_488 = arith.cmpi slt, %add3A_270, %sign3A_487 : i32
        %sign3A_489 = arith.extui %sign3A_488 : i1 to i32
        %sign3A_490 = arith.subi %sign3A_486, %sign3A_489 : i32
        %sign3A_491 = arith.constant 0 : i32
        %sign3A_492 = arith.cmpi sgt, %jit3A_482, %sign3A_491 : i32
        %sign3A_493 = arith.extui %sign3A_492 : i1 to i32
        %sign3A_494 = arith.constant 0 : i32
        %sign3A_495 = arith.cmpi slt, %jit3A_482, %sign3A_494 : i32
        %sign3A_496 = arith.extui %sign3A_495 : i1 to i32
        %sign3A_497 = arith.subi %sign3A_493, %sign3A_496 : i32
        %ne3A_498 = arith.cmpi ne, %sign3A_490, %sign3A_497 : i32
        %rem3A_499 = arith.remsi %add3A_270, %jit3A_482 : i32
        %ne3A_500 = arith.constant 0 : i32
        %ne3A_501 = arith.cmpi ne, %rem3A_499, %ne3A_500 : i32
        %and3A_502 = arith.andi %ne3A_498, %ne3A_501 : i1
        %sub3A_503 = arith.constant 1 : i32
        %sub3A_504 = arith.subi %div3A_483, %sub3A_503 : i32
        %select_n3A_505 = arith.select %and3A_502, %sub3A_504, %div3A_483 : i32
        %mul3A_506 = arith.constant 24 : i32
        %mul3A_507 = arith.muli %select_n3A_505, %mul3A_506 : i32
        %add3A_508 = arith.addi %select_n3A_29, %mul3A_507 : i32
        %mul3A_509 = arith.constant 128 : i32
        %mul3A_510 = arith.muli %add3A_508, %mul3A_509 : i32
        %min3A_511 = arith.constant 476928 : i32
        %min3A_512 = arith.minsi %mul3A_510, %min3A_511 : i32
        %sub3A_513 = arith.subi %mul3A_510, %min3A_512 : i32
        %jit3A_514 = arith.constant 2 : i32
        %eq3A_515 = arith.constant 0 : i32
        %eq3A_516 = arith.cmpi eq, %jit3A_514, %eq3A_515 : i32
        %jit3A_517 = arith.constant 1 : i32
        %select_n3A_518 = arith.select %eq3A_516, %jit3A_517, %jit3A_514 : i32
        %rem3A_519 = arith.remsi %select_n3A_505, %select_n3A_518 : i32
        %ne3A_520 = arith.constant 0 : i32
        %ne3A_521 = arith.cmpi ne, %rem3A_519, %ne3A_520 : i32
        %lt3A_522 = arith.constant 0 : i32
        %lt3A_523 = arith.cmpi slt, %rem3A_519, %lt3A_522 : i32
        %lt3A_524 = arith.constant 0 : i32
        %lt3A_525 = arith.cmpi slt, %select_n3A_518, %lt3A_524 : i32
        %ne3A_526 = arith.xori %lt3A_523, %lt3A_525 : i1
        %and3A_527 = arith.andi %ne3A_526, %ne3A_521 : i1
        %add3A_528 = arith.addi %rem3A_519, %select_n3A_518 : i32
        %select_n3A_529 = arith.select %and3A_527, %add3A_528, %rem3A_519 : i32
        %mul3A_530 = arith.constant 3072 : i32
        %mul3A_531 = arith.muli %select_n3A_529, %mul3A_530 : i32
        %add3A_532 = arith.addi %mul3A_531, %sub3A_513 : i32
        %mul3A_533 = arith.constant 24 : i32
        %mul3A_534 = arith.muli %select_n3A_505, %mul3A_533 : i32
        %sub3A_535 = arith.subi %add3A_270, %mul3A_534 : i32
        %mul3A_536 = arith.constant 128 : i32
        %mul3A_537 = arith.muli %sub3A_535, %mul3A_536 : i32
        %add3A_538 = arith.addi %add3A_532, %mul3A_537 : i32
        %gt3A_539 = arith.constant 0 : i32
        %gt3A_540 = arith.cmpi sgt, %add3A_270, %gt3A_539 : i32
        %jit3A_541 = arith.constant 24 : i32
        %eq3A_542 = arith.constant 0 : i32
        %eq3A_543 = arith.cmpi eq, %jit3A_541, %eq3A_542 : i32
        %jit3A_544 = arith.constant 1 : i32
        %select_n3A_545 = arith.select %eq3A_543, %jit3A_544, %jit3A_541 : i32
        %rem3A_546 = arith.remsi %add3A_270, %select_n3A_545 : i32
        %ne3A_547 = arith.constant 0 : i32
        %ne3A_548 = arith.cmpi ne, %rem3A_546, %ne3A_547 : i32
        %lt3A_549 = arith.constant 0 : i32
        %lt3A_550 = arith.cmpi slt, %rem3A_546, %lt3A_549 : i32
        %lt3A_551 = arith.constant 0 : i32
        %lt3A_552 = arith.cmpi slt, %select_n3A_545, %lt3A_551 : i32
        %ne3A_553 = arith.xori %lt3A_550, %lt3A_552 : i1
        %and3A_554 = arith.andi %ne3A_553, %ne3A_548 : i1
        %add3A_555 = arith.addi %rem3A_546, %select_n3A_545 : i32
        %select_n3A_556 = arith.select %and3A_554, %add3A_555, %rem3A_546 : i32
        %eq3A_557 = arith.constant 0 : i32
        %eq3A_558 = arith.cmpi eq, %select_n3A_556, %eq3A_557 : i32
        %and3A_559 = arith.andi %gt3A_540, %eq3A_558 : i1
        %convert_element_type3A_560 = arith.extui %and3A_559 : i1 to i32
        %cond3A_561 = arith.constant 0 : i32
        %cond3A_562 = arith.cmpi ne, %convert_element_type3A_560, %cond3A_561 : i32
        scf.if %cond3A_562 {
          %jit3A_585 = arith.constant 2 : i32
          %eq3A_586 = arith.constant 0 : i32
          %eq3A_587 = arith.cmpi eq, %jit3A_585, %eq3A_586 : i32
          %jit3A_588 = arith.constant 1 : i32
          %select_n3A_589 = arith.select %eq3A_587, %jit3A_588, %jit3A_585 : i32
          %rem3A_590 = arith.remsi %select_n3A_505, %select_n3A_589 : i32
          %ne3A_591 = arith.constant 0 : i32
          %ne3A_592 = arith.cmpi ne, %rem3A_590, %ne3A_591 : i32
          %lt3A_593 = arith.constant 0 : i32
          %lt3A_594 = arith.cmpi slt, %rem3A_590, %lt3A_593 : i32
          %lt3A_595 = arith.constant 0 : i32
          %lt3A_596 = arith.cmpi slt, %select_n3A_589, %lt3A_595 : i32
          %ne3A_597 = arith.xori %lt3A_594, %lt3A_596 : i1
          %and3A_598 = arith.andi %ne3A_597, %ne3A_592 : i1
          %add3A_599 = arith.addi %rem3A_590, %select_n3A_589 : i32
          %select_n3A_600 = arith.select %and3A_598, %add3A_599, %rem3A_590 : i32
          %mul3A_601 = arith.constant 24 : i32
          %mul3A_602 = arith.muli %select_n3A_505, %mul3A_601 : i32
          %add3A_603 = arith.addi %select_n3A_29, %mul3A_602 : i32
          %mul3A_604 = arith.constant 128 : i32
          %mul3A_605 = arith.muli %add3A_603, %mul3A_604 : i32
          %min3A_606 = arith.constant 476928 : i32
          %min3A_607 = arith.minsi %mul3A_605, %min3A_606 : i32
          %mul3A_608 = arith.constant 3072 : i32
          %mul3A_609 = arith.muli %select_n3A_600, %mul3A_608 : i32
          %dma_wait3A_610 = tpu.memref_slice %arg13[%mul3A_609] : memref<6144xi32, #tpu.memory_space<vmem>> -> memref<3072xi32, #tpu.memory_space<vmem>>
          %dma_wait3A_611 = tpu.memref_slice %arg3[%min3A_607] : memref<480000xi32, #tpu.memory_space<hbm>> -> memref<3072xi32, #tpu.memory_space<hbm>>
          %dma_wait3A_612 = tpu.memref_slice %arg13[%mul3A_609] : memref<6144xi32, #tpu.memory_space<vmem>> -> memref<3072xi32, #tpu.memory_space<vmem>>
          %dma_wait3A_613 = tpu.memref_slice %arg3[%min3A_607] : memref<480000xi32, #tpu.memory_space<hbm>> -> memref<3072xi32, #tpu.memory_space<hbm>>
          tpu.wait_dma2 semaphore(%arg22 : memref<!tpu.dma_semaphore, #tpu.memory_space<semaphore_mem>>) src(%dma_wait3A_613 : memref<3072xi32, #tpu.memory_space<hbm>>) dst(%dma_wait3A_612 : memref<3072xi32, #tpu.memory_space<vmem>>)
          %dma_wait3A_614 = tpu.memref_slice %arg14[%mul3A_609] : memref<6144xi32, #tpu.memory_space<vmem>> -> memref<3072xi32, #tpu.memory_space<vmem>>
          %dma_wait3A_615 = tpu.memref_slice %arg4[%min3A_607] : memref<480000xi32, #tpu.memory_space<hbm>> -> memref<3072xi32, #tpu.memory_space<hbm>>
          %dma_wait3A_616 = tpu.memref_slice %arg14[%mul3A_609] : memref<6144xi32, #tpu.memory_space<vmem>> -> memref<3072xi32, #tpu.memory_space<vmem>>
          %dma_wait3A_617 = tpu.memref_slice %arg4[%min3A_607] : memref<480000xi32, #tpu.memory_space<hbm>> -> memref<3072xi32, #tpu.memory_space<hbm>>
          tpu.wait_dma2 semaphore(%arg22 : memref<!tpu.dma_semaphore, #tpu.memory_space<semaphore_mem>>) src(%dma_wait3A_617 : memref<3072xi32, #tpu.memory_space<hbm>>) dst(%dma_wait3A_616 : memref<3072xi32, #tpu.memory_space<vmem>>)
          %dma_wait3A_618 = tpu.memref_slice %arg15[%mul3A_609] : memref<6144xi32, #tpu.memory_space<vmem>> -> memref<3072xi32, #tpu.memory_space<vmem>>
          %dma_wait3A_619 = tpu.memref_slice %arg5[%min3A_607] : memref<480000xi32, #tpu.memory_space<hbm>> -> memref<3072xi32, #tpu.memory_space<hbm>>
          %dma_wait3A_620 = tpu.memref_slice %arg15[%mul3A_609] : memref<6144xi32, #tpu.memory_space<vmem>> -> memref<3072xi32, #tpu.memory_space<vmem>>
          %dma_wait3A_621 = tpu.memref_slice %arg5[%min3A_607] : memref<480000xi32, #tpu.memory_space<hbm>> -> memref<3072xi32, #tpu.memory_space<hbm>>
          tpu.wait_dma2 semaphore(%arg22 : memref<!tpu.dma_semaphore, #tpu.memory_space<semaphore_mem>>) src(%dma_wait3A_621 : memref<3072xi32, #tpu.memory_space<hbm>>) dst(%dma_wait3A_620 : memref<3072xi32, #tpu.memory_space<vmem>>)
        } else {
        }
        %add3A_563 = arith.addi %select_n3A_29, %add3A_270 : i32
        %mul3A_564 = arith.constant 128 : i32
        %mul3A_565 = arith.muli %add3A_563, %mul3A_564 : i32
        %add3A_566 = arith.constant 0 : i32
        %add3A_567 = arith.addi %mul3A_565, %add3A_566 : i32
        %dma_start3A_568 = arith.constant 128 : i32
        %dma_start3A_569 = arith.constant 0 : i32
        %dma_start3A_570 = tpu.memref_slice %arg11[%dma_start3A_568, %dma_start3A_569] : memref<256x128xf32, #tpu.memory_space<vmem>> -> memref<128x128xf32, #tpu.memory_space<vmem>>
        %dma_start3A_571 = arith.constant 0 : i32
        %dma_start3A_572 = tpu.memref_slice %arg2[%add3A_567, %dma_start3A_571] : memref<480000x128xf32, #tpu.memory_space<hbm>> -> memref<128x128xf32, #tpu.memory_space<hbm>>
        %dma_start3A_573 = arith.constant 128 : i32
        %dma_start3A_574 = arith.constant 0 : i32
        %dma_start3A_575 = tpu.memref_slice %arg11[%dma_start3A_573, %dma_start3A_574] : memref<256x128xf32, #tpu.memory_space<vmem>> -> memref<128x128xf32, #tpu.memory_space<vmem>>
        %dma_start3A_576 = arith.constant 0 : i32
        %dma_start3A_577 = tpu.memref_slice %arg2[%add3A_567, %dma_start3A_576] : memref<480000x128xf32, #tpu.memory_space<hbm>> -> memref<128x128xf32, #tpu.memory_space<hbm>>
        tpu.enqueue_dma source(%dma_start3A_577 : memref<128x128xf32, #tpu.memory_space<hbm>>) target(%dma_start3A_575 : memref<128x128xf32, #tpu.memory_space<vmem>>) target_semaphore(%arg21 : memref<!tpu.dma_semaphore, #tpu.memory_space<semaphore_mem>>)
        %dma_start3A_578 = arith.constant 128 : i32
        %dma_start3A_579 = arith.constant 0 : i32
        %dma_start3A_580 = tpu.memref_slice %arg12[%dma_start3A_578, %dma_start3A_579] : memref<256x128xf32, #tpu.memory_space<vmem>> -> memref<128x128xf32, #tpu.memory_space<vmem>>
        %dma_start3A_581 = tpu.memref_slice %arg13[%add3A_538] : memref<6144xi32, #tpu.memory_space<vmem>> -> memref<128xi32, #tpu.memory_space<vmem>>
        %dma_start3A_582 = arith.constant 0 : i32
        %dma_start3A_583 = arith.constant 0 : i32
        %dma_start3A_584 = tpu.memref_slice %arg6[%dma_start3A_582, %dma_start3A_583] : memref<10000x128xf32, #tpu.memory_space<hbm>> -> memref<10000x128xf32, #tpu.memory_space<hbm>>
        tpu.enqueue_indirect_dma source(%dma_start3A_584 : memref<10000x128xf32, #tpu.memory_space<hbm>>) target(%dma_start3A_580 : memref<128x128xf32, #tpu.memory_space<vmem>>) offsets(%dma_start3A_581 : memref<128xi32, #tpu.memory_space<vmem>>) semaphore(%arg21 : memref<!tpu.dma_semaphore, #tpu.memory_space<semaphore_mem>>)
      } else {
      }
      %jit3A_275 = arith.constant 24 : i32
      %div3A_276 = arith.divsi %mul3A_268, %jit3A_275 : i32
      %sign3A_277 = arith.constant 0 : i32
      %sign3A_278 = arith.cmpi sgt, %mul3A_268, %sign3A_277 : i32
      %sign3A_279 = arith.extui %sign3A_278 : i1 to i32
      %sign3A_280 = arith.constant 0 : i32
      %sign3A_281 = arith.cmpi slt, %mul3A_268, %sign3A_280 : i32
      %sign3A_282 = arith.extui %sign3A_281 : i1 to i32
      %sign3A_283 = arith.subi %sign3A_279, %sign3A_282 : i32
      %sign3A_284 = arith.constant 0 : i32
      %sign3A_285 = arith.cmpi sgt, %jit3A_275, %sign3A_284 : i32
      %sign3A_286 = arith.extui %sign3A_285 : i1 to i32
      %sign3A_287 = arith.constant 0 : i32
      %sign3A_288 = arith.cmpi slt, %jit3A_275, %sign3A_287 : i32
      %sign3A_289 = arith.extui %sign3A_288 : i1 to i32
      %sign3A_290 = arith.subi %sign3A_286, %sign3A_289 : i32
      %ne3A_291 = arith.cmpi ne, %sign3A_283, %sign3A_290 : i32
      %rem3A_292 = arith.remsi %mul3A_268, %jit3A_275 : i32
      %ne3A_293 = arith.constant 0 : i32
      %ne3A_294 = arith.cmpi ne, %rem3A_292, %ne3A_293 : i32
      %and3A_295 = arith.andi %ne3A_291, %ne3A_294 : i1
      %sub3A_296 = arith.constant 1 : i32
      %sub3A_297 = arith.subi %div3A_276, %sub3A_296 : i32
      %select_n3A_298 = arith.select %and3A_295, %sub3A_297, %div3A_276 : i32
      %mul3A_299 = arith.constant 24 : i32
      %mul3A_300 = arith.muli %select_n3A_298, %mul3A_299 : i32
      %add3A_301 = arith.addi %select_n3A_29, %mul3A_300 : i32
      %mul3A_302 = arith.constant 128 : i32
      %mul3A_303 = arith.muli %add3A_301, %mul3A_302 : i32
      %min3A_304 = arith.constant 476928 : i32
      %min3A_305 = arith.minsi %mul3A_303, %min3A_304 : i32
      %sub3A_306 = arith.subi %mul3A_303, %min3A_305 : i32
      %jit3A_307 = arith.constant 2 : i32
      %eq3A_308 = arith.constant 0 : i32
      %eq3A_309 = arith.cmpi eq, %jit3A_307, %eq3A_308 : i32
      %jit3A_310 = arith.constant 1 : i32
      %select_n3A_311 = arith.select %eq3A_309, %jit3A_310, %jit3A_307 : i32
      %rem3A_312 = arith.remsi %select_n3A_298, %select_n3A_311 : i32
      %ne3A_313 = arith.constant 0 : i32
      %ne3A_314 = arith.cmpi ne, %rem3A_312, %ne3A_313 : i32
      %lt3A_315 = arith.constant 0 : i32
      %lt3A_316 = arith.cmpi slt, %rem3A_312, %lt3A_315 : i32
      %lt3A_317 = arith.constant 0 : i32
      %lt3A_318 = arith.cmpi slt, %select_n3A_311, %lt3A_317 : i32
      %ne3A_319 = arith.xori %lt3A_316, %lt3A_318 : i1
      %and3A_320 = arith.andi %ne3A_319, %ne3A_314 : i1
      %add3A_321 = arith.addi %rem3A_312, %select_n3A_311 : i32
      %select_n3A_322 = arith.select %and3A_320, %add3A_321, %rem3A_312 : i32
      %mul3A_323 = arith.constant 3072 : i32
      %mul3A_324 = arith.muli %select_n3A_322, %mul3A_323 : i32
      %add3A_325 = arith.addi %mul3A_324, %sub3A_306 : i32
      %mul3A_326 = arith.constant 24 : i32
      %mul3A_327 = arith.muli %select_n3A_298, %mul3A_326 : i32
      %sub3A_328 = arith.subi %mul3A_268, %mul3A_327 : i32
      %mul3A_329 = arith.constant 128 : i32
      %mul3A_330 = arith.muli %sub3A_328, %mul3A_329 : i32
      %add3A_331 = arith.addi %add3A_325, %mul3A_330 : i32
      %add3A_332 = arith.addi %select_n3A_29, %mul3A_268 : i32
      %mul3A_333 = arith.constant 128 : i32
      %mul3A_334 = arith.muli %add3A_332, %mul3A_333 : i32
      %add3A_335 = arith.constant 0 : i32
      %add3A_336 = arith.addi %mul3A_334, %add3A_335 : i32
      %dma_wait3A_337 = arith.constant 0 : i32
      %dma_wait3A_338 = arith.constant 0 : i32
      %dma_wait3A_339 = tpu.memref_slice %arg11[%dma_wait3A_337, %dma_wait3A_338] : memref<256x128xf32, #tpu.memory_space<vmem>> -> memref<128x128xf32, #tpu.memory_space<vmem>>
      %dma_wait3A_340 = arith.constant 0 : i32
      %dma_wait3A_341 = tpu.memref_slice %arg2[%add3A_336, %dma_wait3A_340] : memref<480000x128xf32, #tpu.memory_space<hbm>> -> memref<128x128xf32, #tpu.memory_space<hbm>>
      %dma_wait3A_342 = arith.constant 0 : i32
      %dma_wait3A_343 = arith.constant 0 : i32
      %dma_wait3A_344 = tpu.memref_slice %arg11[%dma_wait3A_342, %dma_wait3A_343] : memref<256x128xf32, #tpu.memory_space<vmem>> -> memref<128x128xf32, #tpu.memory_space<vmem>>
      %dma_wait3A_345 = arith.constant 0 : i32
      %dma_wait3A_346 = tpu.memref_slice %arg2[%add3A_336, %dma_wait3A_345] : memref<480000x128xf32, #tpu.memory_space<hbm>> -> memref<128x128xf32, #tpu.memory_space<hbm>>
      tpu.wait_dma2 semaphore(%arg20 : memref<!tpu.dma_semaphore, #tpu.memory_space<semaphore_mem>>) src(%dma_wait3A_346 : memref<128x128xf32, #tpu.memory_space<hbm>>) dst(%dma_wait3A_344 : memref<128x128xf32, #tpu.memory_space<vmem>>)
      %dma_wait3A_347 = arith.constant 0 : i32
      %dma_wait3A_348 = arith.constant 0 : i32
      %dma_wait3A_349 = tpu.memref_slice %arg12[%dma_wait3A_347, %dma_wait3A_348] : memref<256x128xf32, #tpu.memory_space<vmem>> -> memref<128x128xf32, #tpu.memory_space<vmem>>
      %dma_wait3A_350 = tpu.memref_slice %arg13[%add3A_331] : memref<6144xi32, #tpu.memory_space<vmem>> -> memref<128xi32, #tpu.memory_space<vmem>>
      %dma_wait3A_351 = arith.constant 0 : i32
      %dma_wait3A_352 = arith.constant 0 : i32
      %dma_wait3A_353 = tpu.memref_slice %arg6[%dma_wait3A_351, %dma_wait3A_352] : memref<10000x128xf32, #tpu.memory_space<hbm>> -> memref<10000x128xf32, #tpu.memory_space<hbm>>
      tpu.wait_indirect_dma semaphore(%arg20 : memref<!tpu.dma_semaphore, #tpu.memory_space<semaphore_mem>>) src(%dma_wait3A_353 : memref<10000x128xf32, #tpu.memory_space<hbm>>) dst(%dma_wait3A_349 : memref<128x128xf32, #tpu.memory_space<vmem>>)
      %jit3A_354 = arith.constant 24 : i32
      %div3A_355 = arith.divsi %mul3A_268, %jit3A_354 : i32
      %sign3A_356 = arith.constant 0 : i32
      %sign3A_357 = arith.cmpi sgt, %mul3A_268, %sign3A_356 : i32
      %sign3A_358 = arith.extui %sign3A_357 : i1 to i32
      %sign3A_359 = arith.constant 0 : i32
      %sign3A_360 = arith.cmpi slt, %mul3A_268, %sign3A_359 : i32
      %sign3A_361 = arith.extui %sign3A_360 : i1 to i32
      %sign3A_362 = arith.subi %sign3A_358, %sign3A_361 : i32
      %sign3A_363 = arith.constant 0 : i32
      %sign3A_364 = arith.cmpi sgt, %jit3A_354, %sign3A_363 : i32
      %sign3A_365 = arith.extui %sign3A_364 : i1 to i32
      %sign3A_366 = arith.constant 0 : i32
      %sign3A_367 = arith.cmpi slt, %jit3A_354, %sign3A_366 : i32
      %sign3A_368 = arith.extui %sign3A_367 : i1 to i32
      %sign3A_369 = arith.subi %sign3A_365, %sign3A_368 : i32
      %ne3A_370 = arith.cmpi ne, %sign3A_362, %sign3A_369 : i32
      %rem3A_371 = arith.remsi %mul3A_268, %jit3A_354 : i32
      %ne3A_372 = arith.constant 0 : i32
      %ne3A_373 = arith.cmpi ne, %rem3A_371, %ne3A_372 : i32
      %and3A_374 = arith.andi %ne3A_370, %ne3A_373 : i1
      %sub3A_375 = arith.constant 1 : i32
      %sub3A_376 = arith.subi %div3A_355, %sub3A_375 : i32
      %select_n3A_377 = arith.select %and3A_374, %sub3A_376, %div3A_355 : i32
      %mul3A_378 = arith.constant 24 : i32
      %mul3A_379 = arith.muli %select_n3A_377, %mul3A_378 : i32
      %add3A_380 = arith.addi %select_n3A_29, %mul3A_379 : i32
      %mul3A_381 = arith.constant 128 : i32
      %mul3A_382 = arith.muli %add3A_380, %mul3A_381 : i32
      %min3A_383 = arith.constant 476928 : i32
      %min3A_384 = arith.minsi %mul3A_382, %min3A_383 : i32
      %sub3A_385 = arith.subi %mul3A_382, %min3A_384 : i32
      %jit3A_386 = arith.constant 2 : i32
      %eq3A_387 = arith.constant 0 : i32
      %eq3A_388 = arith.cmpi eq, %jit3A_386, %eq3A_387 : i32
      %jit3A_389 = arith.constant 1 : i32
      %select_n3A_390 = arith.select %eq3A_388, %jit3A_389, %jit3A_386 : i32
      %rem3A_391 = arith.remsi %select_n3A_377, %select_n3A_390 : i32
      %ne3A_392 = arith.constant 0 : i32
      %ne3A_393 = arith.cmpi ne, %rem3A_391, %ne3A_392 : i32
      %lt3A_394 = arith.constant 0 : i32
      %lt3A_395 = arith.cmpi slt, %rem3A_391, %lt3A_394 : i32
      %lt3A_396 = arith.constant 0 : i32
      %lt3A_397 = arith.cmpi slt, %select_n3A_390, %lt3A_396 : i32
      %ne3A_398 = arith.xori %lt3A_395, %lt3A_397 : i1
      %and3A_399 = arith.andi %ne3A_398, %ne3A_393 : i1
      %add3A_400 = arith.addi %rem3A_391, %select_n3A_390 : i32
      %select_n3A_401 = arith.select %and3A_399, %add3A_400, %rem3A_391 : i32
      %mul3A_402 = arith.constant 3072 : i32
      %mul3A_403 = arith.muli %select_n3A_401, %mul3A_402 : i32
      %add3A_404 = arith.addi %mul3A_403, %sub3A_385 : i32
      %mul3A_405 = arith.constant 24 : i32
      %mul3A_406 = arith.muli %select_n3A_377, %mul3A_405 : i32
      %sub3A_407 = arith.subi %mul3A_268, %mul3A_406 : i32
      %mul3A_408 = arith.constant 128 : i32
      %mul3A_409 = arith.muli %sub3A_407, %mul3A_408 : i32
      %add3A_410 = arith.addi %add3A_404, %mul3A_409 : i32
      %scan3A_411 = arith.constant 0 : i32
      %scan3A_412 = arith.constant 0 : i32
      %scan3A_413 = arith.constant 8 : i32
      %scan3A_414 = arith.addi %scan3A_412, %scan3A_413 : i32
      %scan3A_415 = arith.constant 1 : i32
      %scan3A_416 = scf.for %scan3A_482 = %scan3A_412 to %scan3A_414 step %scan3A_415 iter_args(%scan3A_483 = %scan3A_411) -> (i32)  : i32 {
        %mul3A_484 = arith.constant 16 : i32
        %mul3A_485 = arith.muli %scan3A_482, %mul3A_484 : i32
        %add3A_486 = arith.constant 0 : i32
        %add3A_487 = arith.addi %add3A_486, %mul3A_485 : i32
        %add3A_488 = vector.broadcast %add3A_487 : i32 to vector<16xi32>
        %add3A_489 = arith.addi %add3A_488, %iota3A : vector<16xi32>
        %scan3A_490 = arith.constant 0 : i32
        %scan3A_491 = arith.constant 8 : i32
        %scan3A_492 = arith.addi %scan3A_490, %scan3A_491 : i32
        %scan3A_493 = arith.constant 1 : i32
        %scan3A_494:4 = scf.for %scan3A_510 = %scan3A_490 to %scan3A_492 step %scan3A_493 iter_args(%scan3A_511 = %broadcast_in_dim3A_149, %scan3A_512 = %broadcast_in_dim3A_149, %scan3A_513 = %broadcast_in_dim3A_149, %scan3A_514 = %broadcast_in_dim3A_149) -> (vector<16xf32>, vector<16xf32>, vector<16xf32>, vector<16xf32>)  : i32 {
          %mul3A_515 = arith.constant 16 : i32
          %mul3A_516 = arith.muli %scan3A_510, %mul3A_515 : i32
          %broadcast_in_dim3A_517 = vector.broadcast %mul3A_516 : i32 to vector<16xi32>
          %add3A_518 = arith.addi %and3A_58, %broadcast_in_dim3A_517 : vector<16xi32>
          %gather3A = tpu.vector_load_idx %arg11[%add3A_489, %add3A_518] : memref<256x128xf32, #tpu.memory_space<vmem>>[vector<16xi32>, vector<16xi32>], vector<16xf32>,
          %gather3A_519 = tpu.vector_load_idx %arg12[%add3A_489, %add3A_518] : memref<256x128xf32, #tpu.memory_space<vmem>>[vector<16xi32>, vector<16xi32>], vector<16xf32>,
          %mul3A_520 = arith.mulf %gather3A, %gather3A_519 : vector<16xf32>
          %add3A_521 = arith.addf %scan3A_511, %mul3A_520 : vector<16xf32>
          %add3A_522 = arith.addi %and3A_64, %broadcast_in_dim3A_517 : vector<16xi32>
          %gather3A_523 = tpu.vector_load_idx %arg11[%add3A_489, %add3A_522] : memref<256x128xf32, #tpu.memory_space<vmem>>[vector<16xi32>, vector<16xi32>], vector<16xf32>,
          %gather3A_524 = tpu.vector_load_idx %arg12[%add3A_489, %add3A_522] : memref<256x128xf32, #tpu.memory_space<vmem>>[vector<16xi32>, vector<16xi32>], vector<16xf32>,
          %mul3A_525 = arith.mulf %gather3A_523, %gather3A_524 : vector<16xf32>
          %add3A_526 = arith.addf %scan3A_512, %mul3A_525 : vector<16xf32>
          %add3A_527 = arith.addi %and3A_70, %broadcast_in_dim3A_517 : vector<16xi32>
          %gather3A_528 = tpu.vector_load_idx %arg11[%add3A_489, %add3A_527] : memref<256x128xf32, #tpu.memory_space<vmem>>[vector<16xi32>, vector<16xi32>], vector<16xf32>,
          %gather3A_529 = tpu.vector_load_idx %arg12[%add3A_489, %add3A_527] : memref<256x128xf32, #tpu.memory_space<vmem>>[vector<16xi32>, vector<16xi32>], vector<16xf32>,
          %mul3A_530 = arith.mulf %gather3A_528, %gather3A_529 : vector<16xf32>
          %add3A_531 = arith.addf %scan3A_513, %mul3A_530 : vector<16xf32>
          %add3A_532 = arith.addi %and3A_76, %broadcast_in_dim3A_517 : vector<16xi32>
          %gather3A_533 = tpu.vector_load_idx %arg11[%add3A_489, %add3A_532] : memref<256x128xf32, #tpu.memory_space<vmem>>[vector<16xi32>, vector<16xi32>], vector<16xf32>,
          %gather3A_534 = tpu.vector_load_idx %arg12[%add3A_489, %add3A_532] : memref<256x128xf32, #tpu.memory_space<vmem>>[vector<16xi32>, vector<16xi32>], vector<16xf32>,
          %mul3A_535 = arith.mulf %gather3A_533, %gather3A_534 : vector<16xf32>
          %add3A_536 = arith.addf %scan3A_514, %mul3A_535 : vector<16xf32>
          %add3A_537 = arith.addi %and3A_82, %broadcast_in_dim3A_517 : vector<16xi32>
          %gather3A_538 = tpu.vector_load_idx %arg11[%add3A_489, %add3A_537] : memref<256x128xf32, #tpu.memory_space<vmem>>[vector<16xi32>, vector<16xi32>], vector<16xf32>,
          %gather3A_539 = tpu.vector_load_idx %arg12[%add3A_489, %add3A_537] : memref<256x128xf32, #tpu.memory_space<vmem>>[vector<16xi32>, vector<16xi32>], vector<16xf32>,
          %mul3A_540 = arith.mulf %gather3A_538, %gather3A_539 : vector<16xf32>
          %add3A_541 = arith.addf %add3A_521, %mul3A_540 : vector<16xf32>
          %add3A_542 = arith.addi %and3A_88, %broadcast_in_dim3A_517 : vector<16xi32>
          %gather3A_543 = tpu.vector_load_idx %arg11[%add3A_489, %add3A_542] : memref<256x128xf32, #tpu.memory_space<vmem>>[vector<16xi32>, vector<16xi32>], vector<16xf32>,
          %gather3A_544 = tpu.vector_load_idx %arg12[%add3A_489, %add3A_542] : memref<256x128xf32, #tpu.memory_space<vmem>>[vector<16xi32>, vector<16xi32>], vector<16xf32>,
          %mul3A_545 = arith.mulf %gather3A_543, %gather3A_544 : vector<16xf32>
          %add3A_546 = arith.addf %add3A_526, %mul3A_545 : vector<16xf32>
          %add3A_547 = arith.addi %and3A_94, %broadcast_in_dim3A_517 : vector<16xi32>
          %gather3A_548 = tpu.vector_load_idx %arg11[%add3A_489, %add3A_547] : memref<256x128xf32, #tpu.memory_space<vmem>>[vector<16xi32>, vector<16xi32>], vector<16xf32>,
          %gather3A_549 = tpu.vector_load_idx %arg12[%add3A_489, %add3A_547] : memref<256x128xf32, #tpu.memory_space<vmem>>[vector<16xi32>, vector<16xi32>], vector<16xf32>,
          %mul3A_550 = arith.mulf %gather3A_548, %gather3A_549 : vector<16xf32>
          %add3A_551 = arith.addf %add3A_531, %mul3A_550 : vector<16xf32>
          %add3A_552 = arith.addi %and3A_100, %broadcast_in_dim3A_517 : vector<16xi32>
          %gather3A_553 = tpu.vector_load_idx %arg11[%add3A_489, %add3A_552] : memref<256x128xf32, #tpu.memory_space<vmem>>[vector<16xi32>, vector<16xi32>], vector<16xf32>,
          %gather3A_554 = tpu.vector_load_idx %arg12[%add3A_489, %add3A_552] : memref<256x128xf32, #tpu.memory_space<vmem>>[vector<16xi32>, vector<16xi32>], vector<16xf32>,
          %mul3A_555 = arith.mulf %gather3A_553, %gather3A_554 : vector<16xf32>
          %add3A_556 = arith.addf %add3A_536, %mul3A_555 : vector<16xf32>
          %add3A_557 = arith.addi %and3A_106, %broadcast_in_dim3A_517 : vector<16xi32>
          %gather3A_558 = tpu.vector_load_idx %arg11[%add3A_489, %add3A_557] : memref<256x128xf32, #tpu.memory_space<vmem>>[vector<16xi32>, vector<16xi32>], vector<16xf32>,
          %gather3A_559 = tpu.vector_load_idx %arg12[%add3A_489, %add3A_557] : memref<256x128xf32, #tpu.memory_space<vmem>>[vector<16xi32>, vector<16xi32>], vector<16xf32>,
          %mul3A_560 = arith.mulf %gather3A_558, %gather3A_559 : vector<16xf32>
          %add3A_561 = arith.addf %add3A_541, %mul3A_560 : vector<16xf32>
          %add3A_562 = arith.addi %and3A_112, %broadcast_in_dim3A_517 : vector<16xi32>
          %gather3A_563 = tpu.vector_load_idx %arg11[%add3A_489, %add3A_562] : memref<256x128xf32, #tpu.memory_space<vmem>>[vector<16xi32>, vector<16xi32>], vector<16xf32>,
          %gather3A_564 = tpu.vector_load_idx %arg12[%add3A_489, %add3A_562] : memref<256x128xf32, #tpu.memory_space<vmem>>[vector<16xi32>, vector<16xi32>], vector<16xf32>,
          %mul3A_565 = arith.mulf %gather3A_563, %gather3A_564 : vector<16xf32>
          %add3A_566 = arith.addf %add3A_546, %mul3A_565 : vector<16xf32>
          %add3A_567 = arith.addi %and3A_118, %broadcast_in_dim3A_517 : vector<16xi32>
          %gather3A_568 = tpu.vector_load_idx %arg11[%add3A_489, %add3A_567] : memref<256x128xf32, #tpu.memory_space<vmem>>[vector<16xi32>, vector<16xi32>], vector<16xf32>,
          %gather3A_569 = tpu.vector_load_idx %arg12[%add3A_489, %add3A_567] : memref<256x128xf32, #tpu.memory_space<vmem>>[vector<16xi32>, vector<16xi32>], vector<16xf32>,
          %mul3A_570 = arith.mulf %gather3A_568, %gather3A_569 : vector<16xf32>
          %add3A_571 = arith.addf %add3A_551, %mul3A_570 : vector<16xf32>
          %add3A_572 = arith.addi %and3A_124, %broadcast_in_dim3A_517 : vector<16xi32>
          %gather3A_573 = tpu.vector_load_idx %arg11[%add3A_489, %add3A_572] : memref<256x128xf32, #tpu.memory_space<vmem>>[vector<16xi32>, vector<16xi32>], vector<16xf32>,
          %gather3A_574 = tpu.vector_load_idx %arg12[%add3A_489, %add3A_572] : memref<256x128xf32, #tpu.memory_space<vmem>>[vector<16xi32>, vector<16xi32>], vector<16xf32>,
          %mul3A_575 = arith.mulf %gather3A_573, %gather3A_574 : vector<16xf32>
          %add3A_576 = arith.addf %add3A_556, %mul3A_575 : vector<16xf32>
          %add3A_577 = arith.addi %and3A_130, %broadcast_in_dim3A_517 : vector<16xi32>
          %gather3A_578 = tpu.vector_load_idx %arg11[%add3A_489, %add3A_577] : memref<256x128xf32, #tpu.memory_space<vmem>>[vector<16xi32>, vector<16xi32>], vector<16xf32>,
          %gather3A_579 = tpu.vector_load_idx %arg12[%add3A_489, %add3A_577] : memref<256x128xf32, #tpu.memory_space<vmem>>[vector<16xi32>, vector<16xi32>], vector<16xf32>,
          %mul3A_580 = arith.mulf %gather3A_578, %gather3A_579 : vector<16xf32>
          %add3A_581 = arith.addf %add3A_561, %mul3A_580 : vector<16xf32>
          %add3A_582 = arith.addi %and3A_136, %broadcast_in_dim3A_517 : vector<16xi32>
          %gather3A_583 = tpu.vector_load_idx %arg11[%add3A_489, %add3A_582] : memref<256x128xf32, #tpu.memory_space<vmem>>[vector<16xi32>, vector<16xi32>], vector<16xf32>,
          %gather3A_584 = tpu.vector_load_idx %arg12[%add3A_489, %add3A_582] : memref<256x128xf32, #tpu.memory_space<vmem>>[vector<16xi32>, vector<16xi32>], vector<16xf32>,
          %mul3A_585 = arith.mulf %gather3A_583, %gather3A_584 : vector<16xf32>
          %add3A_586 = arith.addf %add3A_566, %mul3A_585 : vector<16xf32>
          %add3A_587 = arith.addi %and3A_142, %broadcast_in_dim3A_517 : vector<16xi32>
          %gather3A_588 = tpu.vector_load_idx %arg11[%add3A_489, %add3A_587] : memref<256x128xf32, #tpu.memory_space<vmem>>[vector<16xi32>, vector<16xi32>], vector<16xf32>,
          %gather3A_589 = tpu.vector_load_idx %arg12[%add3A_489, %add3A_587] : memref<256x128xf32, #tpu.memory_space<vmem>>[vector<16xi32>, vector<16xi32>], vector<16xf32>,
          %mul3A_590 = arith.mulf %gather3A_588, %gather3A_589 : vector<16xf32>
          %add3A_591 = arith.addf %add3A_571, %mul3A_590 : vector<16xf32>
          %add3A_592 = arith.addi %and3A_148, %broadcast_in_dim3A_517 : vector<16xi32>
          %gather3A_593 = tpu.vector_load_idx %arg11[%add3A_489, %add3A_592] : memref<256x128xf32, #tpu.memory_space<vmem>>[vector<16xi32>, vector<16xi32>], vector<16xf32>,
          %gather3A_594 = tpu.vector_load_idx %arg12[%add3A_489, %add3A_592] : memref<256x128xf32, #tpu.memory_space<vmem>>[vector<16xi32>, vector<16xi32>], vector<16xf32>,
          %mul3A_595 = arith.mulf %gather3A_593, %gather3A_594 : vector<16xf32>
          %add3A_596 = arith.addf %add3A_576, %mul3A_595 : vector<16xf32>
          scf.yield %add3A_581, %add3A_586, %add3A_591, %add3A_596 : vector<16xf32>, vector<16xf32>, vector<16xf32>, vector<16xf32>
        }
        %scan3A_495 = arith.constant 8 : i32
        %add3A_496 = arith.addf %scan3A_494#0, %scan3A_494#1 : vector<16xf32>
        %add3A_497 = arith.addf %scan3A_494#2, %scan3A_494#3 : vector<16xf32>
        %add3A_498 = arith.addf %add3A_496, %add3A_497 : vector<16xf32>
        %mul3A_499 = arith.constant 16 : i32
        %mul3A_500 = arith.muli %scan3A_482, %mul3A_499 : i32
        %add3A_501 = arith.addi %add3A_410, %mul3A_500 : i32
        %get3A = arith.index_cast %add3A_501 : i32 to index
        %get3A_502 = tpu.vector_load %arg14[%get3A] {strides = array<i32>} : memref<6144xi32, #tpu.memory_space<vmem>>, vector<16xi32>,
        %mul3A_503 = arith.constant 3 : i32
        %mul3A_504 = vector.broadcast %mul3A_503 : i32 to vector<16xi32>
        %mul3A_505 = arith.muli %get3A_502, %mul3A_504 : vector<16xi32>
        %get3A_506 = arith.index_cast %add3A_501 : i32 to index
        %get3A_507 = tpu.vector_load %arg15[%get3A_506] {strides = array<i32>} : memref<6144xi32, #tpu.memory_space<vmem>>, vector<16xi32>,
        %add3A_508 = arith.addi %mul3A_505, %get3A_507 : vector<16xi32>
        tpu.vector_store_idx %arg16[%add3A_508], %add3A_498 {add = true} : memref<30720xf32, #tpu.memory_space<vmem>>[vector<16xi32>], vector<16xf32>,
        %scan3A_509 = arith.constant 0 : i32
        scf.yield %scan3A_509 : i32
      }
      %scan3A_417 = arith.constant 8 : i32
      %add3A_418 = arith.constant 1 : i32
      %add3A_419 = arith.addi %mul3A_268, %add3A_418 : i32
      %jit3A_420 = arith.constant 24 : i32
      %eq3A_421 = arith.constant 0 : i32
      %eq3A_422 = arith.cmpi eq, %jit3A_420, %eq3A_421 : i32
      %jit3A_423 = arith.constant 1 : i32
      %select_n3A_424 = arith.select %eq3A_422, %jit3A_423, %jit3A_420 : i32
      %rem3A_425 = arith.remsi %add3A_419, %select_n3A_424 : i32
      %ne3A_426 = arith.constant 0 : i32
      %ne3A_427 = arith.cmpi ne, %rem3A_425, %ne3A_426 : i32
      %lt3A_428 = arith.constant 0 : i32
      %lt3A_429 = arith.cmpi slt, %rem3A_425, %lt3A_428 : i32
      %lt3A_430 = arith.constant 0 : i32
      %lt3A_431 = arith.cmpi slt, %select_n3A_424, %lt3A_430 : i32
      %ne3A_432 = arith.xori %lt3A_429, %lt3A_431 : i1
      %and3A_433 = arith.andi %ne3A_432, %ne3A_427 : i1
      %add3A_434 = arith.addi %rem3A_425, %select_n3A_424 : i32
      %select_n3A_435 = arith.select %and3A_433, %add3A_434, %rem3A_425 : i32
      %eq3A_436 = arith.constant 0 : i32
      %eq3A_437 = arith.cmpi eq, %select_n3A_435, %eq3A_436 : i32
      %add3A_438 = arith.constant 1 : i32
      %add3A_439 = arith.addi %mul3A_268, %add3A_438 : i32
      %jit3A_440 = arith.constant 24 : i32
      %div3A_441 = arith.divsi %add3A_439, %jit3A_440 : i32
      %sign3A_442 = arith.constant 0 : i32
      %sign3A_443 = arith.cmpi sgt, %add3A_439, %sign3A_442 : i32
      %sign3A_444 = arith.extui %sign3A_443 : i1 to i32
      %sign3A_445 = arith.constant 0 : i32
      %sign3A_446 = arith.cmpi slt, %add3A_439, %sign3A_445 : i32
      %sign3A_447 = arith.extui %sign3A_446 : i1 to i32
      %sign3A_448 = arith.subi %sign3A_444, %sign3A_447 : i32
      %sign3A_449 = arith.constant 0 : i32
      %sign3A_450 = arith.cmpi sgt, %jit3A_440, %sign3A_449 : i32
      %sign3A_451 = arith.extui %sign3A_450 : i1 to i32
      %sign3A_452 = arith.constant 0 : i32
      %sign3A_453 = arith.cmpi slt, %jit3A_440, %sign3A_452 : i32
      %sign3A_454 = arith.extui %sign3A_453 : i1 to i32
      %sign3A_455 = arith.subi %sign3A_451, %sign3A_454 : i32
      %ne3A_456 = arith.cmpi ne, %sign3A_448, %sign3A_455 : i32
      %rem3A_457 = arith.remsi %add3A_439, %jit3A_440 : i32
      %ne3A_458 = arith.constant 0 : i32
      %ne3A_459 = arith.cmpi ne, %rem3A_457, %ne3A_458 : i32
      %and3A_460 = arith.andi %ne3A_456, %ne3A_459 : i1
      %sub3A_461 = arith.constant 1 : i32
      %sub3A_462 = arith.subi %div3A_441, %sub3A_461 : i32
      %select_n3A_463 = arith.select %and3A_460, %sub3A_462, %div3A_441 : i32
      %add3A_464 = arith.constant 1 : i32
      %add3A_465 = arith.addi %select_n3A_463, %add3A_464 : i32
      %lt3A_466 = arith.cmpi slt, %add3A_465, %select_n3A_52 : i32
      %and3A_467 = arith.andi %eq3A_437, %lt3A_466 : i1
      %convert_element_type3A_468 = arith.extui %and3A_467 : i1 to i32
      %cond3A_469 = arith.constant 0 : i32
      %cond3A_470 = arith.cmpi ne, %convert_element_type3A_468, %cond3A_469 : i32
      scf.if %cond3A_470 {
        %add3A_482 = arith.constant 1 : i32
        %add3A_483 = arith.addi %mul3A_268, %add3A_482 : i32
        %jit3A_484 = arith.constant 24 : i32
        %div3A_485 = arith.divsi %add3A_483, %jit3A_484 : i32
        %sign3A_486 = arith.constant 0 : i32
        %sign3A_487 = arith.cmpi sgt, %add3A_483, %sign3A_486 : i32
        %sign3A_488 = arith.extui %sign3A_487 : i1 to i32
        %sign3A_489 = arith.constant 0 : i32
        %sign3A_490 = arith.cmpi slt, %add3A_483, %sign3A_489 : i32
        %sign3A_491 = arith.extui %sign3A_490 : i1 to i32
        %sign3A_492 = arith.subi %sign3A_488, %sign3A_491 : i32
        %sign3A_493 = arith.constant 0 : i32
        %sign3A_494 = arith.cmpi sgt, %jit3A_484, %sign3A_493 : i32
        %sign3A_495 = arith.extui %sign3A_494 : i1 to i32
        %sign3A_496 = arith.constant 0 : i32
        %sign3A_497 = arith.cmpi slt, %jit3A_484, %sign3A_496 : i32
        %sign3A_498 = arith.extui %sign3A_497 : i1 to i32
        %sign3A_499 = arith.subi %sign3A_495, %sign3A_498 : i32
        %ne3A_500 = arith.cmpi ne, %sign3A_492, %sign3A_499 : i32
        %rem3A_501 = arith.remsi %add3A_483, %jit3A_484 : i32
        %ne3A_502 = arith.constant 0 : i32
        %ne3A_503 = arith.cmpi ne, %rem3A_501, %ne3A_502 : i32
        %and3A_504 = arith.andi %ne3A_500, %ne3A_503 : i1
        %sub3A_505 = arith.constant 1 : i32
        %sub3A_506 = arith.subi %div3A_485, %sub3A_505 : i32
        %select_n3A_507 = arith.select %and3A_504, %sub3A_506, %div3A_485 : i32
        %add3A_508 = arith.constant 1 : i32
        %add3A_509 = arith.addi %select_n3A_507, %add3A_508 : i32
        %jit3A_510 = arith.constant 2 : i32
        %eq3A_511 = arith.constant 0 : i32
        %eq3A_512 = arith.cmpi eq, %jit3A_510, %eq3A_511 : i32
        %jit3A_513 = arith.constant 1 : i32
        %select_n3A_514 = arith.select %eq3A_512, %jit3A_513, %jit3A_510 : i32
        %rem3A_515 = arith.remsi %add3A_509, %select_n3A_514 : i32
        %ne3A_516 = arith.constant 0 : i32
        %ne3A_517 = arith.cmpi ne, %rem3A_515, %ne3A_516 : i32
        %lt3A_518 = arith.constant 0 : i32
        %lt3A_519 = arith.cmpi slt, %rem3A_515, %lt3A_518 : i32
        %lt3A_520 = arith.constant 0 : i32
        %lt3A_521 = arith.cmpi slt, %select_n3A_514, %lt3A_520 : i32
        %ne3A_522 = arith.xori %lt3A_519, %lt3A_521 : i1
        %and3A_523 = arith.andi %ne3A_522, %ne3A_517 : i1
        %add3A_524 = arith.addi %rem3A_515, %select_n3A_514 : i32
        %select_n3A_525 = arith.select %and3A_523, %add3A_524, %rem3A_515 : i32
        %mul3A_526 = arith.constant 24 : i32
        %mul3A_527 = arith.muli %add3A_509, %mul3A_526 : i32
        %add3A_528 = arith.addi %select_n3A_29, %mul3A_527 : i32
        %mul3A_529 = arith.constant 128 : i32
        %mul3A_530 = arith.muli %add3A_528, %mul3A_529 : i32
        %min3A_531 = arith.constant 476928 : i32
        %min3A_532 = arith.minsi %mul3A_530, %min3A_531 : i32
        %mul3A_533 = arith.constant 3072 : i32
        %mul3A_534 = arith.muli %select_n3A_525, %mul3A_533 : i32
        %dma_start3A_535 = tpu.memref_slice %arg13[%mul3A_534] : memref<6144xi32, #tpu.memory_space<vmem>> -> memref<3072xi32, #tpu.memory_space<vmem>>
        %dma_start3A_536 = tpu.memref_slice %arg3[%min3A_532] : memref<480000xi32, #tpu.memory_space<hbm>> -> memref<3072xi32, #tpu.memory_space<hbm>>
        %dma_start3A_537 = tpu.memref_slice %arg13[%mul3A_534] : memref<6144xi32, #tpu.memory_space<vmem>> -> memref<3072xi32, #tpu.memory_space<vmem>>
        %dma_start3A_538 = tpu.memref_slice %arg3[%min3A_532] : memref<480000xi32, #tpu.memory_space<hbm>> -> memref<3072xi32, #tpu.memory_space<hbm>>
        tpu.enqueue_dma source(%dma_start3A_538 : memref<3072xi32, #tpu.memory_space<hbm>>) target(%dma_start3A_537 : memref<3072xi32, #tpu.memory_space<vmem>>) target_semaphore(%arg22 : memref<!tpu.dma_semaphore, #tpu.memory_space<semaphore_mem>>)
        %dma_start3A_539 = tpu.memref_slice %arg14[%mul3A_534] : memref<6144xi32, #tpu.memory_space<vmem>> -> memref<3072xi32, #tpu.memory_space<vmem>>
        %dma_start3A_540 = tpu.memref_slice %arg4[%min3A_532] : memref<480000xi32, #tpu.memory_space<hbm>> -> memref<3072xi32, #tpu.memory_space<hbm>>
        %dma_start3A_541 = tpu.memref_slice %arg14[%mul3A_534] : memref<6144xi32, #tpu.memory_space<vmem>> -> memref<3072xi32, #tpu.memory_space<vmem>>
        %dma_start3A_542 = tpu.memref_slice %arg4[%min3A_532] : memref<480000xi32, #tpu.memory_space<hbm>> -> memref<3072xi32, #tpu.memory_space<hbm>>
        tpu.enqueue_dma source(%dma_start3A_542 : memref<3072xi32, #tpu.memory_space<hbm>>) target(%dma_start3A_541 : memref<3072xi32, #tpu.memory_space<vmem>>) target_semaphore(%arg22 : memref<!tpu.dma_semaphore, #tpu.memory_space<semaphore_mem>>)
        %dma_start3A_543 = tpu.memref_slice %arg15[%mul3A_534] : memref<6144xi32, #tpu.memory_space<vmem>> -> memref<3072xi32, #tpu.memory_space<vmem>>
        %dma_start3A_544 = tpu.memref_slice %arg5[%min3A_532] : memref<480000xi32, #tpu.memory_space<hbm>> -> memref<3072xi32, #tpu.memory_space<hbm>>
        %dma_start3A_545 = tpu.memref_slice %arg15[%mul3A_534] : memref<6144xi32, #tpu.memory_space<vmem>> -> memref<3072xi32, #tpu.memory_space<vmem>>
        %dma_start3A_546 = tpu.memref_slice %arg5[%min3A_532] : memref<480000xi32, #tpu.memory_space<hbm>> -> memref<3072xi32, #tpu.memory_space<hbm>>
        tpu.enqueue_dma source(%dma_start3A_546 : memref<3072xi32, #tpu.memory_space<hbm>>) target(%dma_start3A_545 : memref<3072xi32, #tpu.memory_space<vmem>>) target_semaphore(%arg22 : memref<!tpu.dma_semaphore, #tpu.memory_space<semaphore_mem>>)
      } else {
      }
      %add3A_471 = arith.constant 2 : i32
      %add3A_472 = arith.addi %mul3A_268, %add3A_471 : i32
      %lt3A_473 = arith.cmpi slt, %add3A_472, %select_n3A_16 : i32
      %convert_element_type3A_474 = arith.extui %lt3A_473 : i1 to i32
      %cond3A_475 = arith.constant 0 : i32
      %cond3A_476 = arith.cmpi ne, %convert_element_type3A_474, %cond3A_475 : i32
      scf.if %cond3A_476 {
        %add3A_482 = arith.constant 2 : i32
        %add3A_483 = arith.addi %mul3A_268, %add3A_482 : i32
        %jit3A_484 = arith.constant 24 : i32
        %div3A_485 = arith.divsi %add3A_483, %jit3A_484 : i32
        %sign3A_486 = arith.constant 0 : i32
        %sign3A_487 = arith.cmpi sgt, %add3A_483, %sign3A_486 : i32
        %sign3A_488 = arith.extui %sign3A_487 : i1 to i32
        %sign3A_489 = arith.constant 0 : i32
        %sign3A_490 = arith.cmpi slt, %add3A_483, %sign3A_489 : i32
        %sign3A_491 = arith.extui %sign3A_490 : i1 to i32
        %sign3A_492 = arith.subi %sign3A_488, %sign3A_491 : i32
        %sign3A_493 = arith.constant 0 : i32
        %sign3A_494 = arith.cmpi sgt, %jit3A_484, %sign3A_493 : i32
        %sign3A_495 = arith.extui %sign3A_494 : i1 to i32
        %sign3A_496 = arith.constant 0 : i32
        %sign3A_497 = arith.cmpi slt, %jit3A_484, %sign3A_496 : i32
        %sign3A_498 = arith.extui %sign3A_497 : i1 to i32
        %sign3A_499 = arith.subi %sign3A_495, %sign3A_498 : i32
        %ne3A_500 = arith.cmpi ne, %sign3A_492, %sign3A_499 : i32
        %rem3A_501 = arith.remsi %add3A_483, %jit3A_484 : i32
        %ne3A_502 = arith.constant 0 : i32
        %ne3A_503 = arith.cmpi ne, %rem3A_501, %ne3A_502 : i32
        %and3A_504 = arith.andi %ne3A_500, %ne3A_503 : i1
        %sub3A_505 = arith.constant 1 : i32
        %sub3A_506 = arith.subi %div3A_485, %sub3A_505 : i32
        %select_n3A_507 = arith.select %and3A_504, %sub3A_506, %div3A_485 : i32
        %mul3A_508 = arith.constant 24 : i32
        %mul3A_509 = arith.muli %select_n3A_507, %mul3A_508 : i32
        %add3A_510 = arith.addi %select_n3A_29, %mul3A_509 : i32
        %mul3A_511 = arith.constant 128 : i32
        %mul3A_512 = arith.muli %add3A_510, %mul3A_511 : i32
        %min3A_513 = arith.constant 476928 : i32
        %min3A_514 = arith.minsi %mul3A_512, %min3A_513 : i32
        %sub3A_515 = arith.subi %mul3A_512, %min3A_514 : i32
        %jit3A_516 = arith.constant 2 : i32
        %eq3A_517 = arith.constant 0 : i32
        %eq3A_518 = arith.cmpi eq, %jit3A_516, %eq3A_517 : i32
        %jit3A_519 = arith.constant 1 : i32
        %select_n3A_520 = arith.select %eq3A_518, %jit3A_519, %jit3A_516 : i32
        %rem3A_521 = arith.remsi %select_n3A_507, %select_n3A_520 : i32
        %ne3A_522 = arith.constant 0 : i32
        %ne3A_523 = arith.cmpi ne, %rem3A_521, %ne3A_522 : i32
        %lt3A_524 = arith.constant 0 : i32
        %lt3A_525 = arith.cmpi slt, %rem3A_521, %lt3A_524 : i32
        %lt3A_526 = arith.constant 0 : i32
        %lt3A_527 = arith.cmpi slt, %select_n3A_520, %lt3A_526 : i32
        %ne3A_528 = arith.xori %lt3A_525, %lt3A_527 : i1
        %and3A_529 = arith.andi %ne3A_528, %ne3A_523 : i1
        %add3A_530 = arith.addi %rem3A_521, %select_n3A_520 : i32
        %select_n3A_531 = arith.select %and3A_529, %add3A_530, %rem3A_521 : i32
        %mul3A_532 = arith.constant 3072 : i32
        %mul3A_533 = arith.muli %select_n3A_531, %mul3A_532 : i32
        %add3A_534 = arith.addi %mul3A_533, %sub3A_515 : i32
        %mul3A_535 = arith.constant 24 : i32
        %mul3A_536 = arith.muli %select_n3A_507, %mul3A_535 : i32
        %sub3A_537 = arith.subi %add3A_483, %mul3A_536 : i32
        %mul3A_538 = arith.constant 128 : i32
        %mul3A_539 = arith.muli %sub3A_537, %mul3A_538 : i32
        %add3A_540 = arith.addi %add3A_534, %mul3A_539 : i32
        %gt3A_541 = arith.constant 0 : i32
        %gt3A_542 = arith.cmpi sgt, %add3A_483, %gt3A_541 : i32
        %jit3A_543 = arith.constant 24 : i32
        %eq3A_544 = arith.constant 0 : i32
        %eq3A_545 = arith.cmpi eq, %jit3A_543, %eq3A_544 : i32
        %jit3A_546 = arith.constant 1 : i32
        %select_n3A_547 = arith.select %eq3A_545, %jit3A_546, %jit3A_543 : i32
        %rem3A_548 = arith.remsi %add3A_483, %select_n3A_547 : i32
        %ne3A_549 = arith.constant 0 : i32
        %ne3A_550 = arith.cmpi ne, %rem3A_548, %ne3A_549 : i32
        %lt3A_551 = arith.constant 0 : i32
        %lt3A_552 = arith.cmpi slt, %rem3A_548, %lt3A_551 : i32
        %lt3A_553 = arith.constant 0 : i32
        %lt3A_554 = arith.cmpi slt, %select_n3A_547, %lt3A_553 : i32
        %ne3A_555 = arith.xori %lt3A_552, %lt3A_554 : i1
        %and3A_556 = arith.andi %ne3A_555, %ne3A_550 : i1
        %add3A_557 = arith.addi %rem3A_548, %select_n3A_547 : i32
        %select_n3A_558 = arith.select %and3A_556, %add3A_557, %rem3A_548 : i32
        %eq3A_559 = arith.constant 0 : i32
        %eq3A_560 = arith.cmpi eq, %select_n3A_558, %eq3A_559 : i32
        %and3A_561 = arith.andi %gt3A_542, %eq3A_560 : i1
        %convert_element_type3A_562 = arith.extui %and3A_561 : i1 to i32
        %cond3A_563 = arith.constant 0 : i32
        %cond3A_564 = arith.cmpi ne, %convert_element_type3A_562, %cond3A_563 : i32
        scf.if %cond3A_564 {
          %jit3A_587 = arith.constant 2 : i32
          %eq3A_588 = arith.constant 0 : i32
          %eq3A_589 = arith.cmpi eq, %jit3A_587, %eq3A_588 : i32
          %jit3A_590 = arith.constant 1 : i32
          %select_n3A_591 = arith.select %eq3A_589, %jit3A_590, %jit3A_587 : i32
          %rem3A_592 = arith.remsi %select_n3A_507, %select_n3A_591 : i32
          %ne3A_593 = arith.constant 0 : i32
          %ne3A_594 = arith.cmpi ne, %rem3A_592, %ne3A_593 : i32
          %lt3A_595 = arith.constant 0 : i32
          %lt3A_596 = arith.cmpi slt, %rem3A_592, %lt3A_595 : i32
          %lt3A_597 = arith.constant 0 : i32
          %lt3A_598 = arith.cmpi slt, %select_n3A_591, %lt3A_597 : i32
          %ne3A_599 = arith.xori %lt3A_596, %lt3A_598 : i1
          %and3A_600 = arith.andi %ne3A_599, %ne3A_594 : i1
          %add3A_601 = arith.addi %rem3A_592, %select_n3A_591 : i32
          %select_n3A_602 = arith.select %and3A_600, %add3A_601, %rem3A_592 : i32
          %mul3A_603 = arith.constant 24 : i32
          %mul3A_604 = arith.muli %select_n3A_507, %mul3A_603 : i32
          %add3A_605 = arith.addi %select_n3A_29, %mul3A_604 : i32
          %mul3A_606 = arith.constant 128 : i32
          %mul3A_607 = arith.muli %add3A_605, %mul3A_606 : i32
          %min3A_608 = arith.constant 476928 : i32
          %min3A_609 = arith.minsi %mul3A_607, %min3A_608 : i32
          %mul3A_610 = arith.constant 3072 : i32
          %mul3A_611 = arith.muli %select_n3A_602, %mul3A_610 : i32
          %dma_wait3A_612 = tpu.memref_slice %arg13[%mul3A_611] : memref<6144xi32, #tpu.memory_space<vmem>> -> memref<3072xi32, #tpu.memory_space<vmem>>
          %dma_wait3A_613 = tpu.memref_slice %arg3[%min3A_609] : memref<480000xi32, #tpu.memory_space<hbm>> -> memref<3072xi32, #tpu.memory_space<hbm>>
          %dma_wait3A_614 = tpu.memref_slice %arg13[%mul3A_611] : memref<6144xi32, #tpu.memory_space<vmem>> -> memref<3072xi32, #tpu.memory_space<vmem>>
          %dma_wait3A_615 = tpu.memref_slice %arg3[%min3A_609] : memref<480000xi32, #tpu.memory_space<hbm>> -> memref<3072xi32, #tpu.memory_space<hbm>>
          tpu.wait_dma2 semaphore(%arg22 : memref<!tpu.dma_semaphore, #tpu.memory_space<semaphore_mem>>) src(%dma_wait3A_615 : memref<3072xi32, #tpu.memory_space<hbm>>) dst(%dma_wait3A_614 : memref<3072xi32, #tpu.memory_space<vmem>>)
          %dma_wait3A_616 = tpu.memref_slice %arg14[%mul3A_611] : memref<6144xi32, #tpu.memory_space<vmem>> -> memref<3072xi32, #tpu.memory_space<vmem>>
          %dma_wait3A_617 = tpu.memref_slice %arg4[%min3A_609] : memref<480000xi32, #tpu.memory_space<hbm>> -> memref<3072xi32, #tpu.memory_space<hbm>>
          %dma_wait3A_618 = tpu.memref_slice %arg14[%mul3A_611] : memref<6144xi32, #tpu.memory_space<vmem>> -> memref<3072xi32, #tpu.memory_space<vmem>>
          %dma_wait3A_619 = tpu.memref_slice %arg4[%min3A_609] : memref<480000xi32, #tpu.memory_space<hbm>> -> memref<3072xi32, #tpu.memory_space<hbm>>
          tpu.wait_dma2 semaphore(%arg22 : memref<!tpu.dma_semaphore, #tpu.memory_space<semaphore_mem>>) src(%dma_wait3A_619 : memref<3072xi32, #tpu.memory_space<hbm>>) dst(%dma_wait3A_618 : memref<3072xi32, #tpu.memory_space<vmem>>)
          %dma_wait3A_620 = tpu.memref_slice %arg15[%mul3A_611] : memref<6144xi32, #tpu.memory_space<vmem>> -> memref<3072xi32, #tpu.memory_space<vmem>>
          %dma_wait3A_621 = tpu.memref_slice %arg5[%min3A_609] : memref<480000xi32, #tpu.memory_space<hbm>> -> memref<3072xi32, #tpu.memory_space<hbm>>
          %dma_wait3A_622 = tpu.memref_slice %arg15[%mul3A_611] : memref<6144xi32, #tpu.memory_space<vmem>> -> memref<3072xi32, #tpu.memory_space<vmem>>
          %dma_wait3A_623 = tpu.memref_slice %arg5[%min3A_609] : memref<480000xi32, #tpu.memory_space<hbm>> -> memref<3072xi32, #tpu.memory_space<hbm>>
          tpu.wait_dma2 semaphore(%arg22 : memref<!tpu.dma_semaphore, #tpu.memory_space<semaphore_mem>>) src(%dma_wait3A_623 : memref<3072xi32, #tpu.memory_space<hbm>>) dst(%dma_wait3A_622 : memref<3072xi32, #tpu.memory_space<vmem>>)
        } else {
        }
        %add3A_565 = arith.addi %select_n3A_29, %add3A_483 : i32
        %mul3A_566 = arith.constant 128 : i32
        %mul3A_567 = arith.muli %add3A_565, %mul3A_566 : i32
        %add3A_568 = arith.constant 0 : i32
        %add3A_569 = arith.addi %mul3A_567, %add3A_568 : i32
        %dma_start3A_570 = arith.constant 0 : i32
        %dma_start3A_571 = arith.constant 0 : i32
        %dma_start3A_572 = tpu.memref_slice %arg11[%dma_start3A_570, %dma_start3A_571] : memref<256x128xf32, #tpu.memory_space<vmem>> -> memref<128x128xf32, #tpu.memory_space<vmem>>
        %dma_start3A_573 = arith.constant 0 : i32
        %dma_start3A_574 = tpu.memref_slice %arg2[%add3A_569, %dma_start3A_573] : memref<480000x128xf32, #tpu.memory_space<hbm>> -> memref<128x128xf32, #tpu.memory_space<hbm>>
        %dma_start3A_575 = arith.constant 0 : i32
        %dma_start3A_576 = arith.constant 0 : i32
        %dma_start3A_577 = tpu.memref_slice %arg11[%dma_start3A_575, %dma_start3A_576] : memref<256x128xf32, #tpu.memory_space<vmem>> -> memref<128x128xf32, #tpu.memory_space<vmem>>
        %dma_start3A_578 = arith.constant 0 : i32
        %dma_start3A_579 = tpu.memref_slice %arg2[%add3A_569, %dma_start3A_578] : memref<480000x128xf32, #tpu.memory_space<hbm>> -> memref<128x128xf32, #tpu.memory_space<hbm>>
        tpu.enqueue_dma source(%dma_start3A_579 : memref<128x128xf32, #tpu.memory_space<hbm>>) target(%dma_start3A_577 : memref<128x128xf32, #tpu.memory_space<vmem>>) target_semaphore(%arg20 : memref<!tpu.dma_semaphore, #tpu.memory_space<semaphore_mem>>)
        %dma_start3A_580 = arith.constant 0 : i32
        %dma_start3A_581 = arith.constant 0 : i32
        %dma_start3A_582 = tpu.memref_slice %arg12[%dma_start3A_580, %dma_start3A_581] : memref<256x128xf32, #tpu.memory_space<vmem>> -> memref<128x128xf32, #tpu.memory_space<vmem>>
        %dma_start3A_583 = tpu.memref_slice %arg13[%add3A_540] : memref<6144xi32, #tpu.memory_space<vmem>> -> memref<128xi32, #tpu.memory_space<vmem>>
        %dma_start3A_584 = arith.constant 0 : i32
        %dma_start3A_585 = arith.constant 0 : i32
        %dma_start3A_586 = tpu.memref_slice %arg6[%dma_start3A_584, %dma_start3A_585] : memref<10000x128xf32, #tpu.memory_space<hbm>> -> memref<10000x128xf32, #tpu.memory_space<hbm>>
        tpu.enqueue_indirect_dma source(%dma_start3A_586 : memref<10000x128xf32, #tpu.memory_space<hbm>>) target(%dma_start3A_582 : memref<128x128xf32, #tpu.memory_space<vmem>>) offsets(%dma_start3A_583 : memref<128xi32, #tpu.memory_space<vmem>>) semaphore(%arg20 : memref<!tpu.dma_semaphore, #tpu.memory_space<semaphore_mem>>)
      } else {
      }
      %lt3A_477 = arith.cmpi slt, %add3A_270, %select_n3A_16 : i32
      %convert_element_type3A_478 = arith.extui %lt3A_477 : i1 to i32
      %cond3A_479 = arith.constant 0 : i32
      %cond3A_480 = arith.cmpi ne, %convert_element_type3A_478, %cond3A_479 : i32
      scf.if %cond3A_480 {
        %jit3A_482 = arith.constant 24 : i32
        %div3A_483 = arith.divsi %add3A_270, %jit3A_482 : i32
        %sign3A_484 = arith.constant 0 : i32
        %sign3A_485 = arith.cmpi sgt, %add3A_270, %sign3A_484 : i32
        %sign3A_486 = arith.extui %sign3A_485 : i1 to i32
        %sign3A_487 = arith.constant 0 : i32
        %sign3A_488 = arith.cmpi slt, %add3A_270, %sign3A_487 : i32
        %sign3A_489 = arith.extui %sign3A_488 : i1 to i32
        %sign3A_490 = arith.subi %sign3A_486, %sign3A_489 : i32
        %sign3A_491 = arith.constant 0 : i32
        %sign3A_492 = arith.cmpi sgt, %jit3A_482, %sign3A_491 : i32
        %sign3A_493 = arith.extui %sign3A_492 : i1 to i32
        %sign3A_494 = arith.constant 0 : i32
        %sign3A_495 = arith.cmpi slt, %jit3A_482, %sign3A_494 : i32
        %sign3A_496 = arith.extui %sign3A_495 : i1 to i32
        %sign3A_497 = arith.subi %sign3A_493, %sign3A_496 : i32
        %ne3A_498 = arith.cmpi ne, %sign3A_490, %sign3A_497 : i32
        %rem3A_499 = arith.remsi %add3A_270, %jit3A_482 : i32
        %ne3A_500 = arith.constant 0 : i32
        %ne3A_501 = arith.cmpi ne, %rem3A_499, %ne3A_500 : i32
        %and3A_502 = arith.andi %ne3A_498, %ne3A_501 : i1
        %sub3A_503 = arith.constant 1 : i32
        %sub3A_504 = arith.subi %div3A_483, %sub3A_503 : i32
        %select_n3A_505 = arith.select %and3A_502, %sub3A_504, %div3A_483 : i32
        %mul3A_506 = arith.constant 24 : i32
        %mul3A_507 = arith.muli %select_n3A_505, %mul3A_506 : i32
        %add3A_508 = arith.addi %select_n3A_29, %mul3A_507 : i32
        %mul3A_509 = arith.constant 128 : i32
        %mul3A_510 = arith.muli %add3A_508, %mul3A_509 : i32
        %min3A_511 = arith.constant 476928 : i32
        %min3A_512 = arith.minsi %mul3A_510, %min3A_511 : i32
        %sub3A_513 = arith.subi %mul3A_510, %min3A_512 : i32
        %jit3A_514 = arith.constant 2 : i32
        %eq3A_515 = arith.constant 0 : i32
        %eq3A_516 = arith.cmpi eq, %jit3A_514, %eq3A_515 : i32
        %jit3A_517 = arith.constant 1 : i32
        %select_n3A_518 = arith.select %eq3A_516, %jit3A_517, %jit3A_514 : i32
        %rem3A_519 = arith.remsi %select_n3A_505, %select_n3A_518 : i32
        %ne3A_520 = arith.constant 0 : i32
        %ne3A_521 = arith.cmpi ne, %rem3A_519, %ne3A_520 : i32
        %lt3A_522 = arith.constant 0 : i32
        %lt3A_523 = arith.cmpi slt, %rem3A_519, %lt3A_522 : i32
        %lt3A_524 = arith.constant 0 : i32
        %lt3A_525 = arith.cmpi slt, %select_n3A_518, %lt3A_524 : i32
        %ne3A_526 = arith.xori %lt3A_523, %lt3A_525 : i1
        %and3A_527 = arith.andi %ne3A_526, %ne3A_521 : i1
        %add3A_528 = arith.addi %rem3A_519, %select_n3A_518 : i32
        %select_n3A_529 = arith.select %and3A_527, %add3A_528, %rem3A_519 : i32
        %mul3A_530 = arith.constant 3072 : i32
        %mul3A_531 = arith.muli %select_n3A_529, %mul3A_530 : i32
        %add3A_532 = arith.addi %mul3A_531, %sub3A_513 : i32
        %mul3A_533 = arith.constant 24 : i32
        %mul3A_534 = arith.muli %select_n3A_505, %mul3A_533 : i32
        %sub3A_535 = arith.subi %add3A_270, %mul3A_534 : i32
        %mul3A_536 = arith.constant 128 : i32
        %mul3A_537 = arith.muli %sub3A_535, %mul3A_536 : i32
        %add3A_538 = arith.addi %add3A_532, %mul3A_537 : i32
        %add3A_539 = arith.addi %select_n3A_29, %add3A_270 : i32
        %mul3A_540 = arith.constant 128 : i32
        %mul3A_541 = arith.muli %add3A_539, %mul3A_540 : i32
        %add3A_542 = arith.constant 0 : i32
        %add3A_543 = arith.addi %mul3A_541, %add3A_542 : i32
        %dma_wait3A_544 = arith.constant 128 : i32
        %dma_wait3A_545 = arith.constant 0 : i32
        %dma_wait3A_546 = tpu.memref_slice %arg11[%dma_wait3A_544, %dma_wait3A_545] : memref<256x128xf32, #tpu.memory_space<vmem>> -> memref<128x128xf32, #tpu.memory_space<vmem>>
        %dma_wait3A_547 = arith.constant 0 : i32
        %dma_wait3A_548 = tpu.memref_slice %arg2[%add3A_543, %dma_wait3A_547] : memref<480000x128xf32, #tpu.memory_space<hbm>> -> memref<128x128xf32, #tpu.memory_space<hbm>>
        %dma_wait3A_549 = arith.constant 128 : i32
        %dma_wait3A_550 = arith.constant 0 : i32
        %dma_wait3A_551 = tpu.memref_slice %arg11[%dma_wait3A_549, %dma_wait3A_550] : memref<256x128xf32, #tpu.memory_space<vmem>> -> memref<128x128xf32, #tpu.memory_space<vmem>>
        %dma_wait3A_552 = arith.constant 0 : i32
        %dma_wait3A_553 = tpu.memref_slice %arg2[%add3A_543, %dma_wait3A_552] : memref<480000x128xf32, #tpu.memory_space<hbm>> -> memref<128x128xf32, #tpu.memory_space<hbm>>
        tpu.wait_dma2 semaphore(%arg21 : memref<!tpu.dma_semaphore, #tpu.memory_space<semaphore_mem>>) src(%dma_wait3A_553 : memref<128x128xf32, #tpu.memory_space<hbm>>) dst(%dma_wait3A_551 : memref<128x128xf32, #tpu.memory_space<vmem>>)
        %dma_wait3A_554 = arith.constant 128 : i32
        %dma_wait3A_555 = arith.constant 0 : i32
        %dma_wait3A_556 = tpu.memref_slice %arg12[%dma_wait3A_554, %dma_wait3A_555] : memref<256x128xf32, #tpu.memory_space<vmem>> -> memref<128x128xf32, #tpu.memory_space<vmem>>
        %dma_wait3A_557 = tpu.memref_slice %arg13[%add3A_538] : memref<6144xi32, #tpu.memory_space<vmem>> -> memref<128xi32, #tpu.memory_space<vmem>>
        %dma_wait3A_558 = arith.constant 0 : i32
        %dma_wait3A_559 = arith.constant 0 : i32
        %dma_wait3A_560 = tpu.memref_slice %arg6[%dma_wait3A_558, %dma_wait3A_559] : memref<10000x128xf32, #tpu.memory_space<hbm>> -> memref<10000x128xf32, #tpu.memory_space<hbm>>
        tpu.wait_indirect_dma semaphore(%arg21 : memref<!tpu.dma_semaphore, #tpu.memory_space<semaphore_mem>>) src(%dma_wait3A_560 : memref<10000x128xf32, #tpu.memory_space<hbm>>) dst(%dma_wait3A_556 : memref<128x128xf32, #tpu.memory_space<vmem>>)
        %jit3A_561 = arith.constant 24 : i32
        %div3A_562 = arith.divsi %add3A_270, %jit3A_561 : i32
        %sign3A_563 = arith.constant 0 : i32
        %sign3A_564 = arith.cmpi sgt, %add3A_270, %sign3A_563 : i32
        %sign3A_565 = arith.extui %sign3A_564 : i1 to i32
        %sign3A_566 = arith.constant 0 : i32
        %sign3A_567 = arith.cmpi slt, %add3A_270, %sign3A_566 : i32
        %sign3A_568 = arith.extui %sign3A_567 : i1 to i32
        %sign3A_569 = arith.subi %sign3A_565, %sign3A_568 : i32
        %sign3A_570 = arith.constant 0 : i32
        %sign3A_571 = arith.cmpi sgt, %jit3A_561, %sign3A_570 : i32
        %sign3A_572 = arith.extui %sign3A_571 : i1 to i32
        %sign3A_573 = arith.constant 0 : i32
        %sign3A_574 = arith.cmpi slt, %jit3A_561, %sign3A_573 : i32
        %sign3A_575 = arith.extui %sign3A_574 : i1 to i32
        %sign3A_576 = arith.subi %sign3A_572, %sign3A_575 : i32
        %ne3A_577 = arith.cmpi ne, %sign3A_569, %sign3A_576 : i32
        %rem3A_578 = arith.remsi %add3A_270, %jit3A_561 : i32
        %ne3A_579 = arith.constant 0 : i32
        %ne3A_580 = arith.cmpi ne, %rem3A_578, %ne3A_579 : i32
        %and3A_581 = arith.andi %ne3A_577, %ne3A_580 : i1
        %sub3A_582 = arith.constant 1 : i32
        %sub3A_583 = arith.subi %div3A_562, %sub3A_582 : i32
        %select_n3A_584 = arith.select %and3A_581, %sub3A_583, %div3A_562 : i32
        %mul3A_585 = arith.constant 24 : i32
        %mul3A_586 = arith.muli %select_n3A_584, %mul3A_585 : i32
        %add3A_587 = arith.addi %select_n3A_29, %mul3A_586 : i32
        %mul3A_588 = arith.constant 128 : i32
        %mul3A_589 = arith.muli %add3A_587, %mul3A_588 : i32
        %min3A_590 = arith.constant 476928 : i32
        %min3A_591 = arith.minsi %mul3A_589, %min3A_590 : i32
        %sub3A_592 = arith.subi %mul3A_589, %min3A_591 : i32
        %jit3A_593 = arith.constant 2 : i32
        %eq3A_594 = arith.constant 0 : i32
        %eq3A_595 = arith.cmpi eq, %jit3A_593, %eq3A_594 : i32
        %jit3A_596 = arith.constant 1 : i32
        %select_n3A_597 = arith.select %eq3A_595, %jit3A_596, %jit3A_593 : i32
        %rem3A_598 = arith.remsi %select_n3A_584, %select_n3A_597 : i32
        %ne3A_599 = arith.constant 0 : i32
        %ne3A_600 = arith.cmpi ne, %rem3A_598, %ne3A_599 : i32
        %lt3A_601 = arith.constant 0 : i32
        %lt3A_602 = arith.cmpi slt, %rem3A_598, %lt3A_601 : i32
        %lt3A_603 = arith.constant 0 : i32
        %lt3A_604 = arith.cmpi slt, %select_n3A_597, %lt3A_603 : i32
        %ne3A_605 = arith.xori %lt3A_602, %lt3A_604 : i1
        %and3A_606 = arith.andi %ne3A_605, %ne3A_600 : i1
        %add3A_607 = arith.addi %rem3A_598, %select_n3A_597 : i32
        %select_n3A_608 = arith.select %and3A_606, %add3A_607, %rem3A_598 : i32
        %mul3A_609 = arith.constant 3072 : i32
        %mul3A_610 = arith.muli %select_n3A_608, %mul3A_609 : i32
        %add3A_611 = arith.addi %mul3A_610, %sub3A_592 : i32
        %mul3A_612 = arith.constant 24 : i32
        %mul3A_613 = arith.muli %select_n3A_584, %mul3A_612 : i32
        %sub3A_614 = arith.subi %add3A_270, %mul3A_613 : i32
        %mul3A_615 = arith.constant 128 : i32
        %mul3A_616 = arith.muli %sub3A_614, %mul3A_615 : i32
        %add3A_617 = arith.addi %add3A_611, %mul3A_616 : i32
        %scan3A_618 = arith.constant 0 : i32
        %scan3A_619 = arith.constant 0 : i32
        %scan3A_620 = arith.constant 8 : i32
        %scan3A_621 = arith.addi %scan3A_619, %scan3A_620 : i32
        %scan3A_622 = arith.constant 1 : i32
        %scan3A_623 = scf.for %scan3A_678 = %scan3A_619 to %scan3A_621 step %scan3A_622 iter_args(%scan3A_679 = %scan3A_618) -> (i32)  : i32 {
          %mul3A_680 = arith.constant 16 : i32
          %mul3A_681 = arith.muli %scan3A_678, %mul3A_680 : i32
          %add3A_682 = arith.constant 128 : i32
          %add3A_683 = arith.addi %add3A_682, %mul3A_681 : i32
          %add3A_684 = vector.broadcast %add3A_683 : i32 to vector<16xi32>
          %add3A_685 = arith.addi %add3A_684, %iota3A : vector<16xi32>
          %scan3A_686 = arith.constant 0 : i32
          %scan3A_687 = arith.constant 8 : i32
          %scan3A_688 = arith.addi %scan3A_686, %scan3A_687 : i32
          %scan3A_689 = arith.constant 1 : i32
          %scan3A_690:4 = scf.for %scan3A_706 = %scan3A_686 to %scan3A_688 step %scan3A_689 iter_args(%scan3A_707 = %broadcast_in_dim3A_149, %scan3A_708 = %broadcast_in_dim3A_149, %scan3A_709 = %broadcast_in_dim3A_149, %scan3A_710 = %broadcast_in_dim3A_149) -> (vector<16xf32>, vector<16xf32>, vector<16xf32>, vector<16xf32>)  : i32 {
            %mul3A_711 = arith.constant 16 : i32
            %mul3A_712 = arith.muli %scan3A_706, %mul3A_711 : i32
            %broadcast_in_dim3A_713 = vector.broadcast %mul3A_712 : i32 to vector<16xi32>
            %add3A_714 = arith.addi %and3A_58, %broadcast_in_dim3A_713 : vector<16xi32>
            %gather3A = tpu.vector_load_idx %arg11[%add3A_685, %add3A_714] : memref<256x128xf32, #tpu.memory_space<vmem>>[vector<16xi32>, vector<16xi32>], vector<16xf32>,
            %gather3A_715 = tpu.vector_load_idx %arg12[%add3A_685, %add3A_714] : memref<256x128xf32, #tpu.memory_space<vmem>>[vector<16xi32>, vector<16xi32>], vector<16xf32>,
            %mul3A_716 = arith.mulf %gather3A, %gather3A_715 : vector<16xf32>
            %add3A_717 = arith.addf %scan3A_707, %mul3A_716 : vector<16xf32>
            %add3A_718 = arith.addi %and3A_64, %broadcast_in_dim3A_713 : vector<16xi32>
            %gather3A_719 = tpu.vector_load_idx %arg11[%add3A_685, %add3A_718] : memref<256x128xf32, #tpu.memory_space<vmem>>[vector<16xi32>, vector<16xi32>], vector<16xf32>,
            %gather3A_720 = tpu.vector_load_idx %arg12[%add3A_685, %add3A_718] : memref<256x128xf32, #tpu.memory_space<vmem>>[vector<16xi32>, vector<16xi32>], vector<16xf32>,
            %mul3A_721 = arith.mulf %gather3A_719, %gather3A_720 : vector<16xf32>
            %add3A_722 = arith.addf %scan3A_708, %mul3A_721 : vector<16xf32>
            %add3A_723 = arith.addi %and3A_70, %broadcast_in_dim3A_713 : vector<16xi32>
            %gather3A_724 = tpu.vector_load_idx %arg11[%add3A_685, %add3A_723] : memref<256x128xf32, #tpu.memory_space<vmem>>[vector<16xi32>, vector<16xi32>], vector<16xf32>,
            %gather3A_725 = tpu.vector_load_idx %arg12[%add3A_685, %add3A_723] : memref<256x128xf32, #tpu.memory_space<vmem>>[vector<16xi32>, vector<16xi32>], vector<16xf32>,
            %mul3A_726 = arith.mulf %gather3A_724, %gather3A_725 : vector<16xf32>
            %add3A_727 = arith.addf %scan3A_709, %mul3A_726 : vector<16xf32>
            %add3A_728 = arith.addi %and3A_76, %broadcast_in_dim3A_713 : vector<16xi32>
            %gather3A_729 = tpu.vector_load_idx %arg11[%add3A_685, %add3A_728] : memref<256x128xf32, #tpu.memory_space<vmem>>[vector<16xi32>, vector<16xi32>], vector<16xf32>,
            %gather3A_730 = tpu.vector_load_idx %arg12[%add3A_685, %add3A_728] : memref<256x128xf32, #tpu.memory_space<vmem>>[vector<16xi32>, vector<16xi32>], vector<16xf32>,
            %mul3A_731 = arith.mulf %gather3A_729, %gather3A_730 : vector<16xf32>
            %add3A_732 = arith.addf %scan3A_710, %mul3A_731 : vector<16xf32>
            %add3A_733 = arith.addi %and3A_82, %broadcast_in_dim3A_713 : vector<16xi32>
            %gather3A_734 = tpu.vector_load_idx %arg11[%add3A_685, %add3A_733] : memref<256x128xf32, #tpu.memory_space<vmem>>[vector<16xi32>, vector<16xi32>], vector<16xf32>,
            %gather3A_735 = tpu.vector_load_idx %arg12[%add3A_685, %add3A_733] : memref<256x128xf32, #tpu.memory_space<vmem>>[vector<16xi32>, vector<16xi32>], vector<16xf32>,
            %mul3A_736 = arith.mulf %gather3A_734, %gather3A_735 : vector<16xf32>
            %add3A_737 = arith.addf %add3A_717, %mul3A_736 : vector<16xf32>
            %add3A_738 = arith.addi %and3A_88, %broadcast_in_dim3A_713 : vector<16xi32>
            %gather3A_739 = tpu.vector_load_idx %arg11[%add3A_685, %add3A_738] : memref<256x128xf32, #tpu.memory_space<vmem>>[vector<16xi32>, vector<16xi32>], vector<16xf32>,
            %gather3A_740 = tpu.vector_load_idx %arg12[%add3A_685, %add3A_738] : memref<256x128xf32, #tpu.memory_space<vmem>>[vector<16xi32>, vector<16xi32>], vector<16xf32>,
            %mul3A_741 = arith.mulf %gather3A_739, %gather3A_740 : vector<16xf32>
            %add3A_742 = arith.addf %add3A_722, %mul3A_741 : vector<16xf32>
            %add3A_743 = arith.addi %and3A_94, %broadcast_in_dim3A_713 : vector<16xi32>
            %gather3A_744 = tpu.vector_load_idx %arg11[%add3A_685, %add3A_743] : memref<256x128xf32, #tpu.memory_space<vmem>>[vector<16xi32>, vector<16xi32>], vector<16xf32>,
            %gather3A_745 = tpu.vector_load_idx %arg12[%add3A_685, %add3A_743] : memref<256x128xf32, #tpu.memory_space<vmem>>[vector<16xi32>, vector<16xi32>], vector<16xf32>,
            %mul3A_746 = arith.mulf %gather3A_744, %gather3A_745 : vector<16xf32>
            %add3A_747 = arith.addf %add3A_727, %mul3A_746 : vector<16xf32>
            %add3A_748 = arith.addi %and3A_100, %broadcast_in_dim3A_713 : vector<16xi32>
            %gather3A_749 = tpu.vector_load_idx %arg11[%add3A_685, %add3A_748] : memref<256x128xf32, #tpu.memory_space<vmem>>[vector<16xi32>, vector<16xi32>], vector<16xf32>,
            %gather3A_750 = tpu.vector_load_idx %arg12[%add3A_685, %add3A_748] : memref<256x128xf32, #tpu.memory_space<vmem>>[vector<16xi32>, vector<16xi32>], vector<16xf32>,
            %mul3A_751 = arith.mulf %gather3A_749, %gather3A_750 : vector<16xf32>
            %add3A_752 = arith.addf %add3A_732, %mul3A_751 : vector<16xf32>
            %add3A_753 = arith.addi %and3A_106, %broadcast_in_dim3A_713 : vector<16xi32>
            %gather3A_754 = tpu.vector_load_idx %arg11[%add3A_685, %add3A_753] : memref<256x128xf32, #tpu.memory_space<vmem>>[vector<16xi32>, vector<16xi32>], vector<16xf32>,
            %gather3A_755 = tpu.vector_load_idx %arg12[%add3A_685, %add3A_753] : memref<256x128xf32, #tpu.memory_space<vmem>>[vector<16xi32>, vector<16xi32>], vector<16xf32>,
            %mul3A_756 = arith.mulf %gather3A_754, %gather3A_755 : vector<16xf32>
            %add3A_757 = arith.addf %add3A_737, %mul3A_756 : vector<16xf32>
            %add3A_758 = arith.addi %and3A_112, %broadcast_in_dim3A_713 : vector<16xi32>
            %gather3A_759 = tpu.vector_load_idx %arg11[%add3A_685, %add3A_758] : memref<256x128xf32, #tpu.memory_space<vmem>>[vector<16xi32>, vector<16xi32>], vector<16xf32>,
            %gather3A_760 = tpu.vector_load_idx %arg12[%add3A_685, %add3A_758] : memref<256x128xf32, #tpu.memory_space<vmem>>[vector<16xi32>, vector<16xi32>], vector<16xf32>,
            %mul3A_761 = arith.mulf %gather3A_759, %gather3A_760 : vector<16xf32>
            %add3A_762 = arith.addf %add3A_742, %mul3A_761 : vector<16xf32>
            %add3A_763 = arith.addi %and3A_118, %broadcast_in_dim3A_713 : vector<16xi32>
            %gather3A_764 = tpu.vector_load_idx %arg11[%add3A_685, %add3A_763] : memref<256x128xf32, #tpu.memory_space<vmem>>[vector<16xi32>, vector<16xi32>], vector<16xf32>,
            %gather3A_765 = tpu.vector_load_idx %arg12[%add3A_685, %add3A_763] : memref<256x128xf32, #tpu.memory_space<vmem>>[vector<16xi32>, vector<16xi32>], vector<16xf32>,
            %mul3A_766 = arith.mulf %gather3A_764, %gather3A_765 : vector<16xf32>
            %add3A_767 = arith.addf %add3A_747, %mul3A_766 : vector<16xf32>
            %add3A_768 = arith.addi %and3A_124, %broadcast_in_dim3A_713 : vector<16xi32>
            %gather3A_769 = tpu.vector_load_idx %arg11[%add3A_685, %add3A_768] : memref<256x128xf32, #tpu.memory_space<vmem>>[vector<16xi32>, vector<16xi32>], vector<16xf32>,
            %gather3A_770 = tpu.vector_load_idx %arg12[%add3A_685, %add3A_768] : memref<256x128xf32, #tpu.memory_space<vmem>>[vector<16xi32>, vector<16xi32>], vector<16xf32>,
            %mul3A_771 = arith.mulf %gather3A_769, %gather3A_770 : vector<16xf32>
            %add3A_772 = arith.addf %add3A_752, %mul3A_771 : vector<16xf32>
            %add3A_773 = arith.addi %and3A_130, %broadcast_in_dim3A_713 : vector<16xi32>
            %gather3A_774 = tpu.vector_load_idx %arg11[%add3A_685, %add3A_773] : memref<256x128xf32, #tpu.memory_space<vmem>>[vector<16xi32>, vector<16xi32>], vector<16xf32>,
            %gather3A_775 = tpu.vector_load_idx %arg12[%add3A_685, %add3A_773] : memref<256x128xf32, #tpu.memory_space<vmem>>[vector<16xi32>, vector<16xi32>], vector<16xf32>,
            %mul3A_776 = arith.mulf %gather3A_774, %gather3A_775 : vector<16xf32>
            %add3A_777 = arith.addf %add3A_757, %mul3A_776 : vector<16xf32>
            %add3A_778 = arith.addi %and3A_136, %broadcast_in_dim3A_713 : vector<16xi32>
            %gather3A_779 = tpu.vector_load_idx %arg11[%add3A_685, %add3A_778] : memref<256x128xf32, #tpu.memory_space<vmem>>[vector<16xi32>, vector<16xi32>], vector<16xf32>,
            %gather3A_780 = tpu.vector_load_idx %arg12[%add3A_685, %add3A_778] : memref<256x128xf32, #tpu.memory_space<vmem>>[vector<16xi32>, vector<16xi32>], vector<16xf32>,
            %mul3A_781 = arith.mulf %gather3A_779, %gather3A_780 : vector<16xf32>
            %add3A_782 = arith.addf %add3A_762, %mul3A_781 : vector<16xf32>
            %add3A_783 = arith.addi %and3A_142, %broadcast_in_dim3A_713 : vector<16xi32>
            %gather3A_784 = tpu.vector_load_idx %arg11[%add3A_685, %add3A_783] : memref<256x128xf32, #tpu.memory_space<vmem>>[vector<16xi32>, vector<16xi32>], vector<16xf32>,
            %gather3A_785 = tpu.vector_load_idx %arg12[%add3A_685, %add3A_783] : memref<256x128xf32, #tpu.memory_space<vmem>>[vector<16xi32>, vector<16xi32>], vector<16xf32>,
            %mul3A_786 = arith.mulf %gather3A_784, %gather3A_785 : vector<16xf32>
            %add3A_787 = arith.addf %add3A_767, %mul3A_786 : vector<16xf32>
            %add3A_788 = arith.addi %and3A_148, %broadcast_in_dim3A_713 : vector<16xi32>
            %gather3A_789 = tpu.vector_load_idx %arg11[%add3A_685, %add3A_788] : memref<256x128xf32, #tpu.memory_space<vmem>>[vector<16xi32>, vector<16xi32>], vector<16xf32>,
            %gather3A_790 = tpu.vector_load_idx %arg12[%add3A_685, %add3A_788] : memref<256x128xf32, #tpu.memory_space<vmem>>[vector<16xi32>, vector<16xi32>], vector<16xf32>,
            %mul3A_791 = arith.mulf %gather3A_789, %gather3A_790 : vector<16xf32>
            %add3A_792 = arith.addf %add3A_772, %mul3A_791 : vector<16xf32>
            scf.yield %add3A_777, %add3A_782, %add3A_787, %add3A_792 : vector<16xf32>, vector<16xf32>, vector<16xf32>, vector<16xf32>
          }
          %scan3A_691 = arith.constant 8 : i32
          %add3A_692 = arith.addf %scan3A_690#0, %scan3A_690#1 : vector<16xf32>
          %add3A_693 = arith.addf %scan3A_690#2, %scan3A_690#3 : vector<16xf32>
          %add3A_694 = arith.addf %add3A_692, %add3A_693 : vector<16xf32>
          %mul3A_695 = arith.constant 16 : i32
          %mul3A_696 = arith.muli %scan3A_678, %mul3A_695 : i32
          %add3A_697 = arith.addi %add3A_617, %mul3A_696 : i32
          %get3A = arith.index_cast %add3A_697 : i32 to index
          %get3A_698 = tpu.vector_load %arg14[%get3A] {strides = array<i32>} : memref<6144xi32, #tpu.memory_space<vmem>>, vector<16xi32>,
          %mul3A_699 = arith.constant 3 : i32
          %mul3A_700 = vector.broadcast %mul3A_699 : i32 to vector<16xi32>
          %mul3A_701 = arith.muli %get3A_698, %mul3A_700 : vector<16xi32>
          %get3A_702 = arith.index_cast %add3A_697 : i32 to index
          %get3A_703 = tpu.vector_load %arg15[%get3A_702] {strides = array<i32>} : memref<6144xi32, #tpu.memory_space<vmem>>, vector<16xi32>,
          %add3A_704 = arith.addi %mul3A_701, %get3A_703 : vector<16xi32>
          tpu.vector_store_idx %arg16[%add3A_704], %add3A_694 {add = true} : memref<30720xf32, #tpu.memory_space<vmem>>[vector<16xi32>], vector<16xf32>,
          %scan3A_705 = arith.constant 0 : i32
          scf.yield %scan3A_705 : i32
        }
        %scan3A_624 = arith.constant 8 : i32
        %add3A_625 = arith.constant 1 : i32
        %add3A_626 = arith.addi %add3A_270, %add3A_625 : i32
        %jit3A_627 = arith.constant 24 : i32
        %eq3A_628 = arith.constant 0 : i32
        %eq3A_629 = arith.cmpi eq, %jit3A_627, %eq3A_628 : i32
        %jit3A_630 = arith.constant 1 : i32
        %select_n3A_631 = arith.select %eq3A_629, %jit3A_630, %jit3A_627 : i32
        %rem3A_632 = arith.remsi %add3A_626, %select_n3A_631 : i32
        %ne3A_633 = arith.constant 0 : i32
        %ne3A_634 = arith.cmpi ne, %rem3A_632, %ne3A_633 : i32
        %lt3A_635 = arith.constant 0 : i32
        %lt3A_636 = arith.cmpi slt, %rem3A_632, %lt3A_635 : i32
        %lt3A_637 = arith.constant 0 : i32
        %lt3A_638 = arith.cmpi slt, %select_n3A_631, %lt3A_637 : i32
        %ne3A_639 = arith.xori %lt3A_636, %lt3A_638 : i1
        %and3A_640 = arith.andi %ne3A_639, %ne3A_634 : i1
        %add3A_641 = arith.addi %rem3A_632, %select_n3A_631 : i32
        %select_n3A_642 = arith.select %and3A_640, %add3A_641, %rem3A_632 : i32
        %eq3A_643 = arith.constant 0 : i32
        %eq3A_644 = arith.cmpi eq, %select_n3A_642, %eq3A_643 : i32
        %add3A_645 = arith.constant 1 : i32
        %add3A_646 = arith.addi %add3A_270, %add3A_645 : i32
        %jit3A_647 = arith.constant 24 : i32
        %div3A_648 = arith.divsi %add3A_646, %jit3A_647 : i32
        %sign3A_649 = arith.constant 0 : i32
        %sign3A_650 = arith.cmpi sgt, %add3A_646, %sign3A_649 : i32
        %sign3A_651 = arith.extui %sign3A_650 : i1 to i32
        %sign3A_652 = arith.constant 0 : i32
        %sign3A_653 = arith.cmpi slt, %add3A_646, %sign3A_652 : i32
        %sign3A_654 = arith.extui %sign3A_653 : i1 to i32
        %sign3A_655 = arith.subi %sign3A_651, %sign3A_654 : i32
        %sign3A_656 = arith.constant 0 : i32
        %sign3A_657 = arith.cmpi sgt, %jit3A_647, %sign3A_656 : i32
        %sign3A_658 = arith.extui %sign3A_657 : i1 to i32
        %sign3A_659 = arith.constant 0 : i32
        %sign3A_660 = arith.cmpi slt, %jit3A_647, %sign3A_659 : i32
        %sign3A_661 = arith.extui %sign3A_660 : i1 to i32
        %sign3A_662 = arith.subi %sign3A_658, %sign3A_661 : i32
        %ne3A_663 = arith.cmpi ne, %sign3A_655, %sign3A_662 : i32
        %rem3A_664 = arith.remsi %add3A_646, %jit3A_647 : i32
        %ne3A_665 = arith.constant 0 : i32
        %ne3A_666 = arith.cmpi ne, %rem3A_664, %ne3A_665 : i32
        %and3A_667 = arith.andi %ne3A_663, %ne3A_666 : i1
        %sub3A_668 = arith.constant 1 : i32
        %sub3A_669 = arith.subi %div3A_648, %sub3A_668 : i32
        %select_n3A_670 = arith.select %and3A_667, %sub3A_669, %div3A_648 : i32
        %add3A_671 = arith.constant 1 : i32
        %add3A_672 = arith.addi %select_n3A_670, %add3A_671 : i32
        %lt3A_673 = arith.cmpi slt, %add3A_672, %select_n3A_52 : i32
        %and3A_674 = arith.andi %eq3A_644, %lt3A_673 : i1
        %convert_element_type3A_675 = arith.extui %and3A_674 : i1 to i32
        %cond3A_676 = arith.constant 0 : i32
        %cond3A_677 = arith.cmpi ne, %convert_element_type3A_675, %cond3A_676 : i32
        scf.if %cond3A_677 {
          %add3A_678 = arith.constant 1 : i32
          %add3A_679 = arith.addi %add3A_270, %add3A_678 : i32
          %jit3A_680 = arith.constant 24 : i32
          %div3A_681 = arith.divsi %add3A_679, %jit3A_680 : i32
          %sign3A_682 = arith.constant 0 : i32
          %sign3A_683 = arith.cmpi sgt, %add3A_679, %sign3A_682 : i32
          %sign3A_684 = arith.extui %sign3A_683 : i1 to i32
          %sign3A_685 = arith.constant 0 : i32
          %sign3A_686 = arith.cmpi slt, %add3A_679, %sign3A_685 : i32
          %sign3A_687 = arith.extui %sign3A_686 : i1 to i32
          %sign3A_688 = arith.subi %sign3A_684, %sign3A_687 : i32
          %sign3A_689 = arith.constant 0 : i32
          %sign3A_690 = arith.cmpi sgt, %jit3A_680, %sign3A_689 : i32
          %sign3A_691 = arith.extui %sign3A_690 : i1 to i32
          %sign3A_692 = arith.constant 0 : i32
          %sign3A_693 = arith.cmpi slt, %jit3A_680, %sign3A_692 : i32
          %sign3A_694 = arith.extui %sign3A_693 : i1 to i32
          %sign3A_695 = arith.subi %sign3A_691, %sign3A_694 : i32
          %ne3A_696 = arith.cmpi ne, %sign3A_688, %sign3A_695 : i32
          %rem3A_697 = arith.remsi %add3A_679, %jit3A_680 : i32
          %ne3A_698 = arith.constant 0 : i32
          %ne3A_699 = arith.cmpi ne, %rem3A_697, %ne3A_698 : i32
          %and3A_700 = arith.andi %ne3A_696, %ne3A_699 : i1
          %sub3A_701 = arith.constant 1 : i32
          %sub3A_702 = arith.subi %div3A_681, %sub3A_701 : i32
          %select_n3A_703 = arith.select %and3A_700, %sub3A_702, %div3A_681 : i32
          %add3A_704 = arith.constant 1 : i32
          %add3A_705 = arith.addi %select_n3A_703, %add3A_704 : i32
          %jit3A_706 = arith.constant 2 : i32
          %eq3A_707 = arith.constant 0 : i32
          %eq3A_708 = arith.cmpi eq, %jit3A_706, %eq3A_707 : i32
          %jit3A_709 = arith.constant 1 : i32
          %select_n3A_710 = arith.select %eq3A_708, %jit3A_709, %jit3A_706 : i32
          %rem3A_711 = arith.remsi %add3A_705, %select_n3A_710 : i32
          %ne3A_712 = arith.constant 0 : i32
          %ne3A_713 = arith.cmpi ne, %rem3A_711, %ne3A_712 : i32
          %lt3A_714 = arith.constant 0 : i32
          %lt3A_715 = arith.cmpi slt, %rem3A_711, %lt3A_714 : i32
          %lt3A_716 = arith.constant 0 : i32
          %lt3A_717 = arith.cmpi slt, %select_n3A_710, %lt3A_716 : i32
          %ne3A_718 = arith.xori %lt3A_715, %lt3A_717 : i1
          %and3A_719 = arith.andi %ne3A_718, %ne3A_713 : i1
          %add3A_720 = arith.addi %rem3A_711, %select_n3A_710 : i32
          %select_n3A_721 = arith.select %and3A_719, %add3A_720, %rem3A_711 : i32
          %mul3A_722 = arith.constant 24 : i32
          %mul3A_723 = arith.muli %add3A_705, %mul3A_722 : i32
          %add3A_724 = arith.addi %select_n3A_29, %mul3A_723 : i32
          %mul3A_725 = arith.constant 128 : i32
          %mul3A_726 = arith.muli %add3A_724, %mul3A_725 : i32
          %min3A_727 = arith.constant 476928 : i32
          %min3A_728 = arith.minsi %mul3A_726, %min3A_727 : i32
          %mul3A_729 = arith.constant 3072 : i32
          %mul3A_730 = arith.muli %select_n3A_721, %mul3A_729 : i32
          %dma_start3A_731 = tpu.memref_slice %arg13[%mul3A_730] : memref<6144xi32, #tpu.memory_space<vmem>> -> memref<3072xi32, #tpu.memory_space<vmem>>
          %dma_start3A_732 = tpu.memref_slice %arg3[%min3A_728] : memref<480000xi32, #tpu.memory_space<hbm>> -> memref<3072xi32, #tpu.memory_space<hbm>>
          %dma_start3A_733 = tpu.memref_slice %arg13[%mul3A_730] : memref<6144xi32, #tpu.memory_space<vmem>> -> memref<3072xi32, #tpu.memory_space<vmem>>
          %dma_start3A_734 = tpu.memref_slice %arg3[%min3A_728] : memref<480000xi32, #tpu.memory_space<hbm>> -> memref<3072xi32, #tpu.memory_space<hbm>>
          tpu.enqueue_dma source(%dma_start3A_734 : memref<3072xi32, #tpu.memory_space<hbm>>) target(%dma_start3A_733 : memref<3072xi32, #tpu.memory_space<vmem>>) target_semaphore(%arg22 : memref<!tpu.dma_semaphore, #tpu.memory_space<semaphore_mem>>)
          %dma_start3A_735 = tpu.memref_slice %arg14[%mul3A_730] : memref<6144xi32, #tpu.memory_space<vmem>> -> memref<3072xi32, #tpu.memory_space<vmem>>
          %dma_start3A_736 = tpu.memref_slice %arg4[%min3A_728] : memref<480000xi32, #tpu.memory_space<hbm>> -> memref<3072xi32, #tpu.memory_space<hbm>>
          %dma_start3A_737 = tpu.memref_slice %arg14[%mul3A_730] : memref<6144xi32, #tpu.memory_space<vmem>> -> memref<3072xi32, #tpu.memory_space<vmem>>
          %dma_start3A_738 = tpu.memref_slice %arg4[%min3A_728] : memref<480000xi32, #tpu.memory_space<hbm>> -> memref<3072xi32, #tpu.memory_space<hbm>>
          tpu.enqueue_dma source(%dma_start3A_738 : memref<3072xi32, #tpu.memory_space<hbm>>) target(%dma_start3A_737 : memref<3072xi32, #tpu.memory_space<vmem>>) target_semaphore(%arg22 : memref<!tpu.dma_semaphore, #tpu.memory_space<semaphore_mem>>)
          %dma_start3A_739 = tpu.memref_slice %arg15[%mul3A_730] : memref<6144xi32, #tpu.memory_space<vmem>> -> memref<3072xi32, #tpu.memory_space<vmem>>
          %dma_start3A_740 = tpu.memref_slice %arg5[%min3A_728] : memref<480000xi32, #tpu.memory_space<hbm>> -> memref<3072xi32, #tpu.memory_space<hbm>>
          %dma_start3A_741 = tpu.memref_slice %arg15[%mul3A_730] : memref<6144xi32, #tpu.memory_space<vmem>> -> memref<3072xi32, #tpu.memory_space<vmem>>
          %dma_start3A_742 = tpu.memref_slice %arg5[%min3A_728] : memref<480000xi32, #tpu.memory_space<hbm>> -> memref<3072xi32, #tpu.memory_space<hbm>>
          tpu.enqueue_dma source(%dma_start3A_742 : memref<3072xi32, #tpu.memory_space<hbm>>) target(%dma_start3A_741 : memref<3072xi32, #tpu.memory_space<vmem>>) target_semaphore(%arg22 : memref<!tpu.dma_semaphore, #tpu.memory_space<semaphore_mem>>)
        } else {
        }
      } else {
      }
      %while3A_481 = arith.constant 0 : i32
      scf.yield %while3A_481 : i32
    }
    "tpu.region"() ({
      %run_scoped3A = tpu.sem_alloc : memref<!tpu.dma_semaphore, #tpu.memory_space<semaphore_mem>>
      %dma_start3A_265 = arith.constant 0 : i32
      %dma_start3A_266 = tpu.memref_slice %arg9[%add3A, %dma_start3A_265] : memref<32x30720xf32, #tpu.memory_space<hbm>> -> memref<1x30720xf32, #tpu.memory_space<hbm>>
      %dma_start3A_267 = tpu.memref_squeeze %dma_start3A_266 : memref<1x30720xf32, #tpu.memory_space<hbm>> -> memref<30720xf32, #tpu.memory_space<hbm>>
      %dma_start3A_268 = arith.constant 0 : i32
      %dma_start3A_269 = tpu.memref_slice %arg9[%add3A, %dma_start3A_268] : memref<32x30720xf32, #tpu.memory_space<hbm>> -> memref<1x30720xf32, #tpu.memory_space<hbm>>
      %dma_start3A_270 = tpu.memref_squeeze %dma_start3A_269 : memref<1x30720xf32, #tpu.memory_space<hbm>> -> memref<30720xf32, #tpu.memory_space<hbm>>
      tpu.enqueue_dma source(%arg16 : memref<30720xf32, #tpu.memory_space<vmem>>) target(%dma_start3A_270 : memref<30720xf32, #tpu.memory_space<hbm>>) target_semaphore(%run_scoped3A : memref<!tpu.dma_semaphore, #tpu.memory_space<semaphore_mem>>)
      %dma_wait3A_271 = arith.constant 0 : i32
      %dma_wait3A_272 = tpu.memref_slice %arg9[%add3A, %dma_wait3A_271] : memref<32x30720xf32, #tpu.memory_space<hbm>> -> memref<1x30720xf32, #tpu.memory_space<hbm>>
      %dma_wait3A_273 = tpu.memref_squeeze %dma_wait3A_272 : memref<1x30720xf32, #tpu.memory_space<hbm>> -> memref<30720xf32, #tpu.memory_space<hbm>>
      %dma_wait3A_274 = arith.constant 0 : i32
      %dma_wait3A_275 = tpu.memref_slice %arg9[%add3A, %dma_wait3A_274] : memref<32x30720xf32, #tpu.memory_space<hbm>> -> memref<1x30720xf32, #tpu.memory_space<hbm>>
      %dma_wait3A_276 = tpu.memref_squeeze %dma_wait3A_275 : memref<1x30720xf32, #tpu.memory_space<hbm>> -> memref<30720xf32, #tpu.memory_space<hbm>>
      tpu.wait_dma2 semaphore(%run_scoped3A : memref<!tpu.dma_semaphore, #tpu.memory_space<semaphore_mem>>) src(%arg16 : memref<30720xf32, #tpu.memory_space<vmem>>) dst(%dma_wait3A_276 : memref<30720xf32, #tpu.memory_space<hbm>>)
      tpu.yield
    }) : () -> ()
    return
  }
}

module attributes {stable_mosaic.version = 14 : i64} {
  func.func @_dense_body(%arg0: i32, %arg1: memref<1000x128xf32, #tpu.memory_space<vmem>>, %arg2: memref<128x64xf32, #tpu.memory_space<vmem>>, %arg3: memref<1x64xf32, #tpu.memory_space<vmem>>, %arg4: memref<64x64xf32, #tpu.memory_space<vmem>>, %arg5: memref<1x64xf32, #tpu.memory_space<vmem>>, %arg6: memref<1x64xf32, #tpu.memory_space<vmem>>, %arg7: memref<1x1xf32, #tpu.memory_space<vmem>>, %arg8: memref<1000x1xf32, #tpu.memory_space<vmem>>, %arg9: memref<1000x128xf32, #tpu.memory_space<vmem>>) attributes {dimension_semantics = [#tpu.dimension_semantics<arbitrary>], iteration_bounds = array<i64: 10>, scalar_prefetch = 0 : i64, scratch_operands = 0 : i64, tpu.core_type = #tpu.core_type<tc>, window_params = [{transform_indices = @transform_0, window_bounds = array<i64: 1000, 128>}, {pipeline_mode = #tpu.pipeline_mode<synchronous>, transform_indices = @transform_1, window_bounds = array<i64: 128, 64>}, {pipeline_mode = #tpu.pipeline_mode<synchronous>, transform_indices = @transform_2, window_bounds = array<i64: 1, 64>}, {pipeline_mode = #tpu.pipeline_mode<synchronous>, transform_indices = @transform_3, window_bounds = array<i64: 64, 64>}, {pipeline_mode = #tpu.pipeline_mode<synchronous>, transform_indices = @transform_4, window_bounds = array<i64: 1, 64>}, {pipeline_mode = #tpu.pipeline_mode<synchronous>, transform_indices = @transform_5, window_bounds = array<i64: 1, 64>}, {pipeline_mode = #tpu.pipeline_mode<synchronous>, transform_indices = @transform_6, window_bounds = array<i64: 1, 1>}, {transform_indices = @transform_7, window_bounds = array<i64: 1000, 1>}, {transform_indices = @transform_8, window_bounds = array<i64: 1000, 128>}]} {
    %get3A = arith.constant 0 : index
    %get3A_0 = arith.constant 0 : index
    %get3A_1 = vector.load %arg1[%get3A, %get3A_0] : memref<1000x128xf32, #tpu.memory_space<vmem>>, vector<1000x128xf32>
    %get3A_2 = arith.constant 0 : index
    %get3A_3 = arith.constant 0 : index
    %get3A_4 = vector.load %arg2[%get3A_2, %get3A_3] : memref<128x64xf32, #tpu.memory_space<vmem>>, vector<128x64xf32>
    %get3A_5 = arith.constant 0 : index
    %get3A_6 = arith.constant 0 : index
    %get3A_7 = vector.load %arg4[%get3A_5, %get3A_6] : memref<64x64xf32, #tpu.memory_space<vmem>>, vector<64x64xf32>
    %get3A_8 = arith.constant 0 : index
    %get3A_9 = arith.constant 0 : index
    %get3A_10 = vector.load %arg6[%get3A_8, %get3A_9] : memref<1x64xf32, #tpu.memory_space<vmem>>, vector<1x64xf32>
    %dot_general3A = arith.constant dense<0.000000e+00> : vector<1000x64xf32>
    %dot_general3A_11 = tpu.matmul %get3A_1, %get3A_4, %dot_general3A {dimension_numbers = #tpu.dot_dimension_numbers<[1], [0], [0], [1], [0, 0, 1, 1], [], []>, transpose_lhs_hint = false} : vector<1000x128xf32>, vector<128x64xf32>, vector<1000x64xf32> -> vector<1000x64xf32>
    %get3A_12 = arith.constant 0 : index
    %get3A_13 = arith.constant 0 : index
    %get3A_14 = vector.load %arg3[%get3A_12, %get3A_13] : memref<1x64xf32, #tpu.memory_space<vmem>>, vector<1x64xf32>
    %add3A = vector.broadcast %get3A_14 : vector<1x64xf32> to vector<1000x64xf32>
    %add3A_15 = arith.addf %dot_general3A_11, %add3A : vector<1000x64xf32>
    %max3A = arith.constant 0.000000e+00 : f32
    %max3A_16 = vector.broadcast %max3A : f32 to vector<1000x64xf32>
    %max3A_17 = arith.maximumf %add3A_15, %max3A_16 : vector<1000x64xf32>
    %dot_general3A_18 = arith.constant dense<0.000000e+00> : vector<1000x64xf32>
    %dot_general3A_19 = tpu.matmul %max3A_17, %get3A_7, %dot_general3A_18 {dimension_numbers = #tpu.dot_dimension_numbers<[1], [0], [0], [1], [0, 0, 1, 1], [], []>, transpose_lhs_hint = false} : vector<1000x64xf32>, vector<64x64xf32>, vector<1000x64xf32> -> vector<1000x64xf32>
    %get3A_20 = arith.constant 0 : index
    %get3A_21 = arith.constant 0 : index
    %get3A_22 = vector.load %arg5[%get3A_20, %get3A_21] : memref<1x64xf32, #tpu.memory_space<vmem>>, vector<1x64xf32>
    %add3A_23 = vector.broadcast %get3A_22 : vector<1x64xf32> to vector<1000x64xf32>
    %add3A_24 = arith.addf %dot_general3A_19, %add3A_23 : vector<1000x64xf32>
    %max3A_25 = arith.constant 0.000000e+00 : f32
    %max3A_26 = vector.broadcast %max3A_25 : f32 to vector<1000x64xf32>
    %max3A_27 = arith.maximumf %add3A_24, %max3A_26 : vector<1000x64xf32>
    %convert_element_type3A = arith.truncf %max3A_27 : vector<1000x64xf32> to vector<1000x64xbf16>
    %convert_element_type3A_28 = arith.extf %convert_element_type3A : vector<1000x64xbf16> to vector<1000x64xf32>
    %broadcast_in_dim3A = vector.shape_cast %get3A_10 : vector<1x64xf32> to vector<1x64xf32>
    %broadcast_in_dim3A_29 = vector.broadcast %broadcast_in_dim3A : vector<1x64xf32> to vector<1000x64xf32>
    %convert_element_type3A_30 = arith.truncf %broadcast_in_dim3A_29 : vector<1000x64xf32> to vector<1000x64xbf16>
    %convert_element_type3A_31 = arith.extf %convert_element_type3A_30 : vector<1000x64xbf16> to vector<1000x64xf32>
    %mul3A = arith.mulf %convert_element_type3A_28, %convert_element_type3A_31 : vector<1000x64xf32>
    %reduce_sum3A = arith.constant dense<0.000000e+00> : vector<1000xf32>
    %reduce_sum3A_32 = vector.multi_reduction <add>, %mul3A, %reduce_sum3A [1] : vector<1000x64xf32> to vector<1000xf32>
    %broadcast_in_dim3A_33 = vector.shape_cast %reduce_sum3A_32 : vector<1000xf32> to vector<1000x1xf32>
    %get3A_34 = arith.constant 0 : index
    %get3A_35 = arith.constant 0 : index
    %get3A_36 = vector.load %arg7[%get3A_34, %get3A_35] : memref<1x1xf32, #tpu.memory_space<vmem>>, vector<1x1xf32>
    %get3A_37 = vector.extract %get3A_36[0, 0] : f32 from vector<1x1xf32>
    %add3A_38 = vector.broadcast %get3A_37 : f32 to vector<1000x1xf32>
    %add3A_39 = arith.addf %broadcast_in_dim3A_33, %add3A_38 : vector<1000x1xf32>
    %swap3A = arith.constant 0 : index
    %swap3A_40 = arith.constant 0 : index
    %swap3A_41 = vector.load %arg8[%swap3A, %swap3A_40] : memref<1000x1xf32, #tpu.memory_space<vmem>>, vector<1000x1xf32>
    tpu.vector_store %arg8[%swap3A, %swap3A_40], %add3A_39 {strides = array<i32>} : memref<1000x1xf32, #tpu.memory_space<vmem>>, vector<1000x1xf32>,
    %gt3A = arith.constant 0.000000e+00 : f32
    %gt3A_42 = vector.broadcast %gt3A : f32 to vector<1000x64xf32>
    %gt3A_43 = arith.cmpf ogt, %add3A_24, %gt3A_42 : vector<1000x64xf32>
    %broadcast_in_dim3A_44 = vector.shape_cast %get3A_10 : vector<1x64xf32> to vector<1x64xf32>
    %broadcast_in_dim3A_45 = vector.broadcast %broadcast_in_dim3A_44 : vector<1x64xf32> to vector<1000x64xf32>
    %jit3A = arith.constant 0.000000e+00 : f32
    %broadcast_in_dim3A_46 = vector.broadcast %jit3A : f32 to vector<1000x64xf32>
    %select_n3A = arith.select %gt3A_43, %broadcast_in_dim3A_45, %broadcast_in_dim3A_46 : vector<1000x64xi1>, vector<1000x64xf32>
    %dot_general3A_47 = arith.constant dense<0.000000e+00> : vector<1000x64xf32>
    %dot_general3A_48 = tpu.matmul %select_n3A, %get3A_7, %dot_general3A_47 {dimension_numbers = #tpu.dot_dimension_numbers<[1], [1], [0], [0], [0, 0, 1, 0], [], []>, transpose_lhs_hint = false} : vector<1000x64xf32>, vector<64x64xf32>, vector<1000x64xf32> -> vector<1000x64xf32>
    %gt3A_49 = arith.constant 0.000000e+00 : f32
    %gt3A_50 = vector.broadcast %gt3A_49 : f32 to vector<1000x64xf32>
    %gt3A_51 = arith.cmpf ogt, %add3A_15, %gt3A_50 : vector<1000x64xf32>
    %jit3A_52 = arith.constant 0.000000e+00 : f32
    %broadcast_in_dim3A_53 = vector.broadcast %jit3A_52 : f32 to vector<1000x64xf32>
    %select_n3A_54 = arith.select %gt3A_51, %dot_general3A_48, %broadcast_in_dim3A_53 : vector<1000x64xi1>, vector<1000x64xf32>
    %dot_general3A_55 = arith.constant dense<0.000000e+00> : vector<1000x128xf32>
    %dot_general3A_56 = tpu.matmul %select_n3A_54, %get3A_4, %dot_general3A_55 {dimension_numbers = #tpu.dot_dimension_numbers<[1], [1], [0], [0], [0, 0, 1, 0], [], []>, transpose_lhs_hint = false} : vector<1000x64xf32>, vector<128x64xf32>, vector<1000x128xf32> -> vector<1000x128xf32>
    %swap3A_57 = arith.constant 0 : index
    %swap3A_58 = arith.constant 0 : index
    %swap3A_59 = vector.load %arg9[%swap3A_57, %swap3A_58] : memref<1000x128xf32, #tpu.memory_space<vmem>>, vector<1000x128xf32>
    tpu.vector_store %arg9[%swap3A_57, %swap3A_58], %dot_general3A_56 {strides = array<i32>} : memref<1000x128xf32, #tpu.memory_space<vmem>>, vector<1000x128xf32>,
    return
  }
  func.func @transform_0(%arg0: i32) -> (i32, i32) {
    %c0_i32 = arith.constant 0 : i32
    %c0_i32_0 = arith.constant 0 : i32
    return %arg0, %c0_i32 : i32, i32
  }
  func.func @transform_1(%arg0: i32) -> (i32, i32) {
    %c0_i32 = arith.constant 0 : i32
    %c0_i32_0 = arith.constant 0 : i32
    %c0_i32_1 = arith.constant 0 : i32
    return %c0_i32, %c0_i32_0 : i32, i32
  }
  func.func @transform_2(%arg0: i32) -> (i32, i32) {
    %c0_i32 = arith.constant 0 : i32
    %c0_i32_0 = arith.constant 0 : i32
    %c0_i32_1 = arith.constant 0 : i32
    return %c0_i32, %c0_i32_0 : i32, i32
  }
  func.func @transform_3(%arg0: i32) -> (i32, i32) {
    %c0_i32 = arith.constant 0 : i32
    %c0_i32_0 = arith.constant 0 : i32
    %c0_i32_1 = arith.constant 0 : i32
    return %c0_i32, %c0_i32_0 : i32, i32
  }
  func.func @transform_4(%arg0: i32) -> (i32, i32) {
    %c0_i32 = arith.constant 0 : i32
    %c0_i32_0 = arith.constant 0 : i32
    %c0_i32_1 = arith.constant 0 : i32
    return %c0_i32, %c0_i32_0 : i32, i32
  }
  func.func @transform_5(%arg0: i32) -> (i32, i32) {
    %c0_i32 = arith.constant 0 : i32
    %c0_i32_0 = arith.constant 0 : i32
    %c0_i32_1 = arith.constant 0 : i32
    return %c0_i32, %c0_i32_0 : i32, i32
  }
  func.func @transform_6(%arg0: i32) -> (i32, i32) {
    %c0_i32 = arith.constant 0 : i32
    %c0_i32_0 = arith.constant 0 : i32
    %c0_i32_1 = arith.constant 0 : i32
    return %c0_i32, %c0_i32_0 : i32, i32
  }
  func.func @transform_7(%arg0: i32) -> (i32, i32) {
    %c0_i32 = arith.constant 0 : i32
    %c0_i32_0 = arith.constant 0 : i32
    return %arg0, %c0_i32 : i32, i32
  }
  func.func @transform_8(%arg0: i32) -> (i32, i32) {
    %c0_i32 = arith.constant 0 : i32
    %c0_i32_0 = arith.constant 0 : i32
    return %arg0, %c0_i32 : i32, i32
  }
}

module attributes {stable_mosaic.version = 14 : i64} {
  func.func @_combine_body(%arg0: i32, %arg1: memref<32x3072xf32, #tpu.memory_space<vmem>>, %arg2: memref<3072xf32, #tpu.memory_space<vmem>>) attributes {dimension_semantics = [#tpu.dimension_semantics<arbitrary>], iteration_bounds = array<i64: 10>, scalar_prefetch = 0 : i64, scratch_operands = 0 : i64, tpu.core_type = #tpu.core_type<tc>, window_params = [{transform_indices = @transform_0, window_bounds = array<i64: 32, 3072>}, {transform_indices = @transform_1, window_bounds = array<i64: 3072>}]} {
    %get3A = arith.constant 0 : index
    %get3A_0 = arith.constant 0 : index
    %get3A_1 = vector.load %arg1[%get3A, %get3A_0] : memref<32x3072xf32, #tpu.memory_space<vmem>>, vector<32x3072xf32>
    %reduce_sum3A = arith.constant dense<0.000000e+00> : vector<3072xf32>
    %reduce_sum3A_2 = vector.multi_reduction <add>, %get3A_1, %reduce_sum3A [0] : vector<32x3072xf32> to vector<3072xf32>
    %swap3A = arith.constant 0 : index
    %swap3A_3 = vector.load %arg2[%swap3A] : memref<3072xf32, #tpu.memory_space<vmem>>, vector<3072xf32>
    tpu.vector_store %arg2[%swap3A], %reduce_sum3A_2 {strides = array<i32>} : memref<3072xf32, #tpu.memory_space<vmem>>, vector<3072xf32>,
    return
  }
  func.func @transform_0(%arg0: i32) -> (i32, i32) {
    %c0_i32 = arith.constant 0 : i32
    %c0_i32_0 = arith.constant 0 : i32
    return %c0_i32, %arg0 : i32, i32
  }
  func.func @transform_1(%arg0: i32) -> i32 {
    %c0_i32 = arith.constant 0 : i32
    return %arg0 : i32
  }
}

</mosaic_0001>

<sc_bundles>
// kernel: kernel.5.cloned.1.call-start
scs
__scs_entry_jumppad:
0x0: {  	(pc) =	sbr.rel $0x88, $3  }
0x1: {  	(tag) =	ssettag $0x0;
	lr =	simm.s32 $0x1  }
0x2: {  	[smem:$0x3F96] =	sst lr;
	_ =	strace $0xD0000000  }
0x3: {  	_ = 	snop  }
0x4: {  	_ = 	snop  }
0x5: {  	_ = 	snop  }
0x6: {  	_ = 	snop  }
0x7: {  	_ = 	snop  }
__scs_overlays_trampoline_lowered:
0x8: {  	[smem:$0x3FA5] =	sst s0  }
0x9: {  	[smem:$0x3FA6] =	sst s1  }
0xa: {  	[smem:$0x3FA7] =	sst s2  }
0xb: {  	[smem:$0x3FA8] =	sst s3  }
0xc: {  	[smem:$0x3FA9] =	sst s4  }
0xd: {  	[smem:$0x3FAA] =	sst s5  }
0xe: {  	[smem:$0x3FAB] =	sst s6  }
0xf: {  	[smem:$0x3FAC] =	sst s7  }
0x10: {  	[smem:$0x3FAD] =	sst s8  }
0x11: {  	[smem:$0x3FAE] =	sst s9;
	s0 =	simm.s32 @!p0 $0x0  }
0x12: {  	s1 =	sld [smem:$0x3F94];
	s0 =	simm.s32 @p0 $0x1  }
0x13: {  	[smem:$0x3FAF] =	sst s0;
	s0 =	simm.s32 @!p1 $0x0  }
0x14: {  	s2 =	sld [smem:$0x3F93];
	s0 =	simm.s32 @p1 $0x1  }
0x15: {  	[smem:$0x3FB0] =	sst s0;
	s0 =	simm.s32 @!p2 $0x0  }
0x16: {  	s3 =	sld [smem:$0x3FDB];
	s0 =	simm.s32 @p2 $0x1  }
0x17: {  	s4 =	simm.s32 $0x1BF5;
	[smem:$0x3FB2] =	sst s0  }
0x18: {  	s0 =	sld [smem:$0x3F95];
	_ =	swait.ge [sflag:s4], $0x0  }
0x19: {  	s7 =	sld [smem:$0x3F96]  }
0x1a: {  	s8 =	sadd.s32 $0xFFFFE003, lr  }
0x1b: {  	s9 =	sadd.s32 $0xFFFFFEF7, lr;
	s5 =	simm.s32 $0xFFFFFFFF;
	p2 =	slt.u32 s8, $0xFFFFF086  }
0x1c: {  	p1 =	slt.u32 s9, $0xF7A;
	s5 =	simm.s32 @!p2 $0x0  }
0x1d: {  	s5 =	simm.s32 @p1 $0x1;
	p0 =	seq.s32 s7, s2  }
0x1e: {  	s7 =	smul.u32 @!p0 $0xF7A, s2;
	p2 =	seq.s32 @!p0 s5, $0x0  }
0x1f: {  	s9 =	smul.u32 $0xF7A, s1;
	s8 =	simm.s32 @!p0 $0x1BF5;
	p2 =	por !p2, p0  }
0x20: {  	[sflag:s8] =	ssyncset.s32 @!p0 $0xFFFFF086;
	s6 =	sadd.s32 @!p0 s3, s7;
	s7 =	simm.s32 @!p0 $0x108  }
0x21: {  	s3 =	sadd.s32 s3, s9;
	s6 =	sadd.s32 @!p0 $0x88, s6;
	s7 =	simm.s32 @p2 $0x1082  }
0x22: {  	[simem:s7], [sflag:s8] =	dma.local @!p0 [hbm:s6], $0xF7A  }
0x23: {  	s9 =	sor.u32 $0xD0000000, s2;
	s6 =	simm.s32 $0x108;
	_ =	swait.ge @!p0 [sflag:s8], $0x0  }
0x24: {  	s3 =	sadd.s32 $0x88, s3;
	s6 =	simm.s32 @!p1 $0x1082;
	[sflag:s4] =	ssyncset.s32 $0xFFFFF086  }
0x25: {  	[simem:s6], [sflag:s4] =	dma.local [hbm:s3], $0xF7A  }
0x26: {  	[smem:$0x3F96] =	sst s1;
	(tag) =	ssettag s2;
	_ =	strace s9  }
0x27: {  	s1 =	sld [smem:$0x3FA6]  }
0x28: {  	s2 =	sld [smem:$0x3FA7]  }
0x29: {  	s4 =	sld [smem:$0x3FA9]  }
0x2a: {  	p0 =	seq.s32 s5, $0x0;
	s5 =	sld [smem:$0x3FAA]  }
0x2b: {  	s6 =	sld [smem:$0x3FAB]  }
0x2c: {  	s7 =	sld [smem:$0x3FAC]  }
0x2d: {  	s3 =	simm.s32 $0x108;
	s8 =	sld [smem:$0x3FAD]  }
0x2e: {  	s3 =	simm.s32 @!p0 $0x1082;
	s9 =	sld [smem:$0x3FAE]  }
0x2f: {  	lr =	sadd.s32 s0, s3;
	s0 =	sld [smem:$0x3FA5]  }
0x30: {  	s3 =	sld [smem:$0x3FA8]  }
0x31: {  	[smem:$0x3FB1] =	sst s10  }
0x32: {  	s10 =	sld [smem:$0x3FAF];
	_ =	sdelay $0x3  }
0x33: {  	p0 =	seq.s32 s10, $0x1;
	s10 =	sld [smem:$0x3FB1];
	_ =	sdelay $0x3  }
0x34: {  	[smem:$0x3FB1] =	sst s10  }
0x35: {  	s10 =	sld [smem:$0x3FB0];
	_ =	sdelay $0x3  }
0x36: {  	p1 =	seq.s32 s10, $0x1;
	s10 =	sld [smem:$0x3FB1];
	_ =	sdelay $0x3  }
0x37: {  	[smem:$0x3FB1] =	sst s10  }
0x38: {  	s10 =	sld [smem:$0x3FB2]  }
0x39: {  	_ = 	snop;
	(pc) =	sbr.ind lr, $3  }
0x3a: {  	_ = 	snop  }
0x3b: {  	_ = 	snop  }
0x3c: {  	p2 =	seq.s32 s10, $0x1;
	s10 =	sld [smem:$0x3FB1]  }
0x3d: {  	_ =	shalt  }
0x3e: {  	_ =	shalt  }
0x3f: {  	_ =	shalt  }
0x40: {  	_ =	shalt  }
0x41: {  	_ =	shalt  }
0x42: {  	_ =	shalt  }
0x43: {  	_ =	shalt  }
0x44: {  	_ =	shalt  }
0x45: {  	_ =	shalt  }
0x46: {  	_ =	shalt  }
0x47: {  	_ =	shalt  }
0x48: {  	_ =	shalt  }
0x49: {  	_ =	shalt  }
0x4a: {  	_ =	shalt  }
0x4b: {  	_ =	shalt  }
0x4c: {  	_ =	shalt  }
0x4d: {  	_ =	shalt  }
0x4e: {  	_ =	shalt  }
0x4f: {  	_ =	shalt  }
0x50: {  	_ =	shalt  }
0x51: {  	_ =	shalt  }
0x52: {  	_ =	shalt  }
0x53: {  	_ =	shalt  }
0x54: {  	_ =	shalt  }
0x55: {  	_ =	shalt  }
0x56: {  	_ =	shalt  }
0x57: {  	_ =	shalt  }
0x58: {  	_ =	shalt  }
0x59: {  	_ =	shalt  }
0x5a: {  	_ =	shalt  }
0x5b: {  	_ =	shalt  }
0x5c: {  	_ =	shalt  }
0x5d: {  	_ =	shalt  }
0x5e: {  	_ =	shalt  }
0x5f: {  	_ =	shalt  }
0x60: {  	_ =	shalt  }
0x61: {  	_ =	shalt  }
0x62: {  	_ =	shalt  }
0x63: {  	_ =	shalt  }
0x64: {  	_ =	shalt  }
0x65: {  	_ =	shalt  }
0x66: {  	_ =	shalt  }
0x67: {  	_ =	shalt  }
0x68: {  	_ =	shalt  }
0x69: {  	_ =	shalt  }
0x6a: {  	_ =	shalt  }
0x6b: {  	_ =	shalt  }
0x6c: {  	_ =	shalt  }
0x6d: {  	_ =	shalt  }
0x6e: {  	_ =	shalt  }
0x6f: {  	_ =	shalt  }
0x70: {  	_ =	shalt  }
0x71: {  	_ =	shalt  }
0x72: {  	_ =	shalt  }
0x73: {  	_ =	shalt  }
0x74: {  	_ =	shalt  }
0x75: {  	_ =	shalt  }
0x76: {  	_ =	shalt  }
0x77: {  	_ =	shalt  }
0x78: {  	_ =	shalt  }
0x79: {  	_ =	shalt  }
0x7a: {  	_ =	shalt  }
0x7b: {  	_ =	shalt  }
0x7c: {  	_ =	shalt  }
0x7d: {  	_ =	shalt  }
0x7e: {  	_ =	shalt  }
0x7f: {  	_ =	shalt  }
0x80: {  	_ =	shalt  }
0x81: {  	_ =	shalt  }
0x82: {  	_ =	shalt  }
0x83: {  	_ =	shalt  }
0x84: {  	_ =	shalt  }
0x85: {  	_ =	shalt  }
0x86: {  	_ =	shalt  }
0x87: {  	_ =	shalt  }
.Lfunc_end0:
.L_simem_size_0:
called_computation_lowered:
.L_overlay_start_0:
0x88: {  	s2 =	sld [smem:$0x3FD9]  }
0x89: {  	s3 =	sld [smem:$0x3FFE];
	_ =	sdelay $0x1  }
0x8a: {  	s1 =	srdreg.scid  }
0x8b: {  	s0 =	sand.u32 $0x1, s1  }
0x8c: {  	s14 =	sshll.u32 s0, $0xA;
	s2 =	sadd.s32 s3, s2  }
0x8d: {  	s2 =	sadd.s32 s2, s14  }
0x8e: {  	[smem:$0x3FBD] =	sst s2  }
0x8f: {  	_ = 	snop  }
0x90: {  	s2 =	sld [smem:$0x3FD0]  }
0x91: {  	s15 =	sld [smem:$0x3FC8]  }
0x92: {  	s4 =	sld [smem:$0x3FC7]  }
0x93: {  	s6 =	simm.s32 $0xA;
	s7 =	simm.s32 $0x10;
	s5 =	sld [smem:$0x3FC5]  }
0x94: {  	[smem:s7], [sflag:s6] =	dma.local [hbm:s2], $0x1  }
0x95: {  	_ =	swait.eq [sflag:s6], $0x1  }
0x96: {  	[sflag:s6] =	ssyncset.done $0x0  }
0x97: {  	s16 =	sld [smem:$0x10];
	[sflag:s6] =	ssyncadd.s32 $0xFFFFFFFF  }
0x98: {  	s17 =	sld [smem:$0x11];
	(tm) =	ssettm $0x1  }
0x99: {  	s18 =	sld [smem:$0x3FFB];
	_ =	sdelay $0x3  }
0x9a: {  	_ =	strace s18  }
0x9b: {  	s7 =	sld [smem:$0x3FFC];
	_ =	sdelay $0x3  }
0x9c: {  	_ =	strace s7  }
0x9d: {  	s7 =	sld [smem:$0x3FFD];
	_ =	sdelay $0x3  }
0x9e: {  	_ =	strace s7  }
0x9f: {  	_ =	strace $0x8FFFFFFF  }
0xa0: {  	s19 =	sld [smem:$0x3FDB];
	_ =	sdelay $0x1  }
0xa1: {  	s8 =	simm.s32 $_scs_section_size  }
0xa2: {  	s9 =	simm.s32 $_size__tile_overlayer_lowered;
	s10 =	simm.s32 $_tile_overlayer_lowered  }
0xa3: {  	s22 =	simm.s32 $0x1BFF;
	s21 =	sshll.u32 s10, $0x1;
	s7 =	sadd.s32 s8, s19  }
0xa4: {  	s11 =	simm.s32 $0x0;
	s20 =	sshll.u32 s9, $0x1;
	s9 =	sadd.s32 s21, s7  }
0xa5: {  	[timem:s11], [sflag:s22] =	dma.local [hbm:s9], s20  }
0xa6: {  	_ =	swait.ge [sflag:s22], s20  }
0xa7: {  	s8 =	ssub.s32 $0x0, s20;
	[sflag:s22] =	ssyncset.done $0x0  }
0xa8: {  	[sflag:s22] =	ssyncadd.s32 s8;
	_ =	sdelay $0x1  }
0xa9: {  	s23 =	simm.s32 $0x1B8B  }
0xaa: {  	_ =	swait.ge [sflag:s23], $0x1  }
0xab: {  	[sflag:s23] =	ssyncset.done $0x0  }
0xac: {  	s25 =	simm.s32 $0x1B8E;
	s24 =	sld [smem:$0x3FFE];
	[sflag:s23] =	ssyncadd.s32 $0xFFFFFFFF  }
0xad: {  	s26 =	simm.s32 $execute0_lowered;
	[smem:$0x3FD2] =	sst s25  }
0xae: {  	s9 =	sshll.u32 s26, $0x1;
	_ =	strace $0x80000046;
	[dreg:$0x1] =	wrdreg $0xFFFFFFFF  }
0xaf: {  	s28 =	simm.s32 $_size_execute0_lowered;
	s7 =	sadd.s32 s7, s9;
	[dreg:$0x0] =	wrdreg $0x0  }
0xb0: {  	s9 =	sshll.u32 s28, $0x1;
	[dreg:$0x2] =	wrdreg s7  }
0xb1: {  	[dreg:$0x3] =	wrdreg s9  }
0xb2: {  	[dreg:$0x4] =	wrdreg $0xC0  }
0xb3: {  	_ =	task [dreg:s11], $0x5FFFF  }
0xb4: {  	[dreg:$0x1] =	wrdreg $0xFFFFFFFF  }
0xb5: {  	[dreg:$0x0] =	wrdreg $0x60  }
0xb6: {  	[dreg:$0x2] =	wrdreg s15  }
0xb7: {  	[dreg:$0x3] =	wrdreg s24  }
0xb8: {  	[dreg:$0x4] =	wrdreg s5  }
0xb9: {  	[dreg:$0x5] =	wrdreg s17  }
0xba: {  	[dreg:$0x6] =	wrdreg s4  }
0xbb: {  	[dreg:$0x7] =	wrdreg s16  }
0xbc: {  	[dreg:$0x8] =	wrdreg $0x9  }
0xbd: {  	_ =	task.clear_ibuf [dreg:s11], $0x9FFFF;
	_ =	strace $0x90000046  }
0xbe: {  	s29 =	simm.s32 $0x9;
	_ =	strace $0x80000048  }
0xbf: {  	_ =	swait.ge [sflag:s29], $0x1  }
0xc0: {  	[sflag:s29] =	ssyncadd.s32 $0xFFFFFFFF  }
0xc1: {  	_ =	strace $0x90000048  }
0xc2: {  	_ =	sfence  }
0xc3: {  	s30 =	sld [smem:$0x0];
	_ =	sdelay $0x2  }
0xc4: {  	s31 =	sshll.u32 s1, $0xD;
	s1 =	sshrl.u32 s1, $0x2  }
0xc5: {  	s3 =	sand.u32 $0x4000, s31;
	s1 =	sadd.s32 s1, s30  }
0xc6: {  	s0 =	sor.u32 s3, s0;
	s1 =	sshll.u32 s1, $0x11  }
0xc7: {  	s0 =	sor.u32 s1, s0  }
0xc8: {  	s0 =	sadd.s32 $0x8F2B, s0  }
0xc9: {  	[sflag:s0] =	ssyncadd.remote.s32 $0x1  }
0xca: {  	_ =	sfence.sel $0xFFFF  }
0xcb: {  	[dreg:$0x0] =	wrdreg $0xFFFFFFFF;
	(pc) =	sbr.abs _section_cstart, $3  }
0xcc: {  	[dreg:$0x1] =	wrdreg $0xFFFFFFFF  }
0xcd: {  	_ =	task.clear_ibuf [dreg:s11], $0x2FFFF;
	_ =	strace $0x9FFFFFFF  }
0xce: {  	(tm) =	ssettm $0x7FFFFFFF  }
0xcf: {  	_ =	shalt  }
tec
execute0_lowered:
.L_overlay_start_1:
0x0: {  	(tag) =	ssettag $0x1  }
0x1: {  	s0 =	rddreg [dreg:$0x0]  }
0x2: {  	s2 =	rddreg [dreg:$0x1]  }
0x3: {  	s1 =	rddreg [dreg:$0x2]  }
0x4: {  	s13 =	rddreg [dreg:$0x3]  }
0x5: {  	s14 =	rddreg [dreg:$0x4];
	v1 =	vimm.s32 $0xFEDCBA9;
	v4 =	vimm.s32 $0x87654321;
	s7 =	simm.s32 $0x0;
	v50 =	vimm.s32 $0x10FEDCBA  }
0x6: {  	s3 =	srdreg.scid;
	s12 =	stileid.u32;
	v5 =	vimm.s32 $0x98765432;
	v6 =	vimm.s32 $0x210FEDCB;
	v7 =	vimm.s32 $0xA9876543;
	s30 =	simm.s32 $0x80  }
0x7: {  	v51 =	vimm.s32 $0x3210FEDC;
	v52 =	vimm.s32 $0xBA987654;
	s31 =	simm.s32 $0x8000;
	s28 =	simm.s32 $0x0;
	[smem:$0x7FF] =	sst s7  }
0x8: {  	v17 =	vimm.s32 $0xCBA98765;
	v58 =	vimm.s32 $0x543210FE;
	v59 =	vimm.s32 $0xDCBA9876;
	s3 =	sand.u32 $0x1, s3;
	s4 =	sshll.u32 s12, $0x1;
	s5 =	sshrl.u32 s12, $0x2  }
0x9: {  	v19 =	vimm.s32 $0x6543210F;
	s8 =	sadd.s32 $0xF600, s2;
	s9 =	sadd.s32 $0xA00, s2;
	s10 =	sadd.s32 $0x1E200, s2  }
0xa: {  	v0 =	vlaneseq.u32;
	v20 =	vimm.s32 $0xEDCBA987;
	v21 =	vimm.s32 $0xFEDCBA98;
	p1 =	slt.u32 s12, $0x7;
	s12 =	simm.s32 $0x76;
	s16 =	sadd.s32 $0xFA, s13  }
0xb: {  	v22 =	vimm.s32 $0x76543210;
	v3 =	vunpack.c.l.s4.s8 v1;
	v0 =	vmul.u32 $0x80, v0;
	s17 =	sadd.s32 $0xFA, s14;
	s4 =	sor.u32 s3, s4;
	s5 =	smul.u32 $0x3C000, s5  }
0xc: {  	v5 =	vunpack.c.l.s4.s8 v5;
	v6 =	vunpack.c.l.s4.s8 v6;
	v56 =	vunpack.c.l.s4.s8 v17;
	s3 =	ssub.s32 $0x2, s3;
	s12 =	simm.s32 @!p1 $0x75;
	s6 =	sshll.u32 s4, $0x7  }
0xd: {  	v19 =	vunpack.c.l.s4.s8 v19;
	[tilespmem:$0x1FF60] =	vst v0;
	v9 =	vunpack.c.0.s8.s32 v3;
	v3 =	vunpack.c.l.s4.s8 v4;
	s11 =	sadd.s32 $0xFFFFFFFF, s4;
	s18 =	smul.u32 $0x75, s4;
	s20 =	sshrl.u32 s3, $0x1  }
0xe: {  	v20 =	vunpack.c.l.s4.s8 v20;
	v21 =	vunpack.c.l.s4.s8 v21;
	v60 =	vunpack.c.l.s4.s8 v22;
	_ =	strace $0x80000047;
	s6 =	sand.u32 $0x380, s6;
	p0 =	slt.s32 s11, $0xD  }
0xf: {  	v4 =	vunpack.c.l.s4.s8 v50;
	s3 =	ssub.s32 s3, s20;
	[dreg:$0xd] =	wrdreg s16;
	v10 =	vunpack.c.0.s8.s32 v3;
	v3 =	vunpack.c.l.s4.s8 v7;
	s11 =	simm.s32 @!p0 $0xD  }
0x10: {  	v12 =	vunpack.c.0.s8.s32 v5;
	v13 =	vunpack.c.0.s8.s32 v6;
	v18 =	vunpack.c.0.s8.s32 v56;
	[dreg:$0xe] =	wrdreg s17;
	s5 =	sor.u32 s5, s6;
	s19 =	sadd.s32 s11, s18  }
0x11: {  	v6 =	vunpack.c.l.s4.s8 v58;
	p0 =	seq.s32 s4, $0x0;
	s6 =	simm.s32 $0x4;
	v14 =	vunpack.c.0.s8.s32 v3;
	v3 =	vunpack.c.l.s4.s8 v51;
	s11 =	sadd.s32 $0xFFFFFFF9, s19  }
0x12: {  	v19 =	vunpack.c.0.s8.s32 v19;
	v20 =	vunpack.c.0.s8.s32 v20;
	v11 =	vunpack.c.0.s8.s32 v4;
	s5 =	sshrl.u32 s5, $0x3;
	s12 =	simm.s32 @p0 $0x6E;
	s11 =	simm.s32 @p0 $0x0  }
0x13: {  	v4 =	vunpack.c.l.s4.s8 v52;
	s18 =	sadd.s32 $0x1F4, s13;
	s2 =	sadd.s32 s5, s2;
	v15 =	vunpack.c.0.s8.s32 v3;
	v3 =	vimm.s32 $0x43210FED;
	s21 =	sshll.u32 s11, $0x7  }
0x14: {  	v21 =	vunpack.c.0.s8.s32 v21;
	v53 =	vcombine.low v10, v9;
	s15 =	sadd.s32 $0x1, s12;
	[dreg:$0xf] =	wrdreg s18;
	v8 =	vunpack.c.l.s4.s8 v3;
	s22 =	sshrl.u32 s21, $0x3  }
0x15: {  	v23 =	vunpack.c.0.s8.s32 v6;
	v54 =	vcombine.low v12, v11;
	v16 =	vunpack.c.0.s8.s32 v4;
	s20 =	sshrl.u32 s15, $0x1;
	s26 =	sshll.u32 s11, $0xB;
	s23 =	sadd.s32 s8, s22  }
0x16: {  	v55 =	vcombine.low v14, v13;
	v0 =	vand.u32 $0xF, v53;
	s4 =	sadd.s32 $0xC00, s21;
	s24 =	sadd.s32 s1, s22;
	v17 =	vunpack.c.0.s8.s32 v8;
	[dreg:$0x7] =	wrdreg s23  }
0x17: {  	[tilespmem:$0x1FF70] =	vst v0;
	v0 =	vand.u32 $0xF, v54;
	v57 =	vcombine.low v16, v15;
	s4 =	sshrl.u32 s4, $0x3;
	s5 =	sadd.s32 s9, s22;
	[dreg:$0x8] =	wrdreg s24;
	v8 =	vunpack.c.l.s4.s8 v59  }
0x18: {  	v25 =	vcombine.low v20, v19;
	s21 =	sadd.s32 $0x45400, s2;
	[tilespmem:$0x1FF80] =	vst v0;
	v0 =	vand.u32 $0xF, v55;
	[dreg:$0x9] =	wrdreg s5;
	s25 =	sadd.s32 s8, s4;
	v61 =	vcombine.low v18, v17  }
0x19: {  	s22 =	smax.u32 s3, $0x1;
	[tilespmem:$0x1FF90] =	vst v0;
	s29 =	sadd.s32 s1, s4;
	[dreg:$0xa] =	wrdreg s25;
	v0 =	vand.u32 $0xF, v57;
	v24 =	vunpack.c.0.s8.s32 v8;
	v8 =	vunpack.c.0.s8.s32 v60  }
0x1a: {  	v21 =	vand.u32 $0xF, v21;
	v12 =	vcombine.low v11, v12;
	s3 =	simm.s32 $0x1C000;
	s4 =	sadd.s32 s9, s4;
	[dreg:$0xb] =	wrdreg s29;
	[tilespmem:$0x1FFA0] =	vst v0;
	v0 =	vand.u32 $0xF, v61  }
0x1b: {  	v1 =	vimm.f32 $0.0e+00;
	s5 =	sand.u32 $0x1FFFF800, s26;
	s23 =	sadd.s32 $0x1F4, s14;
	[dreg:$0xc] =	wrdreg s4;
	v62 =	vcombine.low v24, v23;
	[tilespmem:$0x1FFB0] =	vst v0;
	v0 =	vcombine.low v21, v8  }
.Ltmp0:
0x1c: {  	v63 =	vcombine.low v9, v10;
	v13 =	vcombine.low v13, v14;
	v12 =	vand.u32 $0xF, v12;
	s24 =	sadd.s32 $0x2EE, s13;
	[dreg:$0x10] =	wrdreg s23;
	(pc) =	sbr.rel .LBB2_1-.Ltmp0, $4  }
0x1d: {  	v14 =	vcombine.low v15, v16;
	s26 =	sadd.s32 $0x3E8, s13;
	s19 =	sadd.s32 s0, s5;
	[dreg:$0x11] =	wrdreg s24;
	v15 =	vcombine.low v17, v18;
	[tilespmem:$0x1FFC0] =	vst v0;
	v0 =	vand.u32 $0xF, v62  }
0x1e: {  	s25 =	sadd.s32 $0x2EE, s14;
	[dreg:$0x13] =	wrdreg s26;
	s29 =	sadd.s32 $0x3E8, s14;
	v17 =	vcombine.low v19, v20;
	v16 =	vcombine.low v23, v24;
	[tilespmem:$0x1FFD0] =	vst v0;
	v0 =	vand.u32 $0xF, v25  }
0x1f: {  	v13 =	vand.u32 $0xF, v13;
	s4 =	simm.s32 $0x10000;
	s23 =	simm.s32 $0x1;
	v14 =	vand.u32 $0xF, v14;
	[dreg:$0x12] =	wrdreg s25;
	[tilespmem:$0x1FFE0] =	vst v0;
	v0 =	vand.u32 $0xF, v63  }
0x20: {  	s24 =	simm.s32 $0x14800;
	[dreg:$0x14] =	wrdreg s29;
	s25 =	simm.s32 $0x2;
	v15 =	vand.u32 $0xF, v15;
	v17 =	vand.u32 $0xF, v17;
	v16 =	vand.u32 $0xF, v16;
	[tilespmem:$0x1FFF0] =	vst v0  }
.LBB2_29:
0x21: {  	s28 =	sadd.s32 $0x1, s28  }
0x22: {  	p1 =	sne.s32 s28, s22  }
.Ltmp1:
0x23: {  	s2 =	simm.s32 $0x400;
	(pc) =	sbr.rel @!p1 .LBB2_30-.Ltmp1, $4  }
0x24: {  	[hbm4b:s21+s30] =	stream.strided.scatter [tilespmem:s24], [sflag:$0x4], $0x7800, s2, s30, $0x38;
	[tilespmem:$0x1F800] =	vst v63  }
0x25: {  	_ =	swait.ge [sflag:s6], $0x7800  }
0x26: {  	[sflag:s6] =	ssyncset.done $0x0  }
0x27: {  	[sflag:s6] =	ssyncadd.s32 $0xFFFF8800  }
.LBB2_1:
0x28: {  	s2 =	simm.s32 $0x0;
	s5 =	simm.s32 $0x200  }
.LBB2_2:
0x29: {  	p1 =	sne.s32 s5, $0x1DE00;
	[tilespmem:s2+$0x14870] =	vst v1  }
0x2a: {  	[tilespmem:s2+$0x14800] =	vst v1  }
0x2b: {  	[tilespmem:s2+$0x14810] =	vst v1  }
.Ltmp2:
0x2c: {  	[tilespmem:s2+$0x14820] =	vst v1;
	(pc) =	sbr.rel @p1 .LBB2_2-.Ltmp2, $4  }
0x2d: {  	[tilespmem:s2+$0x14830] =	vst v1  }
0x2e: {  	[tilespmem:s2+$0x14840] =	vst v1  }
0x2f: {  	[tilespmem:s2+$0x14850] =	vst v1  }
0x30: {  	[tilespmem:s2+$0x14860] =	vst v1;
	s2 =	sshra.s32 s5, $0x2;
	s5 =	sadd.s32 $0x200, s5  }
0x31: {  	[tilespmem:s2+$0x14870] =	vst v1  }
0x32: {  	[tilespmem:s2+$0x14800] =	vst v1  }
0x33: {  	[tilespmem:s2+$0x14810] =	vst v1  }
.Ltmp3:
0x34: {  	[tilespmem:s2+$0x14820] =	vst v1;
	(pc) =	sbr.rel @!p0 .LBB2_17-.Ltmp3, $4  }
0x35: {  	[tilespmem:s2+$0x14830] =	vst v1  }
0x36: {  	[tilespmem:s2+$0x14840] =	vst v1  }
0x37: {  	[tilespmem:s2+$0x14850] =	vst v1  }
0x38: {  	[tilespmem:s2+$0x14860] =	vst v1  }
0x39: {  	s2 =	simm.s32 $0x0;
	s5 =	simm.s32 $0x200  }
.LBB2_5:
0x3a: {  	p1 =	seq.s32 s5, $0x9E00;
	[tilespmem:s2+$0x1C070] =	vst v1  }
0x3b: {  	[tilespmem:s2+$0x1C000] =	vst v1  }
0x3c: {  	[tilespmem:s2+$0x1C010] =	vst v1  }
.Ltmp4:
0x3d: {  	[tilespmem:s2+$0x1C020] =	vst v1;
	(pc) =	sbr.rel @!p1 .LBB2_5-.Ltmp4, $4  }
0x3e: {  	[tilespmem:s2+$0x1C030] =	vst v1  }
0x3f: {  	[tilespmem:s2+$0x1C040] =	vst v1  }
0x40: {  	[tilespmem:s2+$0x1C050] =	vst v1  }
0x41: {  	[tilespmem:s2+$0x1C060] =	vst v1;
	s2 =	sshra.s32 s5, $0x2;
	s5 =	sadd.s32 $0x200, s5  }
0x42: {  	[tilespmem:s2+$0x1C070] =	vst v1  }
0x43: {  	[tilespmem:s2+$0x1C000] =	vst v1  }
0x44: {  	[tilespmem:s2+$0x1C010] =	vst v1  }
0x45: {  	[tilespmem:s2+$0x1C020] =	vst v1  }
0x46: {  	[tilespmem:s2+$0x1C030] =	vst v1  }
0x47: {  	[tilespmem:s2+$0x1C040] =	vst v1  }
0x48: {  	[tilespmem:s2+$0x1C050] =	vst v1  }
0x49: {  	[tilespmem:s2+$0x1C060] =	vst v1;
	s18 =	simm.s32 $0x0;
	s5 =	rddreg [dreg:$0x3];
	s13 =	simm.s32 $0x1E800  }
0x4a: {  	[tilespmem:s13], [sflag:$0x4] =	stream.linear.gather [hbm4b:s5+s18], $0x7D0, $0x38;
	[tilespmem:$0x1F800] =	vst v63  }
0x4b: {  	_ =	swait.ge [sflag:s6], $0x7D0  }
0x4c: {  	[sflag:s6] =	ssyncset.done $0x0  }
0x4d: {  	[sflag:s6] =	ssyncadd.s32 $0xFFFFF830  }
0x4e: {  	s29 =	simm.s32 $0x1F000;
	s26 =	rddreg [dreg:$0x4]  }
0x4f: {  	[tilespmem:s29], [sflag:$0x4] =	stream.linear.gather [hbm4b:s26+s18], $0x7D0, $0x38;
	[tilespmem:$0x1F800] =	vst v63  }
0x50: {  	_ =	swait.ge [sflag:s6], $0x7D0  }
0x51: {  	[sflag:s6] =	ssyncset.done $0x0  }
0x52: {  	s2 =	simm.s32 $0x40;
	s5 =	simm.s32 $0x0;
	[sflag:s6] =	ssyncadd.s32 $0xFFFFF830  }
.LBB2_7:
0x53: {  	p1 =	sne.s32 s2, $0x1F00;
	v18 =	vld [tilespmem:s5+$0x1F000];
	_ =	sdelay $0x2  }
0x54: {  	v19 =	vld [tilespmem:s5+$0x1E800]  }
.Ltmp5:
0x55: {  	(pc) =	sbr.rel @p1 .LBB2_7-.Ltmp5, $2  }
0x56: {  	_ =	sdelay $0x2  }
0x57: {  	s5 =	sshra.s32 s2, $0x2;
	s2 =	sadd.s32 $0x40, s2;
	[tilespmem:v18+s3+$0x0] =	vst.idx.add.f32.msk $0xffff, v19  }
0x58: {  	v18 =	vld [tilespmem:s5+$0x1F000];
	_ =	sdelay $0x2  }
0x59: {  	v19 =	vld [tilespmem:s5+$0x1E800];
	_ =	sdelay $0x4  }
0x5a: {  	s2 =	simm.s32 $0x0;
	s18 =	rddreg [dreg:$0xd];
	s13 =	simm.s32 $0x1E800;
	[tilespmem:v18+s3+$0x0] =	vst.idx.add.f32.msk $0xffff, v19  }
0x5b: {  	[tilespmem:s13], [sflag:$0x4] =	stream.linear.gather [hbm4b:s18+s2], $0x7D0, $0x38;
	[tilespmem:$0x1F800] =	vst v63  }
0x5c: {  	_ =	swait.ge [sflag:s6], $0x7D0  }
0x5d: {  	[sflag:s6] =	ssyncset.done $0x0  }
0x5e: {  	s29 =	simm.s32 $0x1F000;
	s26 =	rddreg [dreg:$0xe];
	[sflag:s6] =	ssyncadd.s32 $0xFFFFF830  }
0x5f: {  	[tilespmem:s29], [sflag:$0x4] =	stream.linear.gather [hbm4b:s26+s2], $0x7D0, $0x38;
	[tilespmem:$0x1F800] =	vst v63  }
0x60: {  	_ =	swait.ge [sflag:s6], $0x7D0  }
0x61: {  	[sflag:s6] =	ssyncset.done $0x0  }
0x62: {  	s5 =	simm.s32 $0x0;
	s2 =	simm.s32 $0x40;
	[sflag:s6] =	ssyncadd.s32 $0xFFFFF830  }
.LBB2_9:
0x63: {  	p1 =	sne.s32 s2, $0x1F00;
	v18 =	vld [tilespmem:s5+$0x1F000];
	_ =	sdelay $0x2  }
0x64: {  	v19 =	vld [tilespmem:s5+$0x1E800]  }
.Ltmp6:
0x65: {  	(pc) =	sbr.rel @p1 .LBB2_9-.Ltmp6, $2  }
0x66: {  	_ =	sdelay $0x2  }
0x67: {  	s5 =	sshra.s32 s2, $0x2;
	s2 =	sadd.s32 $0x40, s2;
	[tilespmem:v18+s3+$0x0] =	vst.idx.add.f32.msk $0xffff, v19  }
0x68: {  	v18 =	vld [tilespmem:s5+$0x1F000];
	_ =	sdelay $0x2  }
0x69: {  	v19 =	vld [tilespmem:s5+$0x1E800];
	_ =	sdelay $0x4  }
0x6a: {  	s2 =	simm.s32 $0x0;
	s18 =	rddreg [dreg:$0xf];
	s13 =	simm.s32 $0x1E800;
	[tilespmem:v18+s3+$0x0] =	vst.idx.add.f32.msk $0xffff, v19  }
0x6b: {  	[tilespmem:s13], [sflag:$0x4] =	stream.linear.gather [hbm4b:s18+s2], $0x7D0, $0x38;
	[tilespmem:$0x1F800] =	vst v63  }
0x6c: {  	_ =	swait.ge [sflag:s6], $0x7D0  }
0x6d: {  	[sflag:s6] =	ssyncset.done $0x0  }
0x6e: {  	s29 =	simm.s32 $0x1F000;
	s26 =	rddreg [dreg:$0x10];
	[sflag:s6] =	ssyncadd.s32 $0xFFFFF830  }
0x6f: {  	[tilespmem:s29], [sflag:$0x4] =	stream.linear.gather [hbm4b:s26+s2], $0x7D0, $0x38;
	[tilespmem:$0x1F800] =	vst v63  }
0x70: {  	_ =	swait.ge [sflag:s6], $0x7D0  }
0x71: {  	[sflag:s6] =	ssyncset.done $0x0  }
0x72: {  	s5 =	simm.s32 $0x0;
	s2 =	simm.s32 $0x40;
	[sflag:s6] =	ssyncadd.s32 $0xFFFFF830  }
.LBB2_11:
0x73: {  	p1 =	sne.s32 s2, $0x1F00;
	v18 =	vld [tilespmem:s5+$0x1F000];
	_ =	sdelay $0x2  }
0x74: {  	v19 =	vld [tilespmem:s5+$0x1E800]  }
.Ltmp7:
0x75: {  	(pc) =	sbr.rel @p1 .LBB2_11-.Ltmp7, $2  }
0x76: {  	_ =	sdelay $0x2  }
0x77: {  	s5 =	sshra.s32 s2, $0x2;
	s2 =	sadd.s32 $0x40, s2;
	[tilespmem:v18+s3+$0x0] =	vst.idx.add.f32.msk $0xffff, v19  }
0x78: {  	v18 =	vld [tilespmem:s5+$0x1F000];
	_ =	sdelay $0x2  }
0x79: {  	v19 =	vld [tilespmem:s5+$0x1E800];
	_ =	sdelay $0x4  }
0x7a: {  	s2 =	simm.s32 $0x0;
	s18 =	rddreg [dreg:$0x11];
	s13 =	simm.s32 $0x1E800;
	[tilespmem:v18+s3+$0x0] =	vst.idx.add.f32.msk $0xffff, v19  }
0x7b: {  	[tilespmem:s13], [sflag:$0x4] =	stream.linear.gather [hbm4b:s18+s2], $0x7D0, $0x38;
	[tilespmem:$0x1F800] =	vst v63  }
0x7c: {  	_ =	swait.ge [sflag:s6], $0x7D0  }
0x7d: {  	[sflag:s6] =	ssyncset.done $0x0  }
0x7e: {  	s29 =	simm.s32 $0x1F000;
	s26 =	rddreg [dreg:$0x12];
	[sflag:s6] =	ssyncadd.s32 $0xFFFFF830  }
0x7f: {  	[tilespmem:s29], [sflag:$0x4] =	stream.linear.gather [hbm4b:s26+s2], $0x7D0, $0x38;
	[tilespmem:$0x1F800] =	vst v63  }
0x80: {  	_ =	swait.ge [sflag:s6], $0x7D0  }
0x81: {  	[sflag:s6] =	ssyncset.done $0x0  }
0x82: {  	s5 =	simm.s32 $0x0;
	s2 =	simm.s32 $0x40;
	[sflag:s6] =	ssyncadd.s32 $0xFFFFF830  }
.LBB2_13:
0x83: {  	p1 =	sne.s32 s2, $0x1F00;
	v18 =	vld [tilespmem:s5+$0x1F000];
	_ =	sdelay $0x2  }
0x84: {  	v19 =	vld [tilespmem:s5+$0x1E800]  }
.Ltmp8:
0x85: {  	(pc) =	sbr.rel @p1 .LBB2_13-.Ltmp8, $2  }
0x86: {  	_ =	sdelay $0x2  }
0x87: {  	s5 =	sshra.s32 s2, $0x2;
	s2 =	sadd.s32 $0x40, s2;
	[tilespmem:v18+s3+$0x0] =	vst.idx.add.f32.msk $0xffff, v19  }
0x88: {  	v18 =	vld [tilespmem:s5+$0x1F000];
	_ =	sdelay $0x2  }
0x89: {  	v19 =	vld [tilespmem:s5+$0x1E800];
	_ =	sdelay $0x4  }
0x8a: {  	s2 =	simm.s32 $0x0;
	s18 =	rddreg [dreg:$0x13];
	s13 =	simm.s32 $0x1E800;
	[tilespmem:v18+s3+$0x0] =	vst.idx.add.f32.msk $0xffff, v19  }
0x8b: {  	[tilespmem:s13], [sflag:$0x4] =	stream.linear.gather [hbm4b:s18+s2], $0x7D0, $0x38;
	[tilespmem:$0x1F800] =	vst v63  }
0x8c: {  	_ =	swait.ge [sflag:s6], $0x7D0  }
0x8d: {  	[sflag:s6] =	ssyncset.done $0x0  }
0x8e: {  	s29 =	simm.s32 $0x1F000;
	s26 =	rddreg [dreg:$0x14];
	[sflag:s6] =	ssyncadd.s32 $0xFFFFF830  }
0x8f: {  	[tilespmem:s29], [sflag:$0x4] =	stream.linear.gather [hbm4b:s26+s2], $0x7D0, $0x38;
	[tilespmem:$0x1F800] =	vst v63  }
0x90: {  	_ =	swait.ge [sflag:s6], $0x7D0  }
0x91: {  	[sflag:s6] =	ssyncset.done $0x0  }
0x92: {  	s5 =	simm.s32 $0x0;
	s2 =	simm.s32 $0x40;
	[sflag:s6] =	ssyncadd.s32 $0xFFFFF830  }
.LBB2_15:
0x93: {  	p1 =	sne.s32 s2, $0x1F00;
	v18 =	vld [tilespmem:s5+$0x1F000];
	_ =	sdelay $0x2  }
0x94: {  	v19 =	vld [tilespmem:s5+$0x1E800]  }
.Ltmp9:
0x95: {  	(pc) =	sbr.rel @p1 .LBB2_15-.Ltmp9, $2  }
0x96: {  	_ =	sdelay $0x2  }
0x97: {  	s5 =	sshra.s32 s2, $0x2;
	s2 =	sadd.s32 $0x40, s2;
	[tilespmem:v18+s3+$0x0] =	vst.idx.add.f32.msk $0xffff, v19  }
0x98: {  	v18 =	vld [tilespmem:s5+$0x1F000];
	_ =	sdelay $0x2  }
0x99: {  	v19 =	vld [tilespmem:s5+$0x1E800];
	_ =	sdelay $0x4  }
0x9a: {  	s2 =	rddreg [dreg:$0x5];
	[tilespmem:v18+s3+$0x0] =	vst.idx.add.f32.msk $0xffff, v19  }
0x9b: {  	[hbm4b:s2+s7] =	stream.linear.scatter [tilespmem:s3], [sflag:$0x4], $0x2710, $0x38;
	[tilespmem:$0x1F800] =	vst v63  }
0x9c: {  	_ =	swait.ge [sflag:s6], $0x2710  }
0x9d: {  	[sflag:s6] =	ssyncset.done $0x0  }
0x9e: {  	[sflag:s6] =	ssyncadd.s32 $0xFFFFD8F0  }
.LBB2_17:
0x9f: {  	s29 =	simm.s32 $0x0;
	s2 =	rddreg [dreg:$0x7]  }
0xa0: {  	[tilespmem:s4], [sflag:$0x1] =	stream.linear.gather [hbm4b:s2+s29], $0xC00, $0x38;
	[tilespmem:$0x1F800] =	vst v63  }
0xa1: {  	_ =	swait.ge [sflag:s23], $0xC00  }
0xa2: {  	[sflag:s23] =	ssyncset.done $0x0  }
0xa3: {  	s5 =	simm.s32 $0x11800;
	s26 =	rddreg [dreg:$0x8];
	[sflag:s23] =	ssyncadd.s32 $0xFFFFF400  }
0xa4: {  	[tilespmem:s5], [sflag:$0x1] =	stream.linear.gather [hbm4b:s26+s29], $0xC00, $0x38;
	[tilespmem:$0x1F800] =	vst v63  }
0xa5: {  	_ =	swait.ge [sflag:s23], $0xC00  }
0xa6: {  	[sflag:s23] =	ssyncset.done $0x0  }
0xa7: {  	s13 =	simm.s32 $0x13000;
	s5 =	rddreg [dreg:$0x9];
	[sflag:s23] =	ssyncadd.s32 $0xFFFFF400  }
0xa8: {  	[tilespmem:s13], [sflag:$0x1] =	stream.linear.gather [hbm4b:s5+s29], $0xC00, $0x38;
	[tilespmem:$0x1F800] =	vst v63  }
0xa9: {  	_ =	swait.ge [sflag:s23], $0xC00  }
0xaa: {  	[sflag:s23] =	ssyncset.done $0x0  }
0xab: {  	s15 =	simm.s32 $0x10C00;
	s14 =	rddreg [dreg:$0xa];
	[sflag:s23] =	ssyncadd.s32 $0xFFFFF400  }
0xac: {  	[tilespmem:s15], [sflag:$0x3] =	stream.linear.gather [hbm4b:s14+s29], $0xC00, $0x38;
	[tilespmem:$0x1F800] =	vst v63  }
0xad: {  	s17 =	simm.s32 $0x12400;
	s16 =	rddreg [dreg:$0xb]  }
0xae: {  	[tilespmem:s17], [sflag:$0x3] =	stream.linear.gather [hbm4b:s16+s29], $0xC00, $0x38;
	[tilespmem:$0x1F800] =	vst v63  }
0xaf: {  	s26 =	simm.s32 $0x13C00;
	s18 =	rddreg [dreg:$0xc]  }
0xb0: {  	[tilespmem:s26], [sflag:$0x3] =	stream.linear.gather [hbm4b:s18+s29], $0xC00, $0x38;
	[tilespmem:$0x1F800] =	vst v63  }
.Ltmp10:
0xb1: {  	_ = 	snop;
	(pc) =	sbr.rel .LBB2_18-.Ltmp10, $4  }
0xb2: {  	_ = 	snop  }
0xb3: {  	[tilespmem:s29], [sflag:$0x1] =	stream.linear.gather [hbm4b:s19+s29], $0x4000, $0x38;
	[tilespmem:$0x1F800] =	vst v63  }
0xb4: {  	_ = 	snop  }
0xb5: {  	[tilespmem:s31], [sflag:$0x1] =	stream.indirect.gather [hbm4b:s10+s30], $0x80, s4, s30, $0xb8;
	[tilespmem:$0x1F800] =	vst v63  }
.LBB2_28:
0xb6: {  	s29 =	sadd.s32 $0x1, s29  }
0xb7: {  	p1 =	sne.s32 s29, s20  }
.Ltmp11:
0xb8: {  	_ = 	snop;
	(pc) =	sbr.rel @!p1 .LBB2_29-.Ltmp11, $1  }
0xb9: {  	_ =	sdelay $0x3  }
.LBB2_18:
0xba: {  	s26 =	sshllo.u32 s29, $0x1;
	s5 =	smulhi.u32 $0xAAAAAAAB, s29  }
0xbb: {  	s2 =	sshll.u32 s29, $0x1;
	p1 =	sge.u32 s26, s12  }
0xbc: {  	s5 =	sshrl.u32 s5, $0x3;
	s13 =	sshra.s32 @!p1 s2, $0x1F  }
0xbd: {  	s13 =	sadd.s32 @!p1 s13, s5  }
0xbe: {  	s14 =	smul.u32 @!p1 $0x18, s13;
	_ =	sdelay $0x1  }
0xbf: {  	s15 =	sadd.s32 @!p1 s11, s14  }
0xc0: {  	s16 =	sadd.s32 @!p1 s11, s26;
	s17 =	sshll.u32 @!p1 s15, $0x7  }
0xc1: {  	s16 =	sshll.u32 @!p1 s16, $0xB;
	p2 =	slt.s32 @!p1 s17, $0x74700  }
0xc2: {  	s13 =	sand.u32 @!p1 $0x1, s13;
	s15 =	smov.u32 s17;
	p2 =	por !p2, p1  }
0xc3: {  	s15 =	simm.s32 @p2 $0x74700;
	p2 =	seq.s32 @!p1 s13, $0x1;
	s13 =	sand.u32 @!p1 $0x1FFFF800, s16  }
0xc4: {  	s18 =	simm.s32 @!p1 $0x4000;
	s16 =	simm.s32 @!p1 $0x0;
	s13 =	sadd.s32 @!p1 s0, s13  }
0xc5: {  	[tilespmem:s18], [sflag:$0x2] =	stream.linear.gather @!p1 [hbm4b:s13+s16], $0x4000, $0x38;
	[tilespmem:$0x1F800] =	vst v63  }
0xc6: {  	s14 =	ssub.s32 @!p1 s26, s14;
	p2 =	por !p2, p1;
	s13 =	simm.s32 @!p1 $0xC00  }
0xc7: {  	s14 =	sshll.u32 @!p1 s14, $0x9;
	s15 =	ssub.s32 @!p1 s17, s15;
	s13 =	simm.s32 @p2 $0x0  }
0xc8: {  	s14 =	sshra.s32 @!p1 s14, $0x2;
	s13 =	sadd.s32 @!p1 s15, s13  }
0xc9: {  	s17 =	sand.u32 $0x1, s5;
	s16 =	smul.u32 $0x18, s5;
	s13 =	sadd.s32 @!p1 s14, s13  }
0xca: {  	s15 =	simm.s32 @!p1 $0xC000;
	s14 =	simm.s32 @!p1 $0x80;
	s13 =	sadd.s32 @!p1 $0x10000, s13  }
0xcb: {  	[tilespmem:s15], [sflag:$0x2] =	stream.indirect.gather @!p1 [hbm4b:s10+s14], $0x80, s13, s14, $0xb8;
	[tilespmem:$0x1F800] =	vst v63  }
0xcc: {  	p2 =	seq.s32 s17, $0x1;
	s18 =	sadd.s32 s11, s16;
	s14 =	simm.s32 $0xC00  }
0xcd: {  	s15 =	sshll.u32 s18, $0x7;
	s13 =	ssub.s32 s2, s16;
	_ =	swait.ge [sflag:s23], $0x4000  }
0xce: {  	s14 =	simm.s32 @!p2 $0x0;
	p2 =	slt.s32 s15, $0x74700;
	[sflag:s23] =	ssyncset.done $0x0  }
0xcf: {  	s13 =	sshll.u32 s13, $0x7;
	s14 =	sadd.s32 s14, s15;
	[sflag:s23] =	ssyncadd.s32 $0xFFFFC000  }
0xd0: {  	s15 =	simm.s32 @!p2 $0x74700;
	s13 =	sadd.s32 s13, s14;
	_ =	swait.ge [sflag:s23], $0x4000  }
0xd1: {  	s13 =	ssub.s32 s13, s15;
	[sflag:s23] =	ssyncset.done $0x0  }
0xd2: {  	v18 =	vmov s13;
	s13 =	simm.s32 $0x0;
	[sflag:s23] =	ssyncadd.s32 $0xFFFFC000  }
.LBB2_19:
0xd3: {  	v0 =	vld [tilespmem:$0x1FF60];
	_ =	sdelay $0x1  }
0xd4: {  	s14 =	sshll.u32 s13, $0x4  }
0xd5: {  	v19 =	vmov s14  }
0xd6: {  	v19 =	vshll.u32 v19, $0x7  }
0xd7: {  	v35 =	vor.u32 v0, v19;
	v0 =	vld [tilespmem:$0x1FFE0];
	_ =	sdelay $0x4  }
0xd8: {  	v23 =	vor.u32 v0, v35;
	v0 =	vld [tilespmem:$0x1FF90];
	_ =	sdelay $0x4  }
0xd9: {  	v24 =	vor.u32 v0, v35;
	v0 =	vld [tilespmem:$0x1FFD0];
	_ =	sdelay $0x1  }
0xda: {  	s15 =	simm.s32 $0x0  }
0xdb: {  	v29 =	vor.u32 s15, v23;
	_ =	sdelay $0x1  }
0xdc: {  	v27 =	vor.u32 v0, v35;
	v0 =	vld [tilespmem:$0x1FF80];
	_ =	sdelay $0x1  }
0xdd: {  	v26 =	vor.u32 v12, v35  }
0xde: {  	v32 =	vor.u32 s15, v26;
	v41 =	vld.idx.msk [tilespmem:v29+s7+$0x0], $0xffff  }
0xdf: {  	v44 =	vld.idx.msk [tilespmem:v29+s31+$0x0], $0xffff  }
0xe0: {  	v21 =	vor.u32 v17, v35;
	v29 =	vor.u32 v0, v35;
	v0 =	vld [tilespmem:$0x1FFF0]  }
0xe1: {  	v19 =	vor.u32 s15, v21  }
0xe2: {  	v33 =	vor.u32 s15, v27  }
0xe3: {  	v51 =	vld.idx.msk [tilespmem:v32+s7+$0x0], $0xffff  }
0xe4: {  	v53 =	vld.idx.msk [tilespmem:v32+s31+$0x0], $0xffff;
	v36 =	vor.u32 s15, v29  }
0xe5: {  	v32 =	vor.u32 v0, v35;
	v0 =	vld [tilespmem:$0x1FFB0]  }
0xe6: {  	v28 =	vld.idx.msk [tilespmem:v19+s7+$0x0], $0xffff  }
0xe7: {  	v57 =	vld.idx.msk [tilespmem:v33+s7+$0x0], $0xffff  }
0xe8: {  	v30 =	vor.u32 s15, v24;
	v58 =	vld.idx.msk [tilespmem:v33+s31+$0x0], $0xffff  }
0xe9: {  	v54 =	vld.idx.msk [tilespmem:v36+s7+$0x0], $0xffff  }
0xea: {  	v55 =	vld.idx.msk [tilespmem:v36+s31+$0x0], $0xffff;
	v33 =	vor.u32 v0, v35;
	v0 =	vlaneseq.u32  }
0xeb: {  	v22 =	vor.u32 v13, v35;
	v36 =	vor.u32 v0, v35;
	v0 =	vld [tilespmem:$0x1FF70]  }
0xec: {  	v20 =	vor.u32 s15, v22;
	v31 =	vld.idx.msk [tilespmem:v19+s31+$0x0], $0xffff  }
0xed: {  	v25 =	vor.u32 v16, v35;
	v46 =	vld.idx.msk [tilespmem:v30+s7+$0x0], $0xffff  }
0xee: {  	v19 =	vor.u32 s15, v25;
	v50 =	vld.idx.msk [tilespmem:v30+s31+$0x0], $0xffff;
	v30 =	vor.u32 v15, v35  }
0xef: {  	v37 =	vor.u32 s15, v30  }
0xf0: {  	v39 =	vor.u32 v0, v35;
	v0 =	vld [tilespmem:$0x1FFA0]  }
0xf1: {  	v34 =	vld.idx.msk [tilespmem:v20+s7+$0x0], $0xffff;
	v47 =	vor.u32 s15, v32  }
0xf2: {  	v42 =	vld.idx.msk [tilespmem:v20+s31+$0x0], $0xffff  }
0xf3: {  	v20 =	vld.idx.msk [tilespmem:v19+s7+$0x0], $0xffff;
	v48 =	vor.u32 s15, v33  }
0xf4: {  	v38 =	vld.idx.msk [tilespmem:v37+s7+$0x0], $0xffff  }
0xf5: {  	v40 =	vor.u32 v0, v35;
	v0 =	vld [tilespmem:$0x1FFC0]  }
0xf6: {  	v52 =	vld.idx.msk [tilespmem:v47+s7+$0x0], $0xffff;
	v63 =	vor.u32 s15, v39  }
0xf7: {  	v56 =	vld.idx.msk [tilespmem:v47+s31+$0x0], $0xffff  }
0xf8: {  	v45 =	vimm.f32 $0.0e+00;
	v62 =	vor.u32 s15, v36;
	v59 =	vld.idx.msk [tilespmem:v48+s7+$0x0], $0xffff  }
0xf9: {  	v49 =	vimm.f32 $0.0e+00;
	v47 =	vimm.f32 $0.0e+00;
	v60 =	vld.idx.msk [tilespmem:v48+s31+$0x0], $0xffff;
	v48 =	vimm.f32 $0.0e+00  }
0xfa: {  	s16 =	simm.s32 $0x10;
	v43 =	vld.idx.msk [tilespmem:v37+s31+$0x0], $0xffff;
	v61 =	vor.u32 s15, v40;
	v37 =	vor.u32 v0, v35;
	v35 =	vor.u32 v14, v35  }
.LBB2_20:
0xfb: {  	p2 =	sne.s32 s16, $0x70;
	v0 =	vld.idx.msk [tilespmem:v63+s7+$0x0], $0xffff  }
0xfc: {  	v2 =	vor.u32 s15, v37;
	v63 =	vld.idx.msk [tilespmem:v63+s31+$0x0], $0xffff  }
0xfd: {  	v3 =	vld.idx.msk [tilespmem:v62+s7+$0x0], $0xffff  }
0xfe: {  	v4 =	vor.u32 s15, v35;
	s15 =	smov.u32 s16;
	v62 =	vld.idx.msk [tilespmem:v62+s31+$0x0], $0xffff  }
0xff: {  	v5 =	vld.idx.msk [tilespmem:v61+s7+$0x0], $0xffff  }
0x100: {  	v6 =	vor.u32 s16, v21;
	v61 =	vld.idx.msk [tilespmem:v61+s31+$0x0], $0xffff  }
0x101: {  	v7 =	vor.u32 s16, v22;
	v9 =	vmul.f32 v42, v34;
	v10 =	vmul.f32 v31, v28;
	v8 =	vld.idx.msk [tilespmem:v2+s7+$0x0], $0xffff  }
0x102: {  	v11 =	vor.u32 s16, v23;
	v34 =	vmul.f32 v50, v46;
	v41 =	vmul.f32 v44, v41;
	v2 =	vld.idx.msk [tilespmem:v2+s31+$0x0], $0xffff  }
0x103: {  	v50 =	vor.u32 s16, v24;
	v44 =	vmul.f32 v58, v57;
	v46 =	vmul.f32 v53, v51;
	v51 =	vld.idx.msk [tilespmem:v4+s7+$0x0], $0xffff  }
0x104: {  	v28 =	vor.u32 s16, v25;
	v0 =	vmul.f32 v63, v0;
	v3 =	vmul.f32 v62, v3;
	v4 =	vld.idx.msk [tilespmem:v4+s31+$0x0], $0xffff  }
0x105: {  	v53 =	vor.u32 s16, v26;
	v42 =	vmul.f32 v55, v54;
	v54 =	vmul.f32 v60, v59;
	v55 =	vld.idx.msk [tilespmem:v19+s31+$0x0], $0xffff;
	v19 =	vmovc v28  }
0x106: {  	v0 =	vadd.f32 v0, v49;
	v3 =	vadd.f32 v3, v45;
	v5 =	vmul.f32 v61, v5;
	v28 =	vld.idx.msk [tilespmem:v6+s7+$0x0], $0xffff  }
0x107: {  	v45 =	vadd.f32 v34, v48;
	v31 =	vld.idx.msk [tilespmem:v6+s31+$0x0], $0xffff;
	v6 =	vadd.f32 v42, v47;
	v47 =	vmul.f32 v56, v52  }
0x108: {  	v0 =	vadd.f32 v54, v0;
	v3 =	vadd.f32 v5, v3;
	v2 =	vmul.f32 v2, v8;
	v34 =	vld.idx.msk [tilespmem:v7+s7+$0x0], $0xffff  }
0x109: {  	v42 =	vld.idx.msk [tilespmem:v7+s31+$0x0], $0xffff;
	v5 =	vadd.f32 v44, v6;
	v6 =	vadd.f32 v41, v45;
	v7 =	vmul.f32 v43, v38  }
0x10a: {  	v2 =	vadd.f32 v2, v3;
	v0 =	vadd.f32 v47, v0;
	v3 =	vmul.f32 v4, v51;
	v41 =	vld.idx.msk [tilespmem:v11+s7+$0x0], $0xffff  }
0x10b: {  	v44 =	vld.idx.msk [tilespmem:v11+s31+$0x0], $0xffff;
	v4 =	vadd.f32 v46, v5;
	v5 =	vadd.f32 v9, v6;
	v6 =	vmul.f32 v55, v20  }
0x10c: {  	v8 =	vor.u32 s16, v27;
	v45 =	vadd.f32 v3, v2;
	v49 =	vadd.f32 v7, v0;
	v46 =	vld.idx.msk [tilespmem:v50+s7+$0x0], $0xffff  }
0x10d: {  	v50 =	vld.idx.msk [tilespmem:v50+s31+$0x0], $0xffff;
	v47 =	vadd.f32 v6, v4;
	v48 =	vadd.f32 v10, v5  }
0x10e: {  	v0 =	vor.u32 s16, v29;
	v20 =	vld.idx.msk [tilespmem:v19+s7+$0x0], $0xffff  }
0x10f: {  	v51 =	vld.idx.msk [tilespmem:v53+s7+$0x0], $0xffff  }
0x110: {  	v2 =	vor.u32 s16, v30;
	v53 =	vld.idx.msk [tilespmem:v53+s31+$0x0], $0xffff  }
0x111: {  	v57 =	vld.idx.msk [tilespmem:v8+s7+$0x0], $0xffff  }
0x112: {  	v3 =	vor.u32 s16, v32;
	v58 =	vld.idx.msk [tilespmem:v8+s31+$0x0], $0xffff  }
0x113: {  	v54 =	vld.idx.msk [tilespmem:v0+s7+$0x0], $0xffff  }
0x114: {  	v55 =	vld.idx.msk [tilespmem:v0+s31+$0x0], $0xffff;
	v0 =	vor.u32 s16, v33  }
0x115: {  	v38 =	vld.idx.msk [tilespmem:v2+s7+$0x0], $0xffff  }
.Ltmp12:
0x116: {  	v63 =	vor.u32 s16, v39;
	v43 =	vld.idx.msk [tilespmem:v2+s31+$0x0], $0xffff;
	(pc) =	sbr.rel @p2 .LBB2_20-.Ltmp12, $4  }
0x117: {  	v52 =	vld.idx.msk [tilespmem:v3+s7+$0x0], $0xffff  }
0x118: {  	v62 =	vor.u32 s16, v36;
	v56 =	vld.idx.msk [tilespmem:v3+s31+$0x0], $0xffff  }
0x119: {  	v59 =	vld.idx.msk [tilespmem:v0+s7+$0x0], $0xffff  }
0x11a: {  	v61 =	vor.u32 s15, v40;
	s16 =	sadd.s32 $0x10, s16;
	v60 =	vld.idx.msk [tilespmem:v0+s31+$0x0], $0xffff  }
0x11b: {  	_ =	sdelay $0x3  }
0x11c: {  	v0 =	vld.idx.msk [tilespmem:v63+s7+$0x0], $0xffff  }
0x11d: {  	v2 =	vld.idx.msk [tilespmem:v63+s31+$0x0], $0xffff;
	v3 =	vor.u32 s15, v37  }
0x11e: {  	v4 =	vld.idx.msk [tilespmem:v62+s7+$0x0], $0xffff  }
0x11f: {  	v5 =	vld.idx.msk [tilespmem:v62+s31+$0x0], $0xffff;
	v6 =	vor.u32 s15, v35  }
0x120: {  	v7 =	vld.idx.msk [tilespmem:v61+s7+$0x0], $0xffff  }
0x121: {  	v8 =	vld.idx.msk [tilespmem:v61+s31+$0x0], $0xffff;
	v9 =	vmul.f32 v42, v34  }
0x122: {  	v10 =	vmul.f32 v31, v28;
	v21 =	vmul.f32 v50, v46;
	v11 =	vld.idx.msk [tilespmem:v3+s7+$0x0], $0xffff  }
0x123: {  	v22 =	vmul.f32 v44, v41;
	v23 =	vmul.f32 v58, v57;
	v3 =	vld.idx.msk [tilespmem:v3+s31+$0x0], $0xffff  }
0x124: {  	v24 =	vmul.f32 v53, v51;
	v25 =	vld.idx.msk [tilespmem:v6+s7+$0x0], $0xffff;
	v4 =	vmul.f32 v5, v4  }
0x125: {  	v53 =	vmul.f32 v55, v54;
	v55 =	vadd.f32 v21, v48;
	v0 =	vmul.f32 v2, v0;
	v2 =	vld.idx.msk [tilespmem:v6+s31+$0x0], $0xffff  }
0x126: {  	v19 =	vld.idx.msk [tilespmem:v19+s31+$0x0], $0xffff;
	v57 =	vmul.f32 v56, v52;
	v7 =	vmul.f32 v8, v7;
	v4 =	vadd.f32 v4, v45  }
0x127: {  	v26 =	vld.idx.msk [tilespmem:v18+s14+$0x11800 ss:$0x1], $0xffff;
	v54 =	vmul.f32 v60, v59;
	v5 =	vadd.f32 v53, v47;
	v0 =	vadd.f32 v0, v49  }
0x128: {  	v58 =	vadd.f32 v22, v55;
	v4 =	vadd.f32 v7, v4;
	v3 =	vmul.f32 v3, v11  }
0x129: {  	v59 =	vmul.f32 v43, v38;
	v60 =	vld.idx.msk [tilespmem:v18+s14+$0x13000 ss:$0x1], $0xffff;
	v5 =	vadd.f32 v23, v5;
	v0 =	vadd.f32 v54, v0  }
0x12a: {  	v62 =	vadd.f32 v9, v58;
	v2 =	vmul.f32 v2, v25;
	v3 =	vadd.f32 v3, v4  }
0x12b: {  	v63 =	vmul.f32 v19, v20;
	v61 =	vadd.f32 v24, v5;
	v0 =	vadd.f32 v57, v0  }
0x12c: {  	v5 =	vadd.f32 v10, v62;
	v2 =	vadd.f32 v2, v3;
	v3 =	vmul.u32 $0x3, v26  }
0x12d: {  	s13 =	sadd.s32 $0x1, s13;
	v4 =	vadd.f32 v63, v61;
	v0 =	vadd.f32 v59, v0  }
0x12e: {  	p2 =	sne.s32 s13, $0x8;
	v3 =	vadd.s32 v60, v3  }
.Ltmp13:
0x12f: {  	v0 =	vadd.f32 v0, v2;
	v2 =	vadd.f32 v5, v4;
	(pc) =	sbr.rel @p2 .LBB2_19-.Ltmp13, $3  }
0x130: {  	_ = 	snop  }
0x131: {  	v0 =	vadd.f32 v2, v0;
	_ =	sdelay $0x1  }
0x132: {  	[tilespmem:v3+s24+$0x0] =	vst.idx.add.f32.msk $0xffff, v0  }
0x133: {  	s13 =	sadd.s32 $0x2, s2  }
0x134: {  	p2 =	sge.u32 s13, s12  }
0x135: {  	s14 =	smul.u32 @!p2 $0xAAAAAAAB, s13;
	_ =	sdelay $0x1  }
0x136: {  	s15 =	sshll.u32 @!p2 s14, $0x1D;
	s14 =	sshrl.u32 @!p2 s14, $0x3  }
0x137: {  	s14 =	sor.u32 @!p2 s15, s14  }
0x138: {  	p3 =	sgt.u32 @!p2 s14, $0xAAAAAAA  }
0x139: {  	p3 =	por p3, p2  }
0x13a: {  	s14 =	simm.s32 @!p3 $0x3  }
0x13b: {  	s15 =	smulhi.u32 @!p2 $0xAAAAAAAB, s13;
	_ =	swait.ge @!p3 [sflag:s14], $0xC00  }
0x13c: {  	[sflag:s14] =	ssyncset.done @!p3 $0x0  }
0x13d: {  	s15 =	sshrl.u32 @!p2 s15, $0x4;
	[sflag:s14] =	ssyncadd.s32 @!p3 $0xFFFFF400  }
0x13e: {  	s16 =	smul.u32 @!p2 $0x18, s15;
	_ =	swait.ge @!p3 [sflag:s14], $0xC00  }
0x13f: {  	[sflag:s14] =	ssyncset.done @!p3 $0x0  }
0x140: {  	s18 =	sadd.s32 @!p2 s11, s13;
	s17 =	sadd.s32 @!p2 s11, s16;
	[sflag:s14] =	ssyncadd.s32 @!p3 $0xFFFFF400  }
0x141: {  	s18 =	sshll.u32 @!p2 s18, $0xB;
	s17 =	sshll.u32 @!p2 s17, $0x7;
	_ =	swait.ge @!p3 [sflag:s14], $0xC00  }
0x142: {  	s18 =	sand.u32 @!p2 $0x1FFFF800, s18;
	p4 =	slt.s32 @!p2 s17, $0x74700;
	[sflag:s14] =	ssyncset.done @!p3 $0x0  }
0x143: {  	[sflag:s14] =	ssyncadd.s32 @!p3 $0xFFFFF400;
	p3 =	por !p4, p2;
	s14 =	smov.u32 s17  }
0x144: {  	s15 =	sand.u32 @!p2 $0x1, s15;
	s16 =	ssub.s32 @!p2 s13, s16;
	s14 =	simm.s32 @p3 $0x74700  }
0x145: {  	p3 =	seq.s32 @!p2 s15, $0x1;
	s15 =	sadd.s32 @!p2 s0, s18;
	s18 =	simm.s32 @!p2 $0x0  }
0x146: {  	[tilespmem:s18], [sflag:$0x1] =	stream.linear.gather @!p2 [hbm4b:s15+s18], $0x4000, $0x38;
	[tilespmem:$0x1F800] =	vst v63  }
0x147: {  	s16 =	sshll.u32 @!p2 s16, $0x9;
	s15 =	simm.s32 @!p2 $0xC00;
	p3 =	por !p3, p2  }
.Ltmp14:
0x148: {  	s14 =	ssub.s32 @!p2 s17, s14;
	s15 =	simm.s32 @p3 $0x0;
	(pc) =	sbr.rel @p1 .LBB2_28-.Ltmp14, $4  }
0x149: {  	s14 =	sadd.s32 @!p2 s14, s15;
	s15 =	sshra.s32 @!p2 s16, $0x2  }
0x14a: {  	s14 =	sadd.s32 @!p2 s15, s14  }
0x14b: {  	s16 =	simm.s32 @!p2 $0x8000;
	s15 =	simm.s32 @!p2 $0x80;
	s14 =	sadd.s32 @!p2 $0x10000, s14  }
0x14c: {  	[tilespmem:s16], [sflag:$0x1] =	stream.indirect.gather @!p2 [hbm4b:s10+s15], $0x80, s14, s15, $0xb8;
	[tilespmem:$0x1F800] =	vst v63  }
0x14d: {  	s2 =	sshra.s32 s2, $0x1F  }
0x14e: {  	_ =	swait.ge [sflag:s25], $0x4000;
	s2 =	sadd.s32 s2, s5  }
0x14f: {  	[sflag:s25] =	ssyncset.done $0x0;
	s5 =	smul.u32 $0x18, s2  }
0x150: {  	[sflag:s25] =	ssyncadd.s32 $0xFFFFC000;
	s2 =	sand.u32 $0x1, s2  }
0x151: {  	p1 =	seq.s32 s2, $0x1;
	s2 =	simm.s32 $0xC00;
	s14 =	sadd.s32 s11, s5  }
0x152: {  	s2 =	simm.s32 @!p1 $0x0;
	s5 =	ssub.s32 s26, s5;
	s14 =	sshll.u32 s14, $0x7  }
0x153: {  	s5 =	sshll.u32 s5, $0x7;
	p1 =	slt.s32 s14, $0x74700;
	s2 =	sadd.s32 s2, s14  }
0x154: {  	_ =	swait.ge [sflag:s25], $0x4000;
	s14 =	simm.s32 @!p1 $0x74700;
	s2 =	sadd.s32 s5, s2  }
0x155: {  	[sflag:s25] =	ssyncset.done $0x0;
	s5 =	ssub.s32 s2, s14  }
0x156: {  	[sflag:s25] =	ssyncadd.s32 $0xFFFFC000;
	s2 =	simm.s32 $0x0;
	v18 =	vmov s5;
	s5 =	simm.s32 $0x0  }
.LBB2_24:
0x157: {  	v2 =	vld [tilespmem:$0x1FF60]  }
0x158: {  	s26 =	sshll.u32 s5, $0x4  }
0x159: {  	s14 =	sor.u32 $0x80, s26  }
0x15a: {  	v0 =	vmov s14  }
0x15b: {  	v0 =	vshll.u32 v0, $0x7  }
0x15c: {  	v0 =	vor.u32 v2, v0  }
0x15d: {  	v21 =	vor.u32 v17, v0  }
0x15e: {  	v2 =	vor.u32 s2, v21;
	_ =	sdelay $0x4  }
0x15f: {  	v26 =	vor.u32 v12, v0;
	v28 =	vld.idx.msk [tilespmem:v2+s7+$0x0], $0xffff  }
0x160: {  	v31 =	vld.idx.msk [tilespmem:v2+s31+$0x0], $0xffff;
	v2 =	vor.u32 s2, v26  }
0x161: {  	v4 =	vld [tilespmem:$0x1FFE0]  }
0x162: {  	v5 =	vld [tilespmem:$0x1FF90];
	v22 =	vor.u32 v13, v0  }
0x163: {  	v45 =	vld [tilespmem:$0x1FF80];
	v3 =	vor.u32 s2, v22  }
0x164: {  	v47 =	vld [tilespmem:$0x1FFF0]  }
0x165: {  	v30 =	vor.u32 v15, v0;
	v51 =	vld.idx.msk [tilespmem:v2+s7+$0x0], $0xffff  }
0x166: {  	v53 =	vld.idx.msk [tilespmem:v2+s31+$0x0], $0xffff;
	v2 =	vor.u32 s2, v30  }
0x167: {  	v48 =	vld [tilespmem:$0x1FFB0]  }
0x168: {  	v23 =	vor.u32 v4, v0;
	v34 =	vld.idx.msk [tilespmem:v3+s7+$0x0], $0xffff  }
0x169: {  	v4 =	vor.u32 s2, v23;
	v42 =	vld.idx.msk [tilespmem:v3+s31+$0x0], $0xffff  }
0x16a: {  	v24 =	vor.u32 v5, v0;
	v3 =	vld [tilespmem:$0x1FFD0]  }
0x16b: {  	v5 =	vor.u32 s2, v24;
	v38 =	vld.idx.msk [tilespmem:v2+s7+$0x0], $0xffff  }
0x16c: {  	v43 =	vld.idx.msk [tilespmem:v2+s31+$0x0], $0xffff;
	v2 =	vlaneseq.u32  }
0x16d: {  	v25 =	vor.u32 v16, v0;
	v36 =	vor.u32 v2, v0;
	v2 =	vld [tilespmem:$0x1FF70]  }
0x16e: {  	v33 =	vor.u32 v48, v0;
	v19 =	vor.u32 s2, v25;
	v41 =	vld.idx.msk [tilespmem:v4+s7+$0x0], $0xffff  }
0x16f: {  	v49 =	vor.u32 s2, v33;
	v44 =	vld.idx.msk [tilespmem:v4+s31+$0x0], $0xffff;
	v27 =	vor.u32 v3, v0  }
0x170: {  	v46 =	vld.idx.msk [tilespmem:v5+s7+$0x0], $0xffff;
	v3 =	vor.u32 s2, v27  }
0x171: {  	v50 =	vld.idx.msk [tilespmem:v5+s31+$0x0], $0xffff  }
0x172: {  	v39 =	vor.u32 v2, v0;
	v2 =	vld [tilespmem:$0x1FFA0]  }
0x173: {  	v29 =	vor.u32 v45, v0;
	v20 =	vld.idx.msk [tilespmem:v19+s7+$0x0], $0xffff  }
0x174: {  	v4 =	vor.u32 s2, v29;
	v59 =	vld.idx.msk [tilespmem:v49+s7+$0x0], $0xffff  }
0x175: {  	v32 =	vor.u32 v47, v0;
	v57 =	vld.idx.msk [tilespmem:v3+s7+$0x0], $0xffff  }
0x176: {  	v58 =	vld.idx.msk [tilespmem:v3+s31+$0x0], $0xffff;
	v3 =	vor.u32 s2, v32  }
0x177: {  	v40 =	vor.u32 v2, v0;
	v2 =	vld [tilespmem:$0x1FFC0]  }
0x178: {  	v60 =	vld.idx.msk [tilespmem:v49+s31+$0x0], $0xffff;
	v63 =	vor.u32 s2, v39  }
0x179: {  	v54 =	vld.idx.msk [tilespmem:v4+s7+$0x0], $0xffff  }
0x17a: {  	v35 =	vor.u32 v14, v0;
	v55 =	vld.idx.msk [tilespmem:v4+s31+$0x0], $0xffff;
	v62 =	vor.u32 s2, v36  }
0x17b: {  	v45 =	vimm.f32 $0.0e+00;
	v47 =	vimm.f32 $0.0e+00;
	v48 =	vimm.f32 $0.0e+00;
	v52 =	vld.idx.msk [tilespmem:v3+s7+$0x0], $0xffff  }
0x17c: {  	s15 =	simm.s32 $0x10;
	s14 =	simm.s32 $0x0;
	v49 =	vimm.f32 $0.0e+00;
	v56 =	vld.idx.msk [tilespmem:v3+s31+$0x0], $0xffff;
	v61 =	vor.u32 s2, v40;
	v37 =	vor.u32 v2, v0  }
.LBB2_25:
0x17d: {  	p1 =	sne.s32 s15, $0x70;
	v0 =	vld.idx.msk [tilespmem:v63+s7+$0x0], $0xffff  }
0x17e: {  	v3 =	vor.u32 s14, v37;
	v2 =	vld.idx.msk [tilespmem:v63+s31+$0x0], $0xffff  }
0x17f: {  	v4 =	vld.idx.msk [tilespmem:v62+s7+$0x0], $0xffff  }
0x180: {  	v6 =	vor.u32 s14, v35;
	s14 =	smov.u32 s15;
	v5 =	vld.idx.msk [tilespmem:v62+s31+$0x0], $0xffff  }
0x181: {  	v7 =	vld.idx.msk [tilespmem:v61+s7+$0x0], $0xffff  }
0x182: {  	v8 =	vor.u32 s15, v21;
	v9 =	vld.idx.msk [tilespmem:v61+s31+$0x0], $0xffff  }
0x183: {  	v10 =	vor.u32 s15, v22;
	v62 =	vmul.f32 v31, v28;
	v61 =	vmul.f32 v42, v34;
	v11 =	vld.idx.msk [tilespmem:v3+s7+$0x0], $0xffff  }
0x184: {  	v41 =	vmul.f32 v44, v41;
	v63 =	vor.u32 s15, v23;
	v34 =	vmul.f32 v50, v46;
	v3 =	vld.idx.msk [tilespmem:v3+s31+$0x0], $0xffff  }
0x185: {  	v44 =	vmul.f32 v58, v57;
	v50 =	vor.u32 s15, v24;
	v46 =	vmul.f32 v53, v51;
	v51 =	vld.idx.msk [tilespmem:v6+s7+$0x0], $0xffff  }
0x186: {  	v28 =	vor.u32 s15, v25;
	v0 =	vmul.f32 v2, v0;
	v4 =	vmul.f32 v5, v4;
	v2 =	vld.idx.msk [tilespmem:v6+s31+$0x0], $0xffff  }
0x187: {  	v42 =	vmul.f32 v60, v59;
	v5 =	vor.u32 s15, v26;
	v6 =	vmul.f32 v55, v54;
	v53 =	vld.idx.msk [tilespmem:v19+s31+$0x0], $0xffff;
	v19 =	vmovc v28  }
0x188: {  	v0 =	vadd.f32 v0, v49;
	v4 =	vadd.f32 v4, v45;
	v7 =	vmul.f32 v9, v7;
	v28 =	vld.idx.msk [tilespmem:v8+s7+$0x0], $0xffff  }
0x189: {  	v9 =	vmul.f32 v56, v52;
	v6 =	vadd.f32 v6, v47;
	v31 =	vld.idx.msk [tilespmem:v8+s31+$0x0], $0xffff;
	v8 =	vadd.f32 v34, v48  }
0x18a: {  	v0 =	vadd.f32 v42, v0;
	v4 =	vadd.f32 v7, v4;
	v3 =	vmul.f32 v3, v11;
	v34 =	vld.idx.msk [tilespmem:v10+s7+$0x0], $0xffff  }
0x18b: {  	v6 =	vadd.f32 v44, v6;
	v42 =	vld.idx.msk [tilespmem:v10+s31+$0x0], $0xffff;
	v7 =	vadd.f32 v41, v8;
	v8 =	vmul.f32 v43, v38  }
0x18c: {  	v0 =	vadd.f32 v9, v0;
	v3 =	vadd.f32 v3, v4;
	v2 =	vmul.f32 v2, v51;
	v41 =	vld.idx.msk [tilespmem:v63+s7+$0x0], $0xffff  }
0x18d: {  	v4 =	vadd.f32 v46, v6;
	v44 =	vld.idx.msk [tilespmem:v63+s31+$0x0], $0xffff;
	v6 =	vadd.f32 v61, v7;
	v7 =	vmul.f32 v53, v20  }
0x18e: {  	v9 =	vor.u32 s15, v27;
	v45 =	vadd.f32 v2, v3;
	v49 =	vadd.f32 v8, v0;
	v46 =	vld.idx.msk [tilespmem:v50+s7+$0x0], $0xffff  }
0x18f: {  	v50 =	vld.idx.msk [tilespmem:v50+s31+$0x0], $0xffff;
	v47 =	vadd.f32 v7, v4;
	v48 =	vadd.f32 v62, v6  }
0x190: {  	v0 =	vor.u32 s15, v29;
	v20 =	vld.idx.msk [tilespmem:v19+s7+$0x0], $0xffff  }
0x191: {  	v51 =	vld.idx.msk [tilespmem:v5+s7+$0x0], $0xffff  }
0x192: {  	v2 =	vor.u32 s15, v30;
	v53 =	vld.idx.msk [tilespmem:v5+s31+$0x0], $0xffff  }
0x193: {  	v57 =	vld.idx.msk [tilespmem:v9+s7+$0x0], $0xffff  }
0x194: {  	v3 =	vor.u32 s15, v32;
	v58 =	vld.idx.msk [tilespmem:v9+s31+$0x0], $0xffff  }
0x195: {  	v54 =	vld.idx.msk [tilespmem:v0+s7+$0x0], $0xffff  }
0x196: {  	v55 =	vld.idx.msk [tilespmem:v0+s31+$0x0], $0xffff;
	v0 =	vor.u32 s15, v33  }
0x197: {  	v38 =	vld.idx.msk [tilespmem:v2+s7+$0x0], $0xffff  }
.Ltmp15:
0x198: {  	v63 =	vor.u32 s15, v39;
	v43 =	vld.idx.msk [tilespmem:v2+s31+$0x0], $0xffff;
	(pc) =	sbr.rel @p1 .LBB2_25-.Ltmp15, $4  }
0x199: {  	v52 =	vld.idx.msk [tilespmem:v3+s7+$0x0], $0xffff  }
0x19a: {  	v62 =	vor.u32 s15, v36;
	v56 =	vld.idx.msk [tilespmem:v3+s31+$0x0], $0xffff  }
0x19b: {  	v59 =	vld.idx.msk [tilespmem:v0+s7+$0x0], $0xffff  }
0x19c: {  	v61 =	vor.u32 s14, v40;
	s15 =	sadd.s32 $0x10, s15;
	v60 =	vld.idx.msk [tilespmem:v0+s31+$0x0], $0xffff  }
0x19d: {  	_ =	sdelay $0x3  }
0x19e: {  	v0 =	vld.idx.msk [tilespmem:v63+s7+$0x0], $0xffff  }
0x19f: {  	v2 =	vld.idx.msk [tilespmem:v63+s31+$0x0], $0xffff;
	v3 =	vor.u32 s14, v37  }
0x1a0: {  	v4 =	vld.idx.msk [tilespmem:v62+s7+$0x0], $0xffff  }
0x1a1: {  	v5 =	vld.idx.msk [tilespmem:v62+s31+$0x0], $0xffff;
	v6 =	vor.u32 s14, v35  }
0x1a2: {  	v7 =	vld.idx.msk [tilespmem:v61+s7+$0x0], $0xffff  }
0x1a3: {  	v8 =	vld.idx.msk [tilespmem:v61+s31+$0x0], $0xffff;
	v9 =	vmul.f32 v42, v34  }
0x1a4: {  	v10 =	vmul.f32 v31, v28;
	v21 =	vmul.f32 v50, v46;
	v11 =	vld.idx.msk [tilespmem:v3+s7+$0x0], $0xffff  }
0x1a5: {  	v22 =	vmul.f32 v44, v41;
	v23 =	vmul.f32 v58, v57;
	v3 =	vld.idx.msk [tilespmem:v3+s31+$0x0], $0xffff  }
0x1a6: {  	v24 =	vmul.f32 v53, v51;
	v25 =	vld.idx.msk [tilespmem:v6+s7+$0x0], $0xffff;
	v4 =	vmul.f32 v5, v4  }
0x1a7: {  	v53 =	vmul.f32 v55, v54;
	v55 =	vadd.f32 v21, v48;
	v0 =	vmul.f32 v2, v0;
	v2 =	vld.idx.msk [tilespmem:v6+s31+$0x0], $0xffff  }
0x1a8: {  	v19 =	vld.idx.msk [tilespmem:v19+s31+$0x0], $0xffff;
	v57 =	vmul.f32 v56, v52;
	v7 =	vmul.f32 v8, v7;
	v4 =	vadd.f32 v4, v45  }
0x1a9: {  	v26 =	vld.idx.msk [tilespmem:v18+s26+$0x11800 ss:$0x1], $0xffff;
	v54 =	vmul.f32 v60, v59;
	v5 =	vadd.f32 v53, v47;
	v0 =	vadd.f32 v0, v49  }
0x1aa: {  	v58 =	vadd.f32 v22, v55;
	v4 =	vadd.f32 v7, v4;
	v3 =	vmul.f32 v3, v11  }
0x1ab: {  	v59 =	vmul.f32 v43, v38;
	v60 =	vld.idx.msk [tilespmem:v18+s26+$0x13000 ss:$0x1], $0xffff;
	v5 =	vadd.f32 v23, v5;
	v0 =	vadd.f32 v54, v0  }
0x1ac: {  	v62 =	vadd.f32 v9, v58;
	v2 =	vmul.f32 v2, v25;
	v3 =	vadd.f32 v3, v4  }
0x1ad: {  	v63 =	vmul.f32 v19, v20;
	v61 =	vadd.f32 v24, v5;
	v0 =	vadd.f32 v57, v0  }
0x1ae: {  	v5 =	vadd.f32 v10, v62;
	v2 =	vadd.f32 v2, v3;
	v3 =	vmul.u32 $0x3, v26  }
0x1af: {  	s5 =	sadd.s32 $0x1, s5;
	v4 =	vadd.f32 v63, v61;
	v0 =	vadd.f32 v59, v0  }
0x1b0: {  	p1 =	sne.s32 s5, $0x8;
	v3 =	vadd.s32 v60, v3  }
.Ltmp16:
0x1b1: {  	v0 =	vadd.f32 v0, v2;
	v2 =	vadd.f32 v5, v4;
	(pc) =	sbr.rel @p1 .LBB2_24-.Ltmp16, $3  }
0x1b2: {  	_ = 	snop  }
0x1b3: {  	v0 =	vadd.f32 v2, v0;
	_ =	sdelay $0x1  }
0x1b4: {  	[tilespmem:v3+s24+$0x0] =	vst.idx.add.f32.msk $0xffff, v0  }
0x1b5: {  	s2 =	smul.u32 $0xAAAAAAAB, s13;
	_ =	sdelay $0x1  }
0x1b6: {  	s5 =	sshll.u32 s2, $0x1D;
	s2 =	sshrl.u32 s2, $0x3  }
0x1b7: {  	s2 =	sor.u32 s5, s2  }
0x1b8: {  	p2 =	sgt.u32 s2, $0xAAAAAAA  }
0x1b9: {  	p3 =	sgt.u32 @!p2 s29, $0x2E  }
0x1ba: {  	p1 =	por p3, p2  }
0x1bb: {  	s2 =	smulhi.u32 @!p1 $0xAAAAAAAB, s13;
	_ =	sdelay $0x1  }
0x1bc: {  	s2 =	sshrl.u32 @!p1 s2, $0x4  }
0x1bd: {  	s2 =	sadd.s32 @!p1 $0x1, s2  }
0x1be: {  	s5 =	smul.u32 @!p1 $0x18, s2  }
0x1bf: {  	s2 =	sand.u32 @!p1 $0x1, s2  }
0x1c0: {  	p4 =	seq.s32 @!p1 s2, $0x1;
	s2 =	sadd.s32 @!p1 s11, s5  }
0x1c1: {  	p3 =	por @!p2 !p4, p3;
	s2 =	sshll.u32 @!p1 s2, $0x7  }
0x1c2: {  	s5 =	simm.s32 @!p1 $0xC00;
	p2 =	por !p3, p2;
	s2 =	smin.u32 @!p1 s2, $0x74700  }
0x1c3: {  	s5 =	simm.s32 @!p2 $0x0;
	s2 =	sshrl.u32 @!p1 s2, $0x3  }
0x1c4: {  	s15 =	simm.s32 @!p1 $0x0;
	s13 =	sor.u32 @!p1 $0x10000, s5;
	s14 =	sadd.s32 @!p1 s8, s2  }
0x1c5: {  	[tilespmem:s13], [sflag:$0x3] =	stream.linear.gather @!p1 [hbm4b:s14+s15], $0xC00, $0x38;
	[tilespmem:$0x1F800] =	vst v63  }
.Ltmp17:
0x1c6: {  	_ = 	snop;
	(pc) =	sbr.rel .LBB2_28-.Ltmp17, $4  }
0x1c7: {  	s13 =	sadd.s32 @!p1 $0x11800, s5;
	s14 =	sadd.s32 @!p1 s1, s2  }
0x1c8: {  	[tilespmem:s13], [sflag:$0x3] =	stream.linear.gather @!p1 [hbm4b:s14+s15], $0xC00, $0x38;
	[tilespmem:$0x1F800] =	vst v63  }
0x1c9: {  	s5 =	sor.u32 @!p1 $0x13000, s5;
	s2 =	sadd.s32 @!p1 s9, s2  }
0x1ca: {  	[tilespmem:s5], [sflag:$0x3] =	stream.linear.gather @!p1 [hbm4b:s2+s15], $0xC00, $0x38;
	[tilespmem:$0x1F800] =	vst v63  }
.LBB2_30:
0x1cb: {  	_ =	sfence.sel $0x180000  }
0x1cc: {  	[bflag:$0x0] =	sbarrier.arrive $0xFFFF  }
0x1cd: {  	_ =	strace $0x90000047  }
0x1ce: {  	s0 =	stileid.u32;
	[bflag:$0x2] =	sbarrier.arrive $0xFFFF  }
0x1cf: {  	p0 =	sne.s32 s0, $0x0;
	s0 =	rddreg [dreg:$0x6]  }
0x1d0: {  	s0 =	sadd.s32 @!p0 $0x100000, s0  }
0x1d1: {  	[sflag:s0] =	ssyncadd.tile.s32 @!p0 $0x1;
	_ =	shalt  }
.Lfunc_end2:
_tile_overlayer_lowered:
.L_overlay_start_2:
0x1d2: {  	(tag) =	ssettag $0x2  }
0x1d3: {  	s0 =	rddreg [dreg:$0x0];
	s2 =	stileid.u32  }
0x1d4: {  	s1 =	rddreg [dreg:$0x1];
	p0 =	sne.s32 s2, $0x0  }
0x1d5: {  	s3 =	rddreg [dreg:$0x2];
	[bflag:$0x3] =	sbarrier.arrive $0xFFFF;
	s2 =	simm.s32 @!p0 $0x1C04  }
0x1d6: {  	[timem:s3], [sflag:s2] =	dma.local @!p0 [hbm:s0], s1  }
0x1d7: {  	s0 =	simm.s32 @!p0 $0x4  }
0x1d8: {  	_ =	swait.ge @!p0 [sflag:s0], s1  }
0x1d9: {  	s1 =	ssub.s32 @!p0 $0x0, s1;
	[sflag:s0] =	ssyncset.done @!p0 $0x0  }
0x1da: {  	[sflag:s0] =	ssyncadd.s32 @!p0 s1  }
0x1db: {  	[bflag:$0x3] =	sbarrier.arrive $0xFFFF  }
0x1dc: {  	_ =	shalt  }

</sc_bundles>
